<compile_context>
chip_gen: v7x
topology: tpu7x:2x2x1
jax: 0.10.2.dev20260603
libtpu: 0.0.44.dev20260713+nightly
codegen_flags: <defaults>
</compile_context>

<pallas_src>
import functools

import jax
import jax.numpy as jnp
from jax import lax
from jax.experimental import pallas as pl
from jax.experimental.pallas import tpu as pltpu
from jax.experimental.pallas import tpu_sc as plsc

_N = 10000
_D = 128
_OD = 2
_NP = 10240
_NC, _NS = 2, 16
_NW = _NC * _NS
_CH = 128
_E = 320000
_NCH = _E // _CH
_KW = _NCH // _NW
_XW = _NCH - _KW * _NW
_OW = 16
_RB = 512
_RPS = _NP // _NS


def _mesh():
    return plsc.VectorSubcoreMesh(core_axis_name="c", subcore_axis_name="s",
                                  num_cores=_NC, num_subcores=_NS)


def _deg_sc(ei, z1, one):
    @functools.partial(
        pl.kernel,
        out_type=jax.ShapeDtypeStruct((_NC, _NP), jnp.float32),
        mesh=_mesh(),
        scratch_types=[
            pltpu.VMEM((_CH,), jnp.float32),
            pltpu.VMEM((_KW, 2, _CH), jnp.int32),
            pltpu.SemaphoreType.DMA,
            pltpu.VMEM_SHARED((_NP,), jnp.float32),
        ],
    )
    def k(ei_hbm, z_hbm, one_hbm, out_hbm,
          ones_v, idx_v, dsem, deg_sh):
        c = lax.axis_index("c")
        s = lax.axis_index("s")
        w = c * _NS + s

        def echunk(j):
            off = pl.multiple_of((w * _KW + j) * _CH, _CH)
            return ei_hbm.at[:, pl.ds(off, _CH)]

        pltpu.sync_copy(one_hbm, ones_v)
        sl = pl.ds(s * _RPS, _RPS)
        pltpu.sync_copy(z_hbm.at[sl], deg_sh.at[sl])

        def fire(j, carry):
            pltpu.async_copy(echunk(j), idx_v.at[j], dsem)
            return carry

        lax.fori_loop(0, _KW, fire, 0)
        plsc.subcore_barrier()

        def drain(j, carry):
            pltpu.make_async_copy(echunk(j), idx_v.at[j], dsem).wait()
            return carry

        lax.fori_loop(0, _KW, drain, 0)

        def scat(j, carry):
            pltpu.sync_copy(ones_v, deg_sh.at[idx_v.at[j, 1]], add=True)
            return carry

        lax.fori_loop(0, _KW, scat, 0)

        @pl.when(w < _XW)
        def _():
            off = pl.multiple_of((_NW * _KW + w) * _CH, _CH)
            pltpu.sync_copy(ei_hbm.at[:, pl.ds(off, _CH)], idx_v.at[0])
            pltpu.sync_copy(ones_v, deg_sh.at[idx_v.at[0, 1]], add=True)

        plsc.subcore_barrier()
        pltpu.sync_copy(deg_sh.at[sl], out_hbm.at[c, sl])

    return k(ei, z1, one)


def _scatter_sc(ei, feat, zeros, width):
    @functools.partial(
        pl.kernel,
        out_type=(jax.ShapeDtypeStruct((_NP, width), jnp.float32),
                  jax.ShapeDtypeStruct((_NP, width), jnp.float32)),
        mesh=_mesh(),
        compiler_params=pltpu.CompilerParams(
            use_tc_tiling_on_sc=(width == _D)),
        scratch_types=[
            pltpu.VMEM((2, _CH), jnp.int32),
            pltpu.VMEM((2, _CH), jnp.int32),
            pltpu.VMEM((2, _CH), jnp.int32),
            pltpu.VMEM((2, _CH), jnp.int32),
            pltpu.VMEM((_CH, width), jnp.float32),
            pltpu.VMEM((_CH, width), jnp.float32),
            pltpu.SemaphoreType.DMA,
            pltpu.SemaphoreType.DMA,
            pltpu.SemaphoreType.DMA,
            pltpu.SemaphoreType.DMA,
            pltpu.SemaphoreType.DMA,
            pltpu.SemaphoreType.DMA,
            pltpu.VMEM_SHARED((_NP, width), jnp.float32),
        ],
    )
    def k(ei_hbm, feat_hbm, z_hbm, out0_hbm, out1_hbm,
          ib00, ib01, ib10, ib11, rows0_v, rows1_v,
          is00, is01, is10, is11, gsem0, gsem1, acc_sh):
        c = lax.axis_index("c")
        s = lax.axis_index("s")
        w = c * _NS + s

        def echunk(j):
            off = pl.multiple_of((w * _KW + j) * _CH, _CH)
            return ei_hbm.at[:, pl.ds(off, _CH)]

        sl = pl.ds(s * _RPS, _RPS)

        @pl.when(c == 0)
        def _():
            pltpu.sync_copy(feat_hbm.at[sl], acc_sh.at[sl])

        @pl.when(c == 1)
        def _():
            pltpu.sync_copy(z_hbm.at[sl], acc_sh.at[sl])

        plsc.subcore_barrier()

        ibs = ((ib00, ib01), (ib10, ib11))
        iss = ((is00, is01), (is10, is11))
        rows = (rows0_v, rows1_v)
        gsems = (gsem0, gsem1)

        pltpu.async_copy(echunk(0), ib00, is00)
        pltpu.async_copy(echunk(1), ib10, is10)
        pltpu.async_copy(echunk(2), ib01, is01)
        pltpu.async_copy(echunk(3), ib11, is11)
        pltpu.make_async_copy(echunk(0), ib00, is00).wait()
        pltpu.async_copy(feat_hbm.at[ib00.at[0]], rows0_v, gsem0)
        pltpu.make_async_copy(echunk(1), ib10, is10).wait()
        pltpu.async_copy(feat_hbm.at[ib10.at[0]], rows1_v, gsem1)

        def half(jj, p, r):
            j = 2 * jj + p
            ib_a, sem_a = ibs[p][r], iss[p][r]
            ib_b, sem_b = ibs[p][1 - r], iss[p][1 - r]
            pltpu.make_async_copy(feat_hbm.at[ib_a.at[0]], rows[p],
                                  gsems[p]).wait()
            pltpu.sync_copy(rows[p], acc_sh.at[ib_a.at[1]], add=True)

            @pl.when(jj < _KW // 2 - 2)
            def _():
                pltpu.async_copy(echunk(j + 4), ib_a, sem_a)

            @pl.when(jj < _KW // 2 - 1)
            def _():
                pltpu.make_async_copy(echunk(j + 2), ib_b, sem_b).wait()
                pltpu.async_copy(feat_hbm.at[ib_b.at[0]], rows[p], gsems[p])

        def step(m, carry):
            jj0 = 2 * m
            half(jj0, 0, 0)
            half(jj0, 1, 0)
            half(jj0 + 1, 0, 1)
            half(jj0 + 1, 1, 1)
            return carry

        lax.fori_loop(0, _KW // 4, step, 0)
        for jj in range(2 * (_KW // 4), _KW // 2):
            half(jj, 0, jj % 2)
            half(jj, 1, jj % 2)

        @pl.when(w < _XW)
        def _():
            off = pl.multiple_of((_NW * _KW + w) * _CH, _CH)
            pltpu.sync_copy(ei_hbm.at[:, pl.ds(off, _CH)], ib00)
            pltpu.async_copy(feat_hbm.at[ib00.at[0]], rows0_v, gsem0).wait()
            pltpu.sync_copy(rows0_v, acc_sh.at[ib00.at[1]], add=True)

        plsc.subcore_barrier()

        @pl.when(c == 0)
        def _():
            pltpu.sync_copy(acc_sh.at[sl], out0_hbm.at[sl])

        @pl.when(c == 1)
        def _():
            pltpu.sync_copy(acc_sh.at[sl], out1_hbm.at[sl])

    return k(ei, feat, zeros)


def _mm_scale_tc(xp, W1, degT):
    def body(x_ref, w_ref, deg_ref, hs_ref):
        h = jnp.dot(x_ref[...], w_ref[...], preferred_element_type=jnp.float32)
        dsum = deg_ref[:, 0:1] + deg_ref[:, 1:2]
        hs_ref[...] = h * lax.rsqrt(dsum + 1.0)

    return pl.pallas_call(
        body,
        grid=(_NP // _RB,),
        in_specs=[
            pl.BlockSpec((_RB, _D), lambda i: (i, 0)),
            pl.BlockSpec((_D, _D), lambda i: (0, 0)),
            pl.BlockSpec((_RB, _NC), lambda i: (i, 0)),
        ],
        out_specs=pl.BlockSpec((_RB, _D), lambda i: (i, 0)),
        out_shape=jax.ShapeDtypeStruct((_NP, _D), jnp.float32),
    )(xp, W1, degT)


def _layer2_tc(p0, p1, degT, W2p, b1r):
    def body(p0_ref, p1_ref, deg_ref, w2_ref, b1_ref, qs_ref):
        dsum = deg_ref[:, 0:1] + deg_ref[:, 1:2]
        dinv = lax.rsqrt(dsum + 1.0)
        pre = (p0_ref[...] + p1_ref[...]) * dinv + b1_ref[...]
        xb1 = jnp.maximum(pre, 0.0)
        q = jnp.dot(xb1, w2_ref[...], preferred_element_type=jnp.float32)
        qs_ref[...] = q * dinv

    return pl.pallas_call(
        body,
        grid=(_NP // _RB,),
        in_specs=[
            pl.BlockSpec((_RB, _D), lambda i: (i, 0)),
            pl.BlockSpec((_RB, _D), lambda i: (i, 0)),
            pl.BlockSpec((_RB, _NC), lambda i: (i, 0)),
            pl.BlockSpec((_D, _OW), lambda i: (0, 0)),
            pl.BlockSpec((1, _D), lambda i: (0, 0)),
        ],
        out_specs=pl.BlockSpec((_RB, _OW), lambda i: (i, 0)),
        out_shape=jax.ShapeDtypeStruct((_NP, _OW), jnp.float32),
    )(p0, p1, degT, W2p, b1r)


def _final_tc(q0, q1, degT, b2r):
    fb = 400

    def body(q0_ref, q1_ref, deg_ref, b2_ref, out_ref):
        dsum = deg_ref[:, 0:1] + deg_ref[:, 1:2]
        dinv = lax.rsqrt(dsum + 1.0)
        r = (q0_ref[...] + q1_ref[...]) * dinv + b2_ref[...]
        out_ref[...] = r[:, :_OD]

    return pl.pallas_call(
        body,
        grid=(_N // fb,),
        in_specs=[
            pl.BlockSpec((fb, _OW), lambda i: (i, 0)),
            pl.BlockSpec((fb, _OW), lambda i: (i, 0)),
            pl.BlockSpec((fb, _NC), lambda i: (i, 0)),
            pl.BlockSpec((1, _OW), lambda i: (0, 0)),
        ],
        out_specs=pl.BlockSpec((fb, _OD), lambda i: (i, 0)),
        out_shape=jax.ShapeDtypeStruct((_N, _OD), jnp.float32),
    )(q0, q1, degT, b2r)


def kernel(x, edge_index, W1, b1, W2, b2):
    ei = edge_index.astype(jnp.int32)
    xp = jnp.zeros((_NP, _D), jnp.float32).at[:_N].set(x)
    z1 = jnp.zeros((_NP,), jnp.float32)
    zD = jnp.zeros((_NP, _D), jnp.float32)
    zO = jnp.zeros((_NP, _OW), jnp.float32)
    one = jnp.ones((_CH,), jnp.float32)
    W2p = jnp.zeros((_D, _OW), jnp.float32).at[:, :_OD].set(W2)
    b1r = b1.reshape(1, _D)
    b2r = jnp.zeros((1, _OW), jnp.float32).at[0, :_OD].set(b2)

    degs = _deg_sc(ei, z1, one)
    degT = degs.T
    hs = _mm_scale_tc(xp, W1, degT)
    p0, p1 = _scatter_sc(ei, hs, zD, _D)
    qs = _layer2_tc(p0, p1, degT, W2p, b1r)
    q0, q1 = _scatter_sc(ei, qs, zO, _OW)
    return _final_tc(q0, q1, degT, b2r)

# --- scband reference (transcript-rebuilt; emitter-appended) ---
"""Pipeline reference for scband-bot-detect-48309792145898 (READ-ONLY COPY).

The authoritative reference and input builder live on the scoring server;
editing this copy changes nothing except your own understanding.
"""

import jax, jax.numpy as jnp
import numpy as np

N_NODES = 10000
IN_DIM = 128
H_DIM = 128
OUT_DIM = 2
N_EDGES = 320000


def gcn_conv(x, edge_index, W, b):
    # GCNConv with added self-loops and symmetric normalization (PyG defaults)
    num_nodes = x.shape[0]
    loop = jnp.arange(num_nodes, dtype=edge_index.dtype)
    src = jnp.concatenate([edge_index[0], loop])
    dst = jnp.concatenate([edge_index[1], loop])
    h = x @ W
    ones = jnp.ones(src.shape[0], dtype=x.dtype)
    deg = jnp.zeros(num_nodes, dtype=x.dtype).at[dst].add(ones)
    dinv = jnp.where(deg > 0, deg ** -0.5, 0.0)
    norm = dinv[src] * dinv[dst]
    msg = h[src] * norm[:, None]
    out = jnp.zeros((num_nodes, h.shape[1]), dtype=x.dtype).at[dst].add(msg)
    return out + b


def setup_inputs(seed: int = 0) -> dict:
    key = jax.random.key(seed)
    k1, k2, k3, k4 = jax.random.split(key, 4)
    x = jax.random.normal(k1, (N_NODES, IN_DIM), dtype=jnp.float32)
    edge_index = jax.random.randint(k2, (2, N_EDGES), 0, N_NODES, dtype=jnp.int64)
    W1 = jax.random.normal(k3, (IN_DIM, H_DIM), dtype=jnp.float32) * (1.0 / np.sqrt(IN_DIM))
    b1 = jnp.zeros((H_DIM,), dtype=jnp.float32)
    W2 = jax.random.normal(k4, (H_DIM, OUT_DIM), dtype=jnp.float32) * (1.0 / np.sqrt(H_DIM))
    b2 = jnp.zeros((OUT_DIM,), dtype=jnp.float32)
    return {"x": x, "edge_index": edge_index, "W1": W1, "b1": b1, "W2": W2, "b2": b2}


def reference(x, edge_index, W1, b1, W2, b2):
    # eval mode: dropout(p=0.5, training=False) is identity
    xB1 = jax.nn.relu(gcn_conv(x, edge_index, W1, b1))
    xB2 = gcn_conv(xB1, edge_index, W2, b2)
    return xB2

if __name__ == "__main__":
    import jax
    _d = setup_inputs()
    print(jax.jit(kernel)(*tuple(_d.values())))

</pallas_src>

<mosaic_0001>
#map = affine_map<(d0, d1) -> (0, 0)>
#map1 = affine_map<(d0, d1) -> (0)>
module attributes {stable_mosaic.version = 14 : i64} {
  func.func @k(%arg0: i32, %arg1: i32, %arg2: memref<2x320000xi32, #tpu.memory_space<hbm>>, %arg3: memref<10240xf32, #tpu.memory_space<hbm>>, %arg4: memref<128xf32, #tpu.memory_space<hbm>>, %arg5: memref<2x10240xf32, #tpu.memory_space<hbm>>, %arg6: memref<128xf32, #tpu.memory_space<vmem>>, %arg7: memref<78x2x128xi32, #tpu.memory_space<vmem>>, %arg8: memref<!tpu.dma_semaphore, #tpu.memory_space<semaphore_mem>>, %arg9: memref<10240xf32, #tpu.memory_space<vmem_shared>>) attributes {dimension_semantics = [#tpu.dimension_semantics<core_parallel>, #tpu.dimension_semantics<subcore_parallel>], iteration_bounds = array<i64: 2, 16>, scalar_prefetch = 0 : i64, scratch_operands = 4 : i64, tpu.core_type = #tpu.core_type<sc_vector_subcore>, window_params = [{transform_indices = #map}, {transform_indices = #map1}, {transform_indices = #map1}, {transform_indices = #map}]} {
    %mul3A = arith.constant 16 : i32
    %mul3A_0 = arith.muli %arg0, %mul3A : i32
    %add3A = arith.addi %mul3A_0, %arg1 : i32
    "tpu.region"() ({
      %run_scoped3A = tpu.sem_alloc : memref<!tpu.dma_semaphore, #tpu.memory_space<semaphore_mem>>
      tpu.enqueue_dma source(%arg4 : memref<128xf32, #tpu.memory_space<hbm>>) target(%arg6 : memref<128xf32, #tpu.memory_space<vmem>>) target_semaphore(%run_scoped3A : memref<!tpu.dma_semaphore, #tpu.memory_space<semaphore_mem>>)
      tpu.wait_dma2 semaphore(%run_scoped3A : memref<!tpu.dma_semaphore, #tpu.memory_space<semaphore_mem>>) src(%arg4 : memref<128xf32, #tpu.memory_space<hbm>>) dst(%arg6 : memref<128xf32, #tpu.memory_space<vmem>>)
      tpu.yield
    }) : () -> ()
    %mul3A_1 = arith.constant 640 : i32
    %mul3A_2 = arith.muli %arg1, %mul3A_1 : i32
    "tpu.region"() ({
      %run_scoped3A = tpu.sem_alloc : memref<!tpu.dma_semaphore, #tpu.memory_space<semaphore_mem>>
      %dma_start3A = tpu.memref_slice %arg9[%mul3A_2] : memref<10240xf32, #tpu.memory_space<vmem_shared>> -> memref<640xf32, #tpu.memory_space<vmem_shared>>
      %dma_start3A_23 = tpu.memref_slice %arg3[%mul3A_2] : memref<10240xf32, #tpu.memory_space<hbm>> -> memref<640xf32, #tpu.memory_space<hbm>>
      tpu.enqueue_dma source(%dma_start3A_23 : memref<640xf32, #tpu.memory_space<hbm>>) target(%dma_start3A : memref<640xf32, #tpu.memory_space<vmem_shared>>) target_semaphore(%run_scoped3A : memref<!tpu.dma_semaphore, #tpu.memory_space<semaphore_mem>>)
      %dma_wait3A = tpu.memref_slice %arg9[%mul3A_2] : memref<10240xf32, #tpu.memory_space<vmem_shared>> -> memref<640xf32, #tpu.memory_space<vmem_shared>>
      %dma_wait3A_24 = tpu.memref_slice %arg3[%mul3A_2] : memref<10240xf32, #tpu.memory_space<hbm>> -> memref<640xf32, #tpu.memory_space<hbm>>
      tpu.wait_dma2 semaphore(%run_scoped3A : memref<!tpu.dma_semaphore, #tpu.memory_space<semaphore_mem>>) src(%dma_wait3A_24 : memref<640xf32, #tpu.memory_space<hbm>>) dst(%dma_wait3A : memref<640xf32, #tpu.memory_space<vmem_shared>>)
      tpu.yield
    }) : () -> ()
    %scan3A = arith.constant 0 : i32
    %scan3A_3 = arith.constant 0 : i32
    %scan3A_4 = arith.constant 78 : i32
    %scan3A_5 = arith.addi %scan3A_3, %scan3A_4 : i32
    %scan3A_6 = arith.constant 1 : i32
    scf.for %scan3A_23 = %scan3A_3 to %scan3A_5 step %scan3A_6  : i32 {
      %mul3A_24 = arith.constant 78 : i32
      %mul3A_25 = arith.muli %add3A, %mul3A_24 : i32
      %add3A_26 = arith.addi %mul3A_25, %scan3A_23 : i32
      %mul3A_27 = arith.constant 128 : i32
      %mul3A_28 = arith.muli %add3A_26, %mul3A_27 : i32
      %multiple_of3A = tpu.assume_multiple %mul3A_28, 128 : i32
      %dma_start3A = arith.constant 0 : i32
      %dma_start3A_29 = arith.constant 0 : i32
      %dma_start3A_30 = tpu.memref_slice %arg7[%scan3A_23, %dma_start3A, %dma_start3A_29] : memref<78x2x128xi32, #tpu.memory_space<vmem>> -> memref<1x2x128xi32, #tpu.memory_space<vmem>>
      %dma_start3A_31 = tpu.memref_squeeze %dma_start3A_30 : memref<1x2x128xi32, #tpu.memory_space<vmem>> -> memref<2x128xi32, #tpu.memory_space<vmem>>
      %dma_start3A_32 = arith.constant 0 : i32
      %dma_start3A_33 = tpu.memref_slice %arg2[%dma_start3A_32, %multiple_of3A] : memref<2x320000xi32, #tpu.memory_space<hbm>> -> memref<2x128xi32, #tpu.memory_space<hbm>>
      %dma_start3A_34 = arith.constant 0 : i32
      %dma_start3A_35 = arith.constant 0 : i32
      %dma_start3A_36 = tpu.memref_slice %arg7[%scan3A_23, %dma_start3A_34, %dma_start3A_35] : memref<78x2x128xi32, #tpu.memory_space<vmem>> -> memref<1x2x128xi32, #tpu.memory_space<vmem>>
      %dma_start3A_37 = tpu.memref_squeeze %dma_start3A_36 : memref<1x2x128xi32, #tpu.memory_space<vmem>> -> memref<2x128xi32, #tpu.memory_space<vmem>>
      %dma_start3A_38 = arith.constant 0 : i32
      %dma_start3A_39 = tpu.memref_slice %arg2[%dma_start3A_38, %multiple_of3A] : memref<2x320000xi32, #tpu.memory_space<hbm>> -> memref<2x128xi32, #tpu.memory_space<hbm>>
      tpu.enqueue_dma source(%dma_start3A_39 : memref<2x128xi32, #tpu.memory_space<hbm>>) target(%dma_start3A_37 : memref<2x128xi32, #tpu.memory_space<vmem>>) target_semaphore(%arg8 : memref<!tpu.dma_semaphore, #tpu.memory_space<semaphore_mem>>)
    }
    %scan3A_7 = arith.constant 78 : i32
    %barrier3A = arith.constant 0 : index
    tpu.barrier barrier_id(%barrier3A)
    %scan3A_8 = arith.constant 0 : i32
    %scan3A_9 = arith.constant 0 : i32
    %scan3A_10 = arith.constant 78 : i32
    %scan3A_11 = arith.addi %scan3A_9, %scan3A_10 : i32
    %scan3A_12 = arith.constant 1 : i32
    scf.for %scan3A_23 = %scan3A_9 to %scan3A_11 step %scan3A_12  : i32 {
      %mul3A_24 = arith.constant 78 : i32
      %mul3A_25 = arith.muli %add3A, %mul3A_24 : i32
      %add3A_26 = arith.addi %mul3A_25, %scan3A_23 : i32
      %mul3A_27 = arith.constant 128 : i32
      %mul3A_28 = arith.muli %add3A_26, %mul3A_27 : i32
      %multiple_of3A = tpu.assume_multiple %mul3A_28, 128 : i32
      %dma_wait3A = arith.constant 0 : i32
      %dma_wait3A_29 = arith.constant 0 : i32
      %dma_wait3A_30 = tpu.memref_slice %arg7[%scan3A_23, %dma_wait3A, %dma_wait3A_29] : memref<78x2x128xi32, #tpu.memory_space<vmem>> -> memref<1x2x128xi32, #tpu.memory_space<vmem>>
      %dma_wait3A_31 = tpu.memref_squeeze %dma_wait3A_30 : memref<1x2x128xi32, #tpu.memory_space<vmem>> -> memref<2x128xi32, #tpu.memory_space<vmem>>
      %dma_wait3A_32 = arith.constant 0 : i32
      %dma_wait3A_33 = tpu.memref_slice %arg2[%dma_wait3A_32, %multiple_of3A] : memref<2x320000xi32, #tpu.memory_space<hbm>> -> memref<2x128xi32, #tpu.memory_space<hbm>>
      %dma_wait3A_34 = arith.constant 0 : i32
      %dma_wait3A_35 = arith.constant 0 : i32
      %dma_wait3A_36 = tpu.memref_slice %arg7[%scan3A_23, %dma_wait3A_34, %dma_wait3A_35] : memref<78x2x128xi32, #tpu.memory_space<vmem>> -> memref<1x2x128xi32, #tpu.memory_space<vmem>>
      %dma_wait3A_37 = tpu.memref_squeeze %dma_wait3A_36 : memref<1x2x128xi32, #tpu.memory_space<vmem>> -> memref<2x128xi32, #tpu.memory_space<vmem>>
      %dma_wait3A_38 = arith.constant 0 : i32
      %dma_wait3A_39 = tpu.memref_slice %arg2[%dma_wait3A_38, %multiple_of3A] : memref<2x320000xi32, #tpu.memory_space<hbm>> -> memref<2x128xi32, #tpu.memory_space<hbm>>
      tpu.wait_dma2 semaphore(%arg8 : memref<!tpu.dma_semaphore, #tpu.memory_space<semaphore_mem>>) src(%dma_wait3A_39 : memref<2x128xi32, #tpu.memory_space<hbm>>) dst(%dma_wait3A_37 : memref<2x128xi32, #tpu.memory_space<vmem>>)
    }
    %scan3A_13 = arith.constant 78 : i32
    %scan3A_14 = arith.constant 0 : i32
    %scan3A_15 = arith.constant 0 : i32
    %scan3A_16 = arith.constant 78 : i32
    %scan3A_17 = arith.addi %scan3A_15, %scan3A_16 : i32
    %scan3A_18 = arith.constant 1 : i32
    scf.for %scan3A_23 = %scan3A_15 to %scan3A_17 step %scan3A_18  : i32 {
      %run_scoped3A = arith.constant 1 : i32
      "tpu.region"() ({
        %run_scoped3A_24 = tpu.sem_alloc : memref<!tpu.dma_semaphore, #tpu.memory_space<semaphore_mem>>
        %dma_start3A = arith.constant 0 : i32
        %dma_start3A_25 = tpu.memref_slice %arg7[%scan3A_23, %run_scoped3A, %dma_start3A] : memref<78x2x128xi32, #tpu.memory_space<vmem>> -> memref<1x1x128xi32, #tpu.memory_space<vmem>>
        %dma_start3A_26 = tpu.memref_squeeze %dma_start3A_25 : memref<1x1x128xi32, #tpu.memory_space<vmem>> -> memref<128xi32, #tpu.memory_space<vmem>>
        %dma_start3A_27 = arith.constant 0 : i32
        %dma_start3A_28 = tpu.memref_slice %arg9[%dma_start3A_27] : memref<10240xf32, #tpu.memory_space<vmem_shared>> -> memref<10240xf32, #tpu.memory_space<vmem_shared>>
        tpu.enqueue_indirect_dma source(%arg6 : memref<128xf32, #tpu.memory_space<vmem>>) target(%dma_start3A_28 : memref<10240xf32, #tpu.memory_space<vmem_shared>>) offsets(%dma_start3A_26 : memref<128xi32, #tpu.memory_space<vmem>>) semaphore(%run_scoped3A_24 : memref<!tpu.dma_semaphore, #tpu.memory_space<semaphore_mem>>) {add = true}
        %dma_wait3A = arith.constant 0 : i32
        %dma_wait3A_29 = tpu.memref_slice %arg7[%scan3A_23, %run_scoped3A, %dma_wait3A] : memref<78x2x128xi32, #tpu.memory_space<vmem>> -> memref<1x1x128xi32, #tpu.memory_space<vmem>>
        %dma_wait3A_30 = tpu.memref_squeeze %dma_wait3A_29 : memref<1x1x128xi32, #tpu.memory_space<vmem>> -> memref<128xi32, #tpu.memory_space<vmem>>
        %dma_wait3A_31 = arith.constant 0 : i32
        %dma_wait3A_32 = tpu.memref_slice %arg9[%dma_wait3A_31] : memref<10240xf32, #tpu.memory_space<vmem_shared>> -> memref<10240xf32, #tpu.memory_space<vmem_shared>>
        tpu.wait_indirect_dma semaphore(%run_scoped3A_24 : memref<!tpu.dma_semaphore, #tpu.memory_space<semaphore_mem>>) src(%arg6 : memref<128xf32, #tpu.memory_space<vmem>>) dst(%dma_wait3A_32 : memref<10240xf32, #tpu.memory_space<vmem_shared>>)
        tpu.yield
      }) : () -> ()
    }
    %scan3A_19 = arith.constant 78 : i32
    %lt3A = arith.constant 4 : i32
    %lt3A_20 = arith.cmpi slt, %add3A, %lt3A : i32
    %convert_element_type3A = arith.extui %lt3A_20 : i1 to i32
    %cond3A = arith.constant 0 : i32
    %cond3A_21 = arith.cmpi ne, %convert_element_type3A, %cond3A : i32
    scf.if %cond3A_21 {
      %add3A_23 = arith.constant 2496 : i32
      %add3A_24 = arith.addi %add3A_23, %add3A : i32
      %mul3A_25 = arith.constant 128 : i32
      %mul3A_26 = arith.muli %add3A_24, %mul3A_25 : i32
      %multiple_of3A = tpu.assume_multiple %mul3A_26, 128 : i32
      %run_scoped3A = arith.constant 0 : i32
      "tpu.region"() ({
        %run_scoped3A_29 = tpu.sem_alloc : memref<!tpu.dma_semaphore, #tpu.memory_space<semaphore_mem>>
        %dma_start3A = arith.constant 0 : i32
        %dma_start3A_30 = arith.constant 0 : i32
        %dma_start3A_31 = tpu.memref_slice %arg7[%run_scoped3A, %dma_start3A, %dma_start3A_30] : memref<78x2x128xi32, #tpu.memory_space<vmem>> -> memref<1x2x128xi32, #tpu.memory_space<vmem>>
        %dma_start3A_32 = tpu.memref_squeeze %dma_start3A_31 : memref<1x2x128xi32, #tpu.memory_space<vmem>> -> memref<2x128xi32, #tpu.memory_space<vmem>>
        %dma_start3A_33 = arith.constant 0 : i32
        %dma_start3A_34 = tpu.memref_slice %arg2[%dma_start3A_33, %multiple_of3A] : memref<2x320000xi32, #tpu.memory_space<hbm>> -> memref<2x128xi32, #tpu.memory_space<hbm>>
        %dma_start3A_35 = arith.constant 0 : i32
        %dma_start3A_36 = arith.constant 0 : i32
        %dma_start3A_37 = tpu.memref_slice %arg7[%run_scoped3A, %dma_start3A_35, %dma_start3A_36] : memref<78x2x128xi32, #tpu.memory_space<vmem>> -> memref<1x2x128xi32, #tpu.memory_space<vmem>>
        %dma_start3A_38 = tpu.memref_squeeze %dma_start3A_37 : memref<1x2x128xi32, #tpu.memory_space<vmem>> -> memref<2x128xi32, #tpu.memory_space<vmem>>
        %dma_start3A_39 = arith.constant 0 : i32
        %dma_start3A_40 = tpu.memref_slice %arg2[%dma_start3A_39, %multiple_of3A] : memref<2x320000xi32, #tpu.memory_space<hbm>> -> memref<2x128xi32, #tpu.memory_space<hbm>>
        tpu.enqueue_dma source(%dma_start3A_40 : memref<2x128xi32, #tpu.memory_space<hbm>>) target(%dma_start3A_38 : memref<2x128xi32, #tpu.memory_space<vmem>>) target_semaphore(%run_scoped3A_29 : memref<!tpu.dma_semaphore, #tpu.memory_space<semaphore_mem>>)
        %dma_wait3A = arith.constant 0 : i32
        %dma_wait3A_41 = arith.constant 0 : i32
        %dma_wait3A_42 = tpu.memref_slice %arg7[%run_scoped3A, %dma_wait3A, %dma_wait3A_41] : memref<78x2x128xi32, #tpu.memory_space<vmem>> -> memref<1x2x128xi32, #tpu.memory_space<vmem>>
        %dma_wait3A_43 = tpu.memref_squeeze %dma_wait3A_42 : memref<1x2x128xi32, #tpu.memory_space<vmem>> -> memref<2x128xi32, #tpu.memory_space<vmem>>
        %dma_wait3A_44 = arith.constant 0 : i32
        %dma_wait3A_45 = tpu.memref_slice %arg2[%dma_wait3A_44, %multiple_of3A] : memref<2x320000xi32, #tpu.memory_space<hbm>> -> memref<2x128xi32, #tpu.memory_space<hbm>>
        %dma_wait3A_46 = arith.constant 0 : i32
        %dma_wait3A_47 = arith.constant 0 : i32
        %dma_wait3A_48 = tpu.memref_slice %arg7[%run_scoped3A, %dma_wait3A_46, %dma_wait3A_47] : memref<78x2x128xi32, #tpu.memory_space<vmem>> -> memref<1x2x128xi32, #tpu.memory_space<vmem>>
        %dma_wait3A_49 = tpu.memref_squeeze %dma_wait3A_48 : memref<1x2x128xi32, #tpu.memory_space<vmem>> -> memref<2x128xi32, #tpu.memory_space<vmem>>
        %dma_wait3A_50 = arith.constant 0 : i32
        %dma_wait3A_51 = tpu.memref_slice %arg2[%dma_wait3A_50, %multiple_of3A] : memref<2x320000xi32, #tpu.memory_space<hbm>> -> memref<2x128xi32, #tpu.memory_space<hbm>>
        tpu.wait_dma2 semaphore(%run_scoped3A_29 : memref<!tpu.dma_semaphore, #tpu.memory_space<semaphore_mem>>) src(%dma_wait3A_51 : memref<2x128xi32, #tpu.memory_space<hbm>>) dst(%dma_wait3A_49 : memref<2x128xi32, #tpu.memory_space<vmem>>)
        tpu.yield
      }) : () -> ()
      %run_scoped3A_27 = arith.constant 0 : i32
      %run_scoped3A_28 = arith.constant 1 : i32
      "tpu.region"() ({
        %run_scoped3A_29 = tpu.sem_alloc : memref<!tpu.dma_semaphore, #tpu.memory_space<semaphore_mem>>
        %dma_start3A = arith.constant 0 : i32
        %dma_start3A_30 = tpu.memref_slice %arg7[%run_scoped3A_27, %run_scoped3A_28, %dma_start3A] : memref<78x2x128xi32, #tpu.memory_space<vmem>> -> memref<1x1x128xi32, #tpu.memory_space<vmem>>
        %dma_start3A_31 = tpu.memref_squeeze %dma_start3A_30 : memref<1x1x128xi32, #tpu.memory_space<vmem>> -> memref<128xi32, #tpu.memory_space<vmem>>
        %dma_start3A_32 = arith.constant 0 : i32
        %dma_start3A_33 = tpu.memref_slice %arg9[%dma_start3A_32] : memref<10240xf32, #tpu.memory_space<vmem_shared>> -> memref<10240xf32, #tpu.memory_space<vmem_shared>>
        tpu.enqueue_indirect_dma source(%arg6 : memref<128xf32, #tpu.memory_space<vmem>>) target(%dma_start3A_33 : memref<10240xf32, #tpu.memory_space<vmem_shared>>) offsets(%dma_start3A_31 : memref<128xi32, #tpu.memory_space<vmem>>) semaphore(%run_scoped3A_29 : memref<!tpu.dma_semaphore, #tpu.memory_space<semaphore_mem>>) {add = true}
        %dma_wait3A = arith.constant 0 : i32
        %dma_wait3A_34 = tpu.memref_slice %arg7[%run_scoped3A_27, %run_scoped3A_28, %dma_wait3A] : memref<78x2x128xi32, #tpu.memory_space<vmem>> -> memref<1x1x128xi32, #tpu.memory_space<vmem>>
        %dma_wait3A_35 = tpu.memref_squeeze %dma_wait3A_34 : memref<1x1x128xi32, #tpu.memory_space<vmem>> -> memref<128xi32, #tpu.memory_space<vmem>>
        %dma_wait3A_36 = arith.constant 0 : i32
        %dma_wait3A_37 = tpu.memref_slice %arg9[%dma_wait3A_36] : memref<10240xf32, #tpu.memory_space<vmem_shared>> -> memref<10240xf32, #tpu.memory_space<vmem_shared>>
        tpu.wait_indirect_dma semaphore(%run_scoped3A_29 : memref<!tpu.dma_semaphore, #tpu.memory_space<semaphore_mem>>) src(%arg6 : memref<128xf32, #tpu.memory_space<vmem>>) dst(%dma_wait3A_37 : memref<10240xf32, #tpu.memory_space<vmem_shared>>)
        tpu.yield
      }) : () -> ()
    } else {
    }
    %barrier3A_22 = arith.constant 0 : index
    tpu.barrier barrier_id(%barrier3A_22)
    "tpu.region"() ({
      %run_scoped3A = tpu.sem_alloc : memref<!tpu.dma_semaphore, #tpu.memory_space<semaphore_mem>>
      %dma_start3A = tpu.memref_slice %arg5[%arg0, %mul3A_2] : memref<2x10240xf32, #tpu.memory_space<hbm>> -> memref<1x640xf32, #tpu.memory_space<hbm>>
      %dma_start3A_23 = tpu.memref_squeeze %dma_start3A : memref<1x640xf32, #tpu.memory_space<hbm>> -> memref<640xf32, #tpu.memory_space<hbm>>
      %dma_start3A_24 = tpu.memref_slice %arg9[%mul3A_2] : memref<10240xf32, #tpu.memory_space<vmem_shared>> -> memref<640xf32, #tpu.memory_space<vmem_shared>>
      tpu.enqueue_dma source(%dma_start3A_24 : memref<640xf32, #tpu.memory_space<vmem_shared>>) target(%dma_start3A_23 : memref<640xf32, #tpu.memory_space<hbm>>) target_semaphore(%run_scoped3A : memref<!tpu.dma_semaphore, #tpu.memory_space<semaphore_mem>>)
      %dma_wait3A = tpu.memref_slice %arg5[%arg0, %mul3A_2] : memref<2x10240xf32, #tpu.memory_space<hbm>> -> memref<1x640xf32, #tpu.memory_space<hbm>>
      %dma_wait3A_25 = tpu.memref_squeeze %dma_wait3A : memref<1x640xf32, #tpu.memory_space<hbm>> -> memref<640xf32, #tpu.memory_space<hbm>>
      %dma_wait3A_26 = tpu.memref_slice %arg9[%mul3A_2] : memref<10240xf32, #tpu.memory_space<vmem_shared>> -> memref<640xf32, #tpu.memory_space<vmem_shared>>
      tpu.wait_dma2 semaphore(%run_scoped3A : memref<!tpu.dma_semaphore, #tpu.memory_space<semaphore_mem>>) src(%dma_wait3A_26 : memref<640xf32, #tpu.memory_space<vmem_shared>>) dst(%dma_wait3A_25 : memref<640xf32, #tpu.memory_space<hbm>>)
      tpu.yield
    }) : () -> ()
    return
  }
}

#map = affine_map<(d0, d1) -> (0, 0)>
module attributes {stable_mosaic.version = 14 : i64} {
  func.func @k(%arg0: i32, %arg1: i32, %arg2: memref<2x320000xi32, #tpu.memory_space<hbm>>, %arg3: memref<10240x128xf32, #tpu.memory_space<hbm>>, %arg4: memref<10240x128xf32, #tpu.memory_space<hbm>>, %arg5: memref<10240x128xf32, #tpu.memory_space<hbm>>, %arg6: memref<10240x128xf32, #tpu.memory_space<hbm>>, %arg7: memref<2x128xi32, #tpu.memory_space<vmem>>, %arg8: memref<2x128xi32, #tpu.memory_space<vmem>>, %arg9: memref<2x128xi32, #tpu.memory_space<vmem>>, %arg10: memref<2x128xi32, #tpu.memory_space<vmem>>, %arg11: memref<128x128xf32, #tpu.memory_space<vmem>>, %arg12: memref<128x128xf32, #tpu.memory_space<vmem>>, %arg13: memref<!tpu.dma_semaphore, #tpu.memory_space<semaphore_mem>>, %arg14: memref<!tpu.dma_semaphore, #tpu.memory_space<semaphore_mem>>, %arg15: memref<!tpu.dma_semaphore, #tpu.memory_space<semaphore_mem>>, %arg16: memref<!tpu.dma_semaphore, #tpu.memory_space<semaphore_mem>>, %arg17: memref<!tpu.dma_semaphore, #tpu.memory_space<semaphore_mem>>, %arg18: memref<!tpu.dma_semaphore, #tpu.memory_space<semaphore_mem>>, %arg19: memref<10240x128xf32, #tpu.memory_space<vmem_shared>>) attributes {dimension_semantics = [#tpu.dimension_semantics<core_parallel>, #tpu.dimension_semantics<subcore_parallel>], iteration_bounds = array<i64: 2, 16>, scalar_prefetch = 0 : i64, scratch_operands = 13 : i64, tpu.core_type = #tpu.core_type<sc_vector_subcore>, window_params = [{transform_indices = #map}, {transform_indices = #map}, {transform_indices = #map}, {transform_indices = #map}, {transform_indices = #map}]} {
    %mul3A = arith.constant 16 : i32
    %mul3A_0 = arith.muli %arg0, %mul3A : i32
    %add3A = arith.addi %mul3A_0, %arg1 : i32
    %mul3A_1 = arith.constant 640 : i32
    %mul3A_2 = arith.muli %arg1, %mul3A_1 : i32
    %eq3A = arith.constant 0 : i32
    %eq3A_3 = arith.cmpi eq, %arg0, %eq3A : i32
    %convert_element_type3A = arith.extui %eq3A_3 : i1 to i32
    %cond3A = arith.constant 0 : i32
    %cond3A_4 = arith.cmpi ne, %convert_element_type3A, %cond3A : i32
    scf.if %cond3A_4 {
      "tpu.region"() ({
        %run_scoped3A_122 = tpu.sem_alloc : memref<!tpu.dma_semaphore, #tpu.memory_space<semaphore_mem>>
        %dma_start3A_123 = arith.constant 0 : i32
        %dma_start3A_124 = tpu.memref_slice %arg19[%mul3A_2, %dma_start3A_123] : memref<10240x128xf32, #tpu.memory_space<vmem_shared>> -> memref<640x128xf32, #tpu.memory_space<vmem_shared>>
        %dma_start3A_125 = arith.constant 0 : i32
        %dma_start3A_126 = tpu.memref_slice %arg3[%mul3A_2, %dma_start3A_125] : memref<10240x128xf32, #tpu.memory_space<hbm>> -> memref<640x128xf32, #tpu.memory_space<hbm>>
        tpu.enqueue_dma source(%dma_start3A_126 : memref<640x128xf32, #tpu.memory_space<hbm>>) target(%dma_start3A_124 : memref<640x128xf32, #tpu.memory_space<vmem_shared>>) target_semaphore(%run_scoped3A_122 : memref<!tpu.dma_semaphore, #tpu.memory_space<semaphore_mem>>)
        %dma_wait3A_127 = arith.constant 0 : i32
        %dma_wait3A_128 = tpu.memref_slice %arg19[%mul3A_2, %dma_wait3A_127] : memref<10240x128xf32, #tpu.memory_space<vmem_shared>> -> memref<640x128xf32, #tpu.memory_space<vmem_shared>>
        %dma_wait3A_129 = arith.constant 0 : i32
        %dma_wait3A_130 = tpu.memref_slice %arg3[%mul3A_2, %dma_wait3A_129] : memref<10240x128xf32, #tpu.memory_space<hbm>> -> memref<640x128xf32, #tpu.memory_space<hbm>>
        tpu.wait_dma2 semaphore(%run_scoped3A_122 : memref<!tpu.dma_semaphore, #tpu.memory_space<semaphore_mem>>) src(%dma_wait3A_130 : memref<640x128xf32, #tpu.memory_space<hbm>>) dst(%dma_wait3A_128 : memref<640x128xf32, #tpu.memory_space<vmem_shared>>)
        tpu.yield
      }) : () -> ()
    } else {
    }
    %eq3A_5 = arith.constant 1 : i32
    %eq3A_6 = arith.cmpi eq, %arg0, %eq3A_5 : i32
    %convert_element_type3A_7 = arith.extui %eq3A_6 : i1 to i32
    %cond3A_8 = arith.constant 0 : i32
    %cond3A_9 = arith.cmpi ne, %convert_element_type3A_7, %cond3A_8 : i32
    scf.if %cond3A_9 {
      "tpu.region"() ({
        %run_scoped3A_122 = tpu.sem_alloc : memref<!tpu.dma_semaphore, #tpu.memory_space<semaphore_mem>>
        %dma_start3A_123 = arith.constant 0 : i32
        %dma_start3A_124 = tpu.memref_slice %arg19[%mul3A_2, %dma_start3A_123] : memref<10240x128xf32, #tpu.memory_space<vmem_shared>> -> memref<640x128xf32, #tpu.memory_space<vmem_shared>>
        %dma_start3A_125 = arith.constant 0 : i32
        %dma_start3A_126 = tpu.memref_slice %arg4[%mul3A_2, %dma_start3A_125] : memref<10240x128xf32, #tpu.memory_space<hbm>> -> memref<640x128xf32, #tpu.memory_space<hbm>>
        tpu.enqueue_dma source(%dma_start3A_126 : memref<640x128xf32, #tpu.memory_space<hbm>>) target(%dma_start3A_124 : memref<640x128xf32, #tpu.memory_space<vmem_shared>>) target_semaphore(%run_scoped3A_122 : memref<!tpu.dma_semaphore, #tpu.memory_space<semaphore_mem>>)
        %dma_wait3A_127 = arith.constant 0 : i32
        %dma_wait3A_128 = tpu.memref_slice %arg19[%mul3A_2, %dma_wait3A_127] : memref<10240x128xf32, #tpu.memory_space<vmem_shared>> -> memref<640x128xf32, #tpu.memory_space<vmem_shared>>
        %dma_wait3A_129 = arith.constant 0 : i32
        %dma_wait3A_130 = tpu.memref_slice %arg4[%mul3A_2, %dma_wait3A_129] : memref<10240x128xf32, #tpu.memory_space<hbm>> -> memref<640x128xf32, #tpu.memory_space<hbm>>
        tpu.wait_dma2 semaphore(%run_scoped3A_122 : memref<!tpu.dma_semaphore, #tpu.memory_space<semaphore_mem>>) src(%dma_wait3A_130 : memref<640x128xf32, #tpu.memory_space<hbm>>) dst(%dma_wait3A_128 : memref<640x128xf32, #tpu.memory_space<vmem_shared>>)
        tpu.yield
      }) : () -> ()
    } else {
    }
    %barrier3A = arith.constant 0 : index
    tpu.barrier barrier_id(%barrier3A)
    %mul3A_10 = arith.constant 78 : i32
    %mul3A_11 = arith.muli %add3A, %mul3A_10 : i32
    %add3A_12 = arith.constant 0 : i32
    %add3A_13 = arith.addi %mul3A_11, %add3A_12 : i32
    %mul3A_14 = arith.constant 128 : i32
    %mul3A_15 = arith.muli %add3A_13, %mul3A_14 : i32
    %multiple_of3A = tpu.assume_multiple %mul3A_15, 128 : i32
    %dma_start3A = arith.constant 0 : i32
    %dma_start3A_16 = tpu.memref_slice %arg2[%dma_start3A, %multiple_of3A] : memref<2x320000xi32, #tpu.memory_space<hbm>> -> memref<2x128xi32, #tpu.memory_space<hbm>>
    %dma_start3A_17 = arith.constant 0 : i32
    %dma_start3A_18 = tpu.memref_slice %arg2[%dma_start3A_17, %multiple_of3A] : memref<2x320000xi32, #tpu.memory_space<hbm>> -> memref<2x128xi32, #tpu.memory_space<hbm>>
    tpu.enqueue_dma source(%dma_start3A_18 : memref<2x128xi32, #tpu.memory_space<hbm>>) target(%arg7 : memref<2x128xi32, #tpu.memory_space<vmem>>) target_semaphore(%arg13 : memref<!tpu.dma_semaphore, #tpu.memory_space<semaphore_mem>>)
    %mul3A_19 = arith.constant 78 : i32
    %mul3A_20 = arith.muli %add3A, %mul3A_19 : i32
    %add3A_21 = arith.constant 1 : i32
    %add3A_22 = arith.addi %mul3A_20, %add3A_21 : i32
    %mul3A_23 = arith.constant 128 : i32
    %mul3A_24 = arith.muli %add3A_22, %mul3A_23 : i32
    %multiple_of3A_25 = tpu.assume_multiple %mul3A_24, 128 : i32
    %dma_start3A_26 = arith.constant 0 : i32
    %dma_start3A_27 = tpu.memref_slice %arg2[%dma_start3A_26, %multiple_of3A_25] : memref<2x320000xi32, #tpu.memory_space<hbm>> -> memref<2x128xi32, #tpu.memory_space<hbm>>
    %dma_start3A_28 = arith.constant 0 : i32
    %dma_start3A_29 = tpu.memref_slice %arg2[%dma_start3A_28, %multiple_of3A_25] : memref<2x320000xi32, #tpu.memory_space<hbm>> -> memref<2x128xi32, #tpu.memory_space<hbm>>
    tpu.enqueue_dma source(%dma_start3A_29 : memref<2x128xi32, #tpu.memory_space<hbm>>) target(%arg9 : memref<2x128xi32, #tpu.memory_space<vmem>>) target_semaphore(%arg15 : memref<!tpu.dma_semaphore, #tpu.memory_space<semaphore_mem>>)
    %mul3A_30 = arith.constant 78 : i32
    %mul3A_31 = arith.muli %add3A, %mul3A_30 : i32
    %add3A_32 = arith.constant 2 : i32
    %add3A_33 = arith.addi %mul3A_31, %add3A_32 : i32
    %mul3A_34 = arith.constant 128 : i32
    %mul3A_35 = arith.muli %add3A_33, %mul3A_34 : i32
    %multiple_of3A_36 = tpu.assume_multiple %mul3A_35, 128 : i32
    %dma_start3A_37 = arith.constant 0 : i32
    %dma_start3A_38 = tpu.memref_slice %arg2[%dma_start3A_37, %multiple_of3A_36] : memref<2x320000xi32, #tpu.memory_space<hbm>> -> memref<2x128xi32, #tpu.memory_space<hbm>>
    %dma_start3A_39 = arith.constant 0 : i32
    %dma_start3A_40 = tpu.memref_slice %arg2[%dma_start3A_39, %multiple_of3A_36] : memref<2x320000xi32, #tpu.memory_space<hbm>> -> memref<2x128xi32, #tpu.memory_space<hbm>>
    tpu.enqueue_dma source(%dma_start3A_40 : memref<2x128xi32, #tpu.memory_space<hbm>>) target(%arg8 : memref<2x128xi32, #tpu.memory_space<vmem>>) target_semaphore(%arg14 : memref<!tpu.dma_semaphore, #tpu.memory_space<semaphore_mem>>)
    %mul3A_41 = arith.constant 78 : i32
    %mul3A_42 = arith.muli %add3A, %mul3A_41 : i32
    %add3A_43 = arith.constant 3 : i32
    %add3A_44 = arith.addi %mul3A_42, %add3A_43 : i32
    %mul3A_45 = arith.constant 128 : i32
    %mul3A_46 = arith.muli %add3A_44, %mul3A_45 : i32
    %multiple_of3A_47 = tpu.assume_multiple %mul3A_46, 128 : i32
    %dma_start3A_48 = arith.constant 0 : i32
    %dma_start3A_49 = tpu.memref_slice %arg2[%dma_start3A_48, %multiple_of3A_47] : memref<2x320000xi32, #tpu.memory_space<hbm>> -> memref<2x128xi32, #tpu.memory_space<hbm>>
    %dma_start3A_50 = arith.constant 0 : i32
    %dma_start3A_51 = tpu.memref_slice %arg2[%dma_start3A_50, %multiple_of3A_47] : memref<2x320000xi32, #tpu.memory_space<hbm>> -> memref<2x128xi32, #tpu.memory_space<hbm>>
    tpu.enqueue_dma source(%dma_start3A_51 : memref<2x128xi32, #tpu.memory_space<hbm>>) target(%arg10 : memref<2x128xi32, #tpu.memory_space<vmem>>) target_semaphore(%arg16 : memref<!tpu.dma_semaphore, #tpu.memory_space<semaphore_mem>>)
    %mul3A_52 = arith.constant 78 : i32
    %mul3A_53 = arith.muli %add3A, %mul3A_52 : i32
    %add3A_54 = arith.constant 0 : i32
    %add3A_55 = arith.addi %mul3A_53, %add3A_54 : i32
    %mul3A_56 = arith.constant 128 : i32
    %mul3A_57 = arith.muli %add3A_55, %mul3A_56 : i32
    %multiple_of3A_58 = tpu.assume_multiple %mul3A_57, 128 : i32
    %dma_wait3A = arith.constant 0 : i32
    %dma_wait3A_59 = tpu.memref_slice %arg2[%dma_wait3A, %multiple_of3A_58] : memref<2x320000xi32, #tpu.memory_space<hbm>> -> memref<2x128xi32, #tpu.memory_space<hbm>>
    %dma_wait3A_60 = arith.constant 0 : i32
    %dma_wait3A_61 = tpu.memref_slice %arg2[%dma_wait3A_60, %multiple_of3A_58] : memref<2x320000xi32, #tpu.memory_space<hbm>> -> memref<2x128xi32, #tpu.memory_space<hbm>>
    tpu.wait_dma2 semaphore(%arg13 : memref<!tpu.dma_semaphore, #tpu.memory_space<semaphore_mem>>) src(%dma_wait3A_61 : memref<2x128xi32, #tpu.memory_space<hbm>>) dst(%arg7 : memref<2x128xi32, #tpu.memory_space<vmem>>)
    %dma_start3A_62 = arith.constant 0 : i32
    %dma_start3A_63 = arith.constant 0 : i32
    %dma_start3A_64 = tpu.memref_slice %arg7[%dma_start3A_62, %dma_start3A_63] : memref<2x128xi32, #tpu.memory_space<vmem>> -> memref<1x128xi32, #tpu.memory_space<vmem>>
    %dma_start3A_65 = tpu.memref_squeeze %dma_start3A_64 : memref<1x128xi32, #tpu.memory_space<vmem>> -> memref<128xi32, #tpu.memory_space<vmem>>
    %dma_start3A_66 = arith.constant 0 : i32
    %dma_start3A_67 = arith.constant 0 : i32
    %dma_start3A_68 = tpu.memref_slice %arg3[%dma_start3A_66, %dma_start3A_67] : memref<10240x128xf32, #tpu.memory_space<hbm>> -> memref<10240x128xf32, #tpu.memory_space<hbm>>
    tpu.enqueue_indirect_dma source(%dma_start3A_68 : memref<10240x128xf32, #tpu.memory_space<hbm>>) target(%arg11 : memref<128x128xf32, #tpu.memory_space<vmem>>) offsets(%dma_start3A_65 : memref<128xi32, #tpu.memory_space<vmem>>) semaphore(%arg17 : memref<!tpu.dma_semaphore, #tpu.memory_space<semaphore_mem>>)
    %mul3A_69 = arith.constant 78 : i32
    %mul3A_70 = arith.muli %add3A, %mul3A_69 : i32
    %add3A_71 = arith.constant 1 : i32
    %add3A_72 = arith.addi %mul3A_70, %add3A_71 : i32
    %mul3A_73 = arith.constant 128 : i32
    %mul3A_74 = arith.muli %add3A_72, %mul3A_73 : i32
    %multiple_of3A_75 = tpu.assume_multiple %mul3A_74, 128 : i32
    %dma_wait3A_76 = arith.constant 0 : i32
    %dma_wait3A_77 = tpu.memref_slice %arg2[%dma_wait3A_76, %multiple_of3A_75] : memref<2x320000xi32, #tpu.memory_space<hbm>> -> memref<2x128xi32, #tpu.memory_space<hbm>>
    %dma_wait3A_78 = arith.constant 0 : i32
    %dma_wait3A_79 = tpu.memref_slice %arg2[%dma_wait3A_78, %multiple_of3A_75] : memref<2x320000xi32, #tpu.memory_space<hbm>> -> memref<2x128xi32, #tpu.memory_space<hbm>>
    tpu.wait_dma2 semaphore(%arg15 : memref<!tpu.dma_semaphore, #tpu.memory_space<semaphore_mem>>) src(%dma_wait3A_79 : memref<2x128xi32, #tpu.memory_space<hbm>>) dst(%arg9 : memref<2x128xi32, #tpu.memory_space<vmem>>)
    %dma_start3A_80 = arith.constant 0 : i32
    %dma_start3A_81 = arith.constant 0 : i32
    %dma_start3A_82 = tpu.memref_slice %arg9[%dma_start3A_80, %dma_start3A_81] : memref<2x128xi32, #tpu.memory_space<vmem>> -> memref<1x128xi32, #tpu.memory_space<vmem>>
    %dma_start3A_83 = tpu.memref_squeeze %dma_start3A_82 : memref<1x128xi32, #tpu.memory_space<vmem>> -> memref<128xi32, #tpu.memory_space<vmem>>
    %dma_start3A_84 = arith.constant 0 : i32
    %dma_start3A_85 = arith.constant 0 : i32
    %dma_start3A_86 = tpu.memref_slice %arg3[%dma_start3A_84, %dma_start3A_85] : memref<10240x128xf32, #tpu.memory_space<hbm>> -> memref<10240x128xf32, #tpu.memory_space<hbm>>
    tpu.enqueue_indirect_dma source(%dma_start3A_86 : memref<10240x128xf32, #tpu.memory_space<hbm>>) target(%arg12 : memref<128x128xf32, #tpu.memory_space<vmem>>) offsets(%dma_start3A_83 : memref<128xi32, #tpu.memory_space<vmem>>) semaphore(%arg18 : memref<!tpu.dma_semaphore, #tpu.memory_space<semaphore_mem>>)
    %scan3A = arith.constant 0 : i32
    %scan3A_87 = arith.constant 0 : i32
    %scan3A_88 = arith.constant 19 : i32
    %scan3A_89 = arith.addi %scan3A_87, %scan3A_88 : i32
    %scan3A_90 = arith.constant 1 : i32
    scf.for %scan3A_122 = %scan3A_87 to %scan3A_89 step %scan3A_90  : i32 {
      %mul3A_123 = arith.constant 2 : i32
      %mul3A_124 = arith.muli %mul3A_123, %scan3A_122 : i32
      %mul3A_125 = arith.constant 2 : i32
      %mul3A_126 = arith.muli %mul3A_125, %mul3A_124 : i32
      %add3A_127 = arith.constant 0 : i32
      %add3A_128 = arith.addi %mul3A_126, %add3A_127 : i32
      %dma_wait3A_129 = arith.constant 0 : i32
      %dma_wait3A_130 = arith.constant 0 : i32
      %dma_wait3A_131 = tpu.memref_slice %arg7[%dma_wait3A_129, %dma_wait3A_130] : memref<2x128xi32, #tpu.memory_space<vmem>> -> memref<1x128xi32, #tpu.memory_space<vmem>>
      %dma_wait3A_132 = tpu.memref_squeeze %dma_wait3A_131 : memref<1x128xi32, #tpu.memory_space<vmem>> -> memref<128xi32, #tpu.memory_space<vmem>>
      %dma_wait3A_133 = arith.constant 0 : i32
      %dma_wait3A_134 = arith.constant 0 : i32
      %dma_wait3A_135 = tpu.memref_slice %arg3[%dma_wait3A_133, %dma_wait3A_134] : memref<10240x128xf32, #tpu.memory_space<hbm>> -> memref<10240x128xf32, #tpu.memory_space<hbm>>
      tpu.wait_indirect_dma semaphore(%arg17 : memref<!tpu.dma_semaphore, #tpu.memory_space<semaphore_mem>>) src(%dma_wait3A_135 : memref<10240x128xf32, #tpu.memory_space<hbm>>) dst(%arg11 : memref<128x128xf32, #tpu.memory_space<vmem>>)
      %run_scoped3A_136 = arith.constant 1 : i32
      "tpu.region"() ({
        %run_scoped3A_217 = tpu.sem_alloc : memref<!tpu.dma_semaphore, #tpu.memory_space<semaphore_mem>>
        %dma_start3A_218 = arith.constant 0 : i32
        %dma_start3A_219 = tpu.memref_slice %arg7[%run_scoped3A_136, %dma_start3A_218] : memref<2x128xi32, #tpu.memory_space<vmem>> -> memref<1x128xi32, #tpu.memory_space<vmem>>
        %dma_start3A_220 = tpu.memref_squeeze %dma_start3A_219 : memref<1x128xi32, #tpu.memory_space<vmem>> -> memref<128xi32, #tpu.memory_space<vmem>>
        %dma_start3A_221 = arith.constant 0 : i32
        %dma_start3A_222 = arith.constant 0 : i32
        %dma_start3A_223 = tpu.memref_slice %arg19[%dma_start3A_221, %dma_start3A_222] : memref<10240x128xf32, #tpu.memory_space<vmem_shared>> -> memref<10240x128xf32, #tpu.memory_space<vmem_shared>>
        tpu.enqueue_indirect_dma source(%arg11 : memref<128x128xf32, #tpu.memory_space<vmem>>) target(%dma_start3A_223 : memref<10240x128xf32, #tpu.memory_space<vmem_shared>>) offsets(%dma_start3A_220 : memref<128xi32, #tpu.memory_space<vmem>>) semaphore(%run_scoped3A_217 : memref<!tpu.dma_semaphore, #tpu.memory_space<semaphore_mem>>) {add = true}
        %dma_wait3A_224 = arith.constant 0 : i32
        %dma_wait3A_225 = tpu.memref_slice %arg7[%run_scoped3A_136, %dma_wait3A_224] : memref<2x128xi32, #tpu.memory_space<vmem>> -> memref<1x128xi32, #tpu.memory_space<vmem>>
        %dma_wait3A_226 = tpu.memref_squeeze %dma_wait3A_225 : memref<1x128xi32, #tpu.memory_space<vmem>> -> memref<128xi32, #tpu.memory_space<vmem>>
        %dma_wait3A_227 = arith.constant 0 : i32
        %dma_wait3A_228 = arith.constant 0 : i32
        %dma_wait3A_229 = tpu.memref_slice %arg19[%dma_wait3A_227, %dma_wait3A_228] : memref<10240x128xf32, #tpu.memory_space<vmem_shared>> -> memref<10240x128xf32, #tpu.memory_space<vmem_shared>>
        tpu.wait_indirect_dma semaphore(%run_scoped3A_217 : memref<!tpu.dma_semaphore, #tpu.memory_space<semaphore_mem>>) src(%arg11 : memref<128x128xf32, #tpu.memory_space<vmem>>) dst(%dma_wait3A_229 : memref<10240x128xf32, #tpu.memory_space<vmem_shared>>)
        tpu.yield
      }) : () -> ()
      %lt3A_137 = arith.constant 37 : i32
      %lt3A_138 = arith.cmpi slt, %mul3A_124, %lt3A_137 : i32
      %convert_element_type3A_139 = arith.extui %lt3A_138 : i1 to i32
      %cond3A_140 = arith.constant 0 : i32
      %cond3A_141 = arith.cmpi ne, %convert_element_type3A_139, %cond3A_140 : i32
      scf.if %cond3A_141 {
        %add3A_217 = arith.constant 4 : i32
        %add3A_218 = arith.addi %add3A_128, %add3A_217 : i32
        %mul3A_219 = arith.constant 78 : i32
        %mul3A_220 = arith.muli %add3A, %mul3A_219 : i32
        %add3A_221 = arith.addi %mul3A_220, %add3A_218 : i32
        %mul3A_222 = arith.constant 128 : i32
        %mul3A_223 = arith.muli %add3A_221, %mul3A_222 : i32
        %multiple_of3A_224 = tpu.assume_multiple %mul3A_223, 128 : i32
        %dma_start3A_225 = arith.constant 0 : i32
        %dma_start3A_226 = tpu.memref_slice %arg2[%dma_start3A_225, %multiple_of3A_224] : memref<2x320000xi32, #tpu.memory_space<hbm>> -> memref<2x128xi32, #tpu.memory_space<hbm>>
        %dma_start3A_227 = arith.constant 0 : i32
        %dma_start3A_228 = tpu.memref_slice %arg2[%dma_start3A_227, %multiple_of3A_224] : memref<2x320000xi32, #tpu.memory_space<hbm>> -> memref<2x128xi32, #tpu.memory_space<hbm>>
        tpu.enqueue_dma source(%dma_start3A_228 : memref<2x128xi32, #tpu.memory_space<hbm>>) target(%arg7 : memref<2x128xi32, #tpu.memory_space<vmem>>) target_semaphore(%arg13 : memref<!tpu.dma_semaphore, #tpu.memory_space<semaphore_mem>>)
      } else {
      }
      %lt3A_142 = arith.constant 38 : i32
      %lt3A_143 = arith.cmpi slt, %mul3A_124, %lt3A_142 : i32
      %convert_element_type3A_144 = arith.extui %lt3A_143 : i1 to i32
      %cond3A_145 = arith.constant 0 : i32
      %cond3A_146 = arith.cmpi ne, %convert_element_type3A_144, %cond3A_145 : i32
      scf.if %cond3A_146 {
        %add3A_217 = arith.constant 2 : i32
        %add3A_218 = arith.addi %add3A_128, %add3A_217 : i32
        %mul3A_219 = arith.constant 78 : i32
        %mul3A_220 = arith.muli %add3A, %mul3A_219 : i32
        %add3A_221 = arith.addi %mul3A_220, %add3A_218 : i32
        %mul3A_222 = arith.constant 128 : i32
        %mul3A_223 = arith.muli %add3A_221, %mul3A_222 : i32
        %multiple_of3A_224 = tpu.assume_multiple %mul3A_223, 128 : i32
        %dma_wait3A_225 = arith.constant 0 : i32
        %dma_wait3A_226 = tpu.memref_slice %arg2[%dma_wait3A_225, %multiple_of3A_224] : memref<2x320000xi32, #tpu.memory_space<hbm>> -> memref<2x128xi32, #tpu.memory_space<hbm>>
        %dma_wait3A_227 = arith.constant 0 : i32
        %dma_wait3A_228 = tpu.memref_slice %arg2[%dma_wait3A_227, %multiple_of3A_224] : memref<2x320000xi32, #tpu.memory_space<hbm>> -> memref<2x128xi32, #tpu.memory_space<hbm>>
        tpu.wait_dma2 semaphore(%arg14 : memref<!tpu.dma_semaphore, #tpu.memory_space<semaphore_mem>>) src(%dma_wait3A_228 : memref<2x128xi32, #tpu.memory_space<hbm>>) dst(%arg8 : memref<2x128xi32, #tpu.memory_space<vmem>>)
        %dma_start3A_229 = arith.constant 0 : i32
        %dma_start3A_230 = arith.constant 0 : i32
        %dma_start3A_231 = tpu.memref_slice %arg8[%dma_start3A_229, %dma_start3A_230] : memref<2x128xi32, #tpu.memory_space<vmem>> -> memref<1x128xi32, #tpu.memory_space<vmem>>
        %dma_start3A_232 = tpu.memref_squeeze %dma_start3A_231 : memref<1x128xi32, #tpu.memory_space<vmem>> -> memref<128xi32, #tpu.memory_space<vmem>>
        %dma_start3A_233 = arith.constant 0 : i32
        %dma_start3A_234 = arith.constant 0 : i32
        %dma_start3A_235 = tpu.memref_slice %arg3[%dma_start3A_233, %dma_start3A_234] : memref<10240x128xf32, #tpu.memory_space<hbm>> -> memref<10240x128xf32, #tpu.memory_space<hbm>>
        tpu.enqueue_indirect_dma source(%dma_start3A_235 : memref<10240x128xf32, #tpu.memory_space<hbm>>) target(%arg11 : memref<128x128xf32, #tpu.memory_space<vmem>>) offsets(%dma_start3A_232 : memref<128xi32, #tpu.memory_space<vmem>>) semaphore(%arg17 : memref<!tpu.dma_semaphore, #tpu.memory_space<semaphore_mem>>)
      } else {
      }
      %mul3A_147 = arith.constant 2 : i32
      %mul3A_148 = arith.muli %mul3A_147, %mul3A_124 : i32
      %add3A_149 = arith.constant 1 : i32
      %add3A_150 = arith.addi %mul3A_148, %add3A_149 : i32
      %dma_wait3A_151 = arith.constant 0 : i32
      %dma_wait3A_152 = arith.constant 0 : i32
      %dma_wait3A_153 = tpu.memref_slice %arg9[%dma_wait3A_151, %dma_wait3A_152] : memref<2x128xi32, #tpu.memory_space<vmem>> -> memref<1x128xi32, #tpu.memory_space<vmem>>
      %dma_wait3A_154 = tpu.memref_squeeze %dma_wait3A_153 : memref<1x128xi32, #tpu.memory_space<vmem>> -> memref<128xi32, #tpu.memory_space<vmem>>
      %dma_wait3A_155 = arith.constant 0 : i32
      %dma_wait3A_156 = arith.constant 0 : i32
      %dma_wait3A_157 = tpu.memref_slice %arg3[%dma_wait3A_155, %dma_wait3A_156] : memref<10240x128xf32, #tpu.memory_space<hbm>> -> memref<10240x128xf32, #tpu.memory_space<hbm>>
      tpu.wait_indirect_dma semaphore(%arg18 : memref<!tpu.dma_semaphore, #tpu.memory_space<semaphore_mem>>) src(%dma_wait3A_157 : memref<10240x128xf32, #tpu.memory_space<hbm>>) dst(%arg12 : memref<128x128xf32, #tpu.memory_space<vmem>>)
      %run_scoped3A_158 = arith.constant 1 : i32
      "tpu.region"() ({
        %run_scoped3A_217 = tpu.sem_alloc : memref<!tpu.dma_semaphore, #tpu.memory_space<semaphore_mem>>
        %dma_start3A_218 = arith.constant 0 : i32
        %dma_start3A_219 = tpu.memref_slice %arg9[%run_scoped3A_158, %dma_start3A_218] : memref<2x128xi32, #tpu.memory_space<vmem>> -> memref<1x128xi32, #tpu.memory_space<vmem>>
        %dma_start3A_220 = tpu.memref_squeeze %dma_start3A_219 : memref<1x128xi32, #tpu.memory_space<vmem>> -> memref<128xi32, #tpu.memory_space<vmem>>
        %dma_start3A_221 = arith.constant 0 : i32
        %dma_start3A_222 = arith.constant 0 : i32
        %dma_start3A_223 = tpu.memref_slice %arg19[%dma_start3A_221, %dma_start3A_222] : memref<10240x128xf32, #tpu.memory_space<vmem_shared>> -> memref<10240x128xf32, #tpu.memory_space<vmem_shared>>
        tpu.enqueue_indirect_dma source(%arg12 : memref<128x128xf32, #tpu.memory_space<vmem>>) target(%dma_start3A_223 : memref<10240x128xf32, #tpu.memory_space<vmem_shared>>) offsets(%dma_start3A_220 : memref<128xi32, #tpu.memory_space<vmem>>) semaphore(%run_scoped3A_217 : memref<!tpu.dma_semaphore, #tpu.memory_space<semaphore_mem>>) {add = true}
        %dma_wait3A_224 = arith.constant 0 : i32
        %dma_wait3A_225 = tpu.memref_slice %arg9[%run_scoped3A_158, %dma_wait3A_224] : memref<2x128xi32, #tpu.memory_space<vmem>> -> memref<1x128xi32, #tpu.memory_space<vmem>>
        %dma_wait3A_226 = tpu.memref_squeeze %dma_wait3A_225 : memref<1x128xi32, #tpu.memory_space<vmem>> -> memref<128xi32, #tpu.memory_space<vmem>>
        %dma_wait3A_227 = arith.constant 0 : i32
        %dma_wait3A_228 = arith.constant 0 : i32
        %dma_wait3A_229 = tpu.memref_slice %arg19[%dma_wait3A_227, %dma_wait3A_228] : memref<10240x128xf32, #tpu.memory_space<vmem_shared>> -> memref<10240x128xf32, #tpu.memory_space<vmem_shared>>
        tpu.wait_indirect_dma semaphore(%run_scoped3A_217 : memref<!tpu.dma_semaphore, #tpu.memory_space<semaphore_mem>>) src(%arg12 : memref<128x128xf32, #tpu.memory_space<vmem>>) dst(%dma_wait3A_229 : memref<10240x128xf32, #tpu.memory_space<vmem_shared>>)
        tpu.yield
      }) : () -> ()
      %lt3A_159 = arith.constant 37 : i32
      %lt3A_160 = arith.cmpi slt, %mul3A_124, %lt3A_159 : i32
      %convert_element_type3A_161 = arith.extui %lt3A_160 : i1 to i32
      %cond3A_162 = arith.constant 0 : i32
      %cond3A_163 = arith.cmpi ne, %convert_element_type3A_161, %cond3A_162 : i32
      scf.if %cond3A_163 {
        %add3A_217 = arith.constant 4 : i32
        %add3A_218 = arith.addi %add3A_150, %add3A_217 : i32
        %mul3A_219 = arith.constant 78 : i32
        %mul3A_220 = arith.muli %add3A, %mul3A_219 : i32
        %add3A_221 = arith.addi %mul3A_220, %add3A_218 : i32
        %mul3A_222 = arith.constant 128 : i32
        %mul3A_223 = arith.muli %add3A_221, %mul3A_222 : i32
        %multiple_of3A_224 = tpu.assume_multiple %mul3A_223, 128 : i32
        %dma_start3A_225 = arith.constant 0 : i32
        %dma_start3A_226 = tpu.memref_slice %arg2[%dma_start3A_225, %multiple_of3A_224] : memref<2x320000xi32, #tpu.memory_space<hbm>> -> memref<2x128xi32, #tpu.memory_space<hbm>>
        %dma_start3A_227 = arith.constant 0 : i32
        %dma_start3A_228 = tpu.memref_slice %arg2[%dma_start3A_227, %multiple_of3A_224] : memref<2x320000xi32, #tpu.memory_space<hbm>> -> memref<2x128xi32, #tpu.memory_space<hbm>>
        tpu.enqueue_dma source(%dma_start3A_228 : memref<2x128xi32, #tpu.memory_space<hbm>>) target(%arg9 : memref<2x128xi32, #tpu.memory_space<vmem>>) target_semaphore(%arg15 : memref<!tpu.dma_semaphore, #tpu.memory_space<semaphore_mem>>)
      } else {
      }
      %lt3A_164 = arith.constant 38 : i32
      %lt3A_165 = arith.cmpi slt, %mul3A_124, %lt3A_164 : i32
      %convert_element_type3A_166 = arith.extui %lt3A_165 : i1 to i32
      %cond3A_167 = arith.constant 0 : i32
      %cond3A_168 = arith.cmpi ne, %convert_element_type3A_166, %cond3A_167 : i32
      scf.if %cond3A_168 {
        %add3A_217 = arith.constant 2 : i32
        %add3A_218 = arith.addi %add3A_150, %add3A_217 : i32
        %mul3A_219 = arith.constant 78 : i32
        %mul3A_220 = arith.muli %add3A, %mul3A_219 : i32
        %add3A_221 = arith.addi %mul3A_220, %add3A_218 : i32
        %mul3A_222 = arith.constant 128 : i32
        %mul3A_223 = arith.muli %add3A_221, %mul3A_222 : i32
        %multiple_of3A_224 = tpu.assume_multiple %mul3A_223, 128 : i32
        %dma_wait3A_225 = arith.constant 0 : i32
        %dma_wait3A_226 = tpu.memref_slice %arg2[%dma_wait3A_225, %multiple_of3A_224] : memref<2x320000xi32, #tpu.memory_space<hbm>> -> memref<2x128xi32, #tpu.memory_space<hbm>>
        %dma_wait3A_227 = arith.constant 0 : i32
        %dma_wait3A_228 = tpu.memref_slice %arg2[%dma_wait3A_227, %multiple_of3A_224] : memref<2x320000xi32, #tpu.memory_space<hbm>> -> memref<2x128xi32, #tpu.memory_space<hbm>>
        tpu.wait_dma2 semaphore(%arg16 : memref<!tpu.dma_semaphore, #tpu.memory_space<semaphore_mem>>) src(%dma_wait3A_228 : memref<2x128xi32, #tpu.memory_space<hbm>>) dst(%arg10 : memref<2x128xi32, #tpu.memory_space<vmem>>)
        %dma_start3A_229 = arith.constant 0 : i32
        %dma_start3A_230 = arith.constant 0 : i32
        %dma_start3A_231 = tpu.memref_slice %arg10[%dma_start3A_229, %dma_start3A_230] : memref<2x128xi32, #tpu.memory_space<vmem>> -> memref<1x128xi32, #tpu.memory_space<vmem>>
        %dma_start3A_232 = tpu.memref_squeeze %dma_start3A_231 : memref<1x128xi32, #tpu.memory_space<vmem>> -> memref<128xi32, #tpu.memory_space<vmem>>
        %dma_start3A_233 = arith.constant 0 : i32
        %dma_start3A_234 = arith.constant 0 : i32
        %dma_start3A_235 = tpu.memref_slice %arg3[%dma_start3A_233, %dma_start3A_234] : memref<10240x128xf32, #tpu.memory_space<hbm>> -> memref<10240x128xf32, #tpu.memory_space<hbm>>
        tpu.enqueue_indirect_dma source(%dma_start3A_235 : memref<10240x128xf32, #tpu.memory_space<hbm>>) target(%arg12 : memref<128x128xf32, #tpu.memory_space<vmem>>) offsets(%dma_start3A_232 : memref<128xi32, #tpu.memory_space<vmem>>) semaphore(%arg18 : memref<!tpu.dma_semaphore, #tpu.memory_space<semaphore_mem>>)
      } else {
      }
      %add3A_169 = arith.constant 1 : i32
      %add3A_170 = arith.addi %mul3A_124, %add3A_169 : i32
      %mul3A_171 = arith.constant 2 : i32
      %mul3A_172 = arith.muli %mul3A_171, %add3A_170 : i32
      %add3A_173 = arith.constant 0 : i32
      %add3A_174 = arith.addi %mul3A_172, %add3A_173 : i32
      %dma_wait3A_175 = arith.constant 0 : i32
      %dma_wait3A_176 = arith.constant 0 : i32
      %dma_wait3A_177 = tpu.memref_slice %arg8[%dma_wait3A_175, %dma_wait3A_176] : memref<2x128xi32, #tpu.memory_space<vmem>> -> memref<1x128xi32, #tpu.memory_space<vmem>>
      %dma_wait3A_178 = tpu.memref_squeeze %dma_wait3A_177 : memref<1x128xi32, #tpu.memory_space<vmem>> -> memref<128xi32, #tpu.memory_space<vmem>>
      %dma_wait3A_179 = arith.constant 0 : i32
      %dma_wait3A_180 = arith.constant 0 : i32
      %dma_wait3A_181 = tpu.memref_slice %arg3[%dma_wait3A_179, %dma_wait3A_180] : memref<10240x128xf32, #tpu.memory_space<hbm>> -> memref<10240x128xf32, #tpu.memory_space<hbm>>
      tpu.wait_indirect_dma semaphore(%arg17 : memref<!tpu.dma_semaphore, #tpu.memory_space<semaphore_mem>>) src(%dma_wait3A_181 : memref<10240x128xf32, #tpu.memory_space<hbm>>) dst(%arg11 : memref<128x128xf32, #tpu.memory_space<vmem>>)
      %run_scoped3A_182 = arith.constant 1 : i32
      "tpu.region"() ({
        %run_scoped3A_217 = tpu.sem_alloc : memref<!tpu.dma_semaphore, #tpu.memory_space<semaphore_mem>>
        %dma_start3A_218 = arith.constant 0 : i32
        %dma_start3A_219 = tpu.memref_slice %arg8[%run_scoped3A_182, %dma_start3A_218] : memref<2x128xi32, #tpu.memory_space<vmem>> -> memref<1x128xi32, #tpu.memory_space<vmem>>
        %dma_start3A_220 = tpu.memref_squeeze %dma_start3A_219 : memref<1x128xi32, #tpu.memory_space<vmem>> -> memref<128xi32, #tpu.memory_space<vmem>>
        %dma_start3A_221 = arith.constant 0 : i32
        %dma_start3A_222 = arith.constant 0 : i32
        %dma_start3A_223 = tpu.memref_slice %arg19[%dma_start3A_221, %dma_start3A_222] : memref<10240x128xf32, #tpu.memory_space<vmem_shared>> -> memref<10240x128xf32, #tpu.memory_space<vmem_shared>>
        tpu.enqueue_indirect_dma source(%arg11 : memref<128x128xf32, #tpu.memory_space<vmem>>) target(%dma_start3A_223 : memref<10240x128xf32, #tpu.memory_space<vmem_shared>>) offsets(%dma_start3A_220 : memref<128xi32, #tpu.memory_space<vmem>>) semaphore(%run_scoped3A_217 : memref<!tpu.dma_semaphore, #tpu.memory_space<semaphore_mem>>) {add = true}
        %dma_wait3A_224 = arith.constant 0 : i32
        %dma_wait3A_225 = tpu.memref_slice %arg8[%run_scoped3A_182, %dma_wait3A_224] : memref<2x128xi32, #tpu.memory_space<vmem>> -> memref<1x128xi32, #tpu.memory_space<vmem>>
        %dma_wait3A_226 = tpu.memref_squeeze %dma_wait3A_225 : memref<1x128xi32, #tpu.memory_space<vmem>> -> memref<128xi32, #tpu.memory_space<vmem>>
        %dma_wait3A_227 = arith.constant 0 : i32
        %dma_wait3A_228 = arith.constant 0 : i32
        %dma_wait3A_229 = tpu.memref_slice %arg19[%dma_wait3A_227, %dma_wait3A_228] : memref<10240x128xf32, #tpu.memory_space<vmem_shared>> -> memref<10240x128xf32, #tpu.memory_space<vmem_shared>>
        tpu.wait_indirect_dma semaphore(%run_scoped3A_217 : memref<!tpu.dma_semaphore, #tpu.memory_space<semaphore_mem>>) src(%arg11 : memref<128x128xf32, #tpu.memory_space<vmem>>) dst(%dma_wait3A_229 : memref<10240x128xf32, #tpu.memory_space<vmem_shared>>)
        tpu.yield
      }) : () -> ()
      %lt3A_183 = arith.constant 37 : i32
      %lt3A_184 = arith.cmpi slt, %add3A_170, %lt3A_183 : i32
      %convert_element_type3A_185 = arith.extui %lt3A_184 : i1 to i32
      %cond3A_186 = arith.constant 0 : i32
      %cond3A_187 = arith.cmpi ne, %convert_element_type3A_185, %cond3A_186 : i32
      scf.if %cond3A_187 {
        %add3A_217 = arith.constant 4 : i32
        %add3A_218 = arith.addi %add3A_174, %add3A_217 : i32
        %mul3A_219 = arith.constant 78 : i32
        %mul3A_220 = arith.muli %add3A, %mul3A_219 : i32
        %add3A_221 = arith.addi %mul3A_220, %add3A_218 : i32
        %mul3A_222 = arith.constant 128 : i32
        %mul3A_223 = arith.muli %add3A_221, %mul3A_222 : i32
        %multiple_of3A_224 = tpu.assume_multiple %mul3A_223, 128 : i32
        %dma_start3A_225 = arith.constant 0 : i32
        %dma_start3A_226 = tpu.memref_slice %arg2[%dma_start3A_225, %multiple_of3A_224] : memref<2x320000xi32, #tpu.memory_space<hbm>> -> memref<2x128xi32, #tpu.memory_space<hbm>>
        %dma_start3A_227 = arith.constant 0 : i32
        %dma_start3A_228 = tpu.memref_slice %arg2[%dma_start3A_227, %multiple_of3A_224] : memref<2x320000xi32, #tpu.memory_space<hbm>> -> memref<2x128xi32, #tpu.memory_space<hbm>>
        tpu.enqueue_dma source(%dma_start3A_228 : memref<2x128xi32, #tpu.memory_space<hbm>>) target(%arg8 : memref<2x128xi32, #tpu.memory_space<vmem>>) target_semaphore(%arg14 : memref<!tpu.dma_semaphore, #tpu.memory_space<semaphore_mem>>)
      } else {
      }
      %lt3A_188 = arith.constant 38 : i32
      %lt3A_189 = arith.cmpi slt, %add3A_170, %lt3A_188 : i32
      %convert_element_type3A_190 = arith.extui %lt3A_189 : i1 to i32
      %cond3A_191 = arith.constant 0 : i32
      %cond3A_192 = arith.cmpi ne, %convert_element_type3A_190, %cond3A_191 : i32
      scf.if %cond3A_192 {
        %add3A_217 = arith.constant 2 : i32
        %add3A_218 = arith.addi %add3A_174, %add3A_217 : i32
        %mul3A_219 = arith.constant 78 : i32
        %mul3A_220 = arith.muli %add3A, %mul3A_219 : i32
        %add3A_221 = arith.addi %mul3A_220, %add3A_218 : i32
        %mul3A_222 = arith.constant 128 : i32
        %mul3A_223 = arith.muli %add3A_221, %mul3A_222 : i32
        %multiple_of3A_224 = tpu.assume_multiple %mul3A_223, 128 : i32
        %dma_wait3A_225 = arith.constant 0 : i32
        %dma_wait3A_226 = tpu.memref_slice %arg2[%dma_wait3A_225, %multiple_of3A_224] : memref<2x320000xi32, #tpu.memory_space<hbm>> -> memref<2x128xi32, #tpu.memory_space<hbm>>
        %dma_wait3A_227 = arith.constant 0 : i32
        %dma_wait3A_228 = tpu.memref_slice %arg2[%dma_wait3A_227, %multiple_of3A_224] : memref<2x320000xi32, #tpu.memory_space<hbm>> -> memref<2x128xi32, #tpu.memory_space<hbm>>
        tpu.wait_dma2 semaphore(%arg13 : memref<!tpu.dma_semaphore, #tpu.memory_space<semaphore_mem>>) src(%dma_wait3A_228 : memref<2x128xi32, #tpu.memory_space<hbm>>) dst(%arg7 : memref<2x128xi32, #tpu.memory_space<vmem>>)
        %dma_start3A_229 = arith.constant 0 : i32
        %dma_start3A_230 = arith.constant 0 : i32
        %dma_start3A_231 = tpu.memref_slice %arg7[%dma_start3A_229, %dma_start3A_230] : memref<2x128xi32, #tpu.memory_space<vmem>> -> memref<1x128xi32, #tpu.memory_space<vmem>>
        %dma_start3A_232 = tpu.memref_squeeze %dma_start3A_231 : memref<1x128xi32, #tpu.memory_space<vmem>> -> memref<128xi32, #tpu.memory_space<vmem>>
        %dma_start3A_233 = arith.constant 0 : i32
        %dma_start3A_234 = arith.constant 0 : i32
        %dma_start3A_235 = tpu.memref_slice %arg3[%dma_start3A_233, %dma_start3A_234] : memref<10240x128xf32, #tpu.memory_space<hbm>> -> memref<10240x128xf32, #tpu.memory_space<hbm>>
        tpu.enqueue_indirect_dma source(%dma_start3A_235 : memref<10240x128xf32, #tpu.memory_space<hbm>>) target(%arg11 : memref<128x128xf32, #tpu.memory_space<vmem>>) offsets(%dma_start3A_232 : memref<128xi32, #tpu.memory_space<vmem>>) semaphore(%arg17 : memref<!tpu.dma_semaphore, #tpu.memory_space<semaphore_mem>>)
      } else {
      }
      %add3A_193 = arith.constant 1 : i32
      %add3A_194 = arith.addi %mul3A_124, %add3A_193 : i32
      %mul3A_195 = arith.constant 2 : i32
      %mul3A_196 = arith.muli %mul3A_195, %add3A_194 : i32
      %add3A_197 = arith.constant 1 : i32
      %add3A_198 = arith.addi %mul3A_196, %add3A_197 : i32
      %dma_wait3A_199 = arith.constant 0 : i32
      %dma_wait3A_200 = arith.constant 0 : i32
      %dma_wait3A_201 = tpu.memref_slice %arg10[%dma_wait3A_199, %dma_wait3A_200] : memref<2x128xi32, #tpu.memory_space<vmem>> -> memref<1x128xi32, #tpu.memory_space<vmem>>
      %dma_wait3A_202 = tpu.memref_squeeze %dma_wait3A_201 : memref<1x128xi32, #tpu.memory_space<vmem>> -> memref<128xi32, #tpu.memory_space<vmem>>
      %dma_wait3A_203 = arith.constant 0 : i32
      %dma_wait3A_204 = arith.constant 0 : i32
      %dma_wait3A_205 = tpu.memref_slice %arg3[%dma_wait3A_203, %dma_wait3A_204] : memref<10240x128xf32, #tpu.memory_space<hbm>> -> memref<10240x128xf32, #tpu.memory_space<hbm>>
      tpu.wait_indirect_dma semaphore(%arg18 : memref<!tpu.dma_semaphore, #tpu.memory_space<semaphore_mem>>) src(%dma_wait3A_205 : memref<10240x128xf32, #tpu.memory_space<hbm>>) dst(%arg12 : memref<128x128xf32, #tpu.memory_space<vmem>>)
      %run_scoped3A_206 = arith.constant 1 : i32
      "tpu.region"() ({
        %run_scoped3A_217 = tpu.sem_alloc : memref<!tpu.dma_semaphore, #tpu.memory_space<semaphore_mem>>
        %dma_start3A_218 = arith.constant 0 : i32
        %dma_start3A_219 = tpu.memref_slice %arg10[%run_scoped3A_206, %dma_start3A_218] : memref<2x128xi32, #tpu.memory_space<vmem>> -> memref<1x128xi32, #tpu.memory_space<vmem>>
        %dma_start3A_220 = tpu.memref_squeeze %dma_start3A_219 : memref<1x128xi32, #tpu.memory_space<vmem>> -> memref<128xi32, #tpu.memory_space<vmem>>
        %dma_start3A_221 = arith.constant 0 : i32
        %dma_start3A_222 = arith.constant 0 : i32
        %dma_start3A_223 = tpu.memref_slice %arg19[%dma_start3A_221, %dma_start3A_222] : memref<10240x128xf32, #tpu.memory_space<vmem_shared>> -> memref<10240x128xf32, #tpu.memory_space<vmem_shared>>
        tpu.enqueue_indirect_dma source(%arg12 : memref<128x128xf32, #tpu.memory_space<vmem>>) target(%dma_start3A_223 : memref<10240x128xf32, #tpu.memory_space<vmem_shared>>) offsets(%dma_start3A_220 : memref<128xi32, #tpu.memory_space<vmem>>) semaphore(%run_scoped3A_217 : memref<!tpu.dma_semaphore, #tpu.memory_space<semaphore_mem>>) {add = true}
        %dma_wait3A_224 = arith.constant 0 : i32
        %dma_wait3A_225 = tpu.memref_slice %arg10[%run_scoped3A_206, %dma_wait3A_224] : memref<2x128xi32, #tpu.memory_space<vmem>> -> memref<1x128xi32, #tpu.memory_space<vmem>>
        %dma_wait3A_226 = tpu.memref_squeeze %dma_wait3A_225 : memref<1x128xi32, #tpu.memory_space<vmem>> -> memref<128xi32, #tpu.memory_space<vmem>>
        %dma_wait3A_227 = arith.constant 0 : i32
        %dma_wait3A_228 = arith.constant 0 : i32
        %dma_wait3A_229 = tpu.memref_slice %arg19[%dma_wait3A_227, %dma_wait3A_228] : memref<10240x128xf32, #tpu.memory_space<vmem_shared>> -> memref<10240x128xf32, #tpu.memory_space<vmem_shared>>
        tpu.wait_indirect_dma semaphore(%run_scoped3A_217 : memref<!tpu.dma_semaphore, #tpu.memory_space<semaphore_mem>>) src(%arg12 : memref<128x128xf32, #tpu.memory_space<vmem>>) dst(%dma_wait3A_229 : memref<10240x128xf32, #tpu.memory_space<vmem_shared>>)
        tpu.yield
      }) : () -> ()
      %lt3A_207 = arith.constant 37 : i32
      %lt3A_208 = arith.cmpi slt, %add3A_194, %lt3A_207 : i32
      %convert_element_type3A_209 = arith.extui %lt3A_208 : i1 to i32
      %cond3A_210 = arith.constant 0 : i32
      %cond3A_211 = arith.cmpi ne, %convert_element_type3A_209, %cond3A_210 : i32
      scf.if %cond3A_211 {
        %add3A_217 = arith.constant 4 : i32
        %add3A_218 = arith.addi %add3A_198, %add3A_217 : i32
        %mul3A_219 = arith.constant 78 : i32
        %mul3A_220 = arith.muli %add3A, %mul3A_219 : i32
        %add3A_221 = arith.addi %mul3A_220, %add3A_218 : i32
        %mul3A_222 = arith.constant 128 : i32
        %mul3A_223 = arith.muli %add3A_221, %mul3A_222 : i32
        %multiple_of3A_224 = tpu.assume_multiple %mul3A_223, 128 : i32
        %dma_start3A_225 = arith.constant 0 : i32
        %dma_start3A_226 = tpu.memref_slice %arg2[%dma_start3A_225, %multiple_of3A_224] : memref<2x320000xi32, #tpu.memory_space<hbm>> -> memref<2x128xi32, #tpu.memory_space<hbm>>
        %dma_start3A_227 = arith.constant 0 : i32
        %dma_start3A_228 = tpu.memref_slice %arg2[%dma_start3A_227, %multiple_of3A_224] : memref<2x320000xi32, #tpu.memory_space<hbm>> -> memref<2x128xi32, #tpu.memory_space<hbm>>
        tpu.enqueue_dma source(%dma_start3A_228 : memref<2x128xi32, #tpu.memory_space<hbm>>) target(%arg10 : memref<2x128xi32, #tpu.memory_space<vmem>>) target_semaphore(%arg16 : memref<!tpu.dma_semaphore, #tpu.memory_space<semaphore_mem>>)
      } else {
      }
      %lt3A_212 = arith.constant 38 : i32
      %lt3A_213 = arith.cmpi slt, %add3A_194, %lt3A_212 : i32
      %convert_element_type3A_214 = arith.extui %lt3A_213 : i1 to i32
      %cond3A_215 = arith.constant 0 : i32
      %cond3A_216 = arith.cmpi ne, %convert_element_type3A_214, %cond3A_215 : i32
      scf.if %cond3A_216 {
        %add3A_217 = arith.constant 2 : i32
        %add3A_218 = arith.addi %add3A_198, %add3A_217 : i32
        %mul3A_219 = arith.constant 78 : i32
        %mul3A_220 = arith.muli %add3A, %mul3A_219 : i32
        %add3A_221 = arith.addi %mul3A_220, %add3A_218 : i32
        %mul3A_222 = arith.constant 128 : i32
        %mul3A_223 = arith.muli %add3A_221, %mul3A_222 : i32
        %multiple_of3A_224 = tpu.assume_multiple %mul3A_223, 128 : i32
        %dma_wait3A_225 = arith.constant 0 : i32
        %dma_wait3A_226 = tpu.memref_slice %arg2[%dma_wait3A_225, %multiple_of3A_224] : memref<2x320000xi32, #tpu.memory_space<hbm>> -> memref<2x128xi32, #tpu.memory_space<hbm>>
        %dma_wait3A_227 = arith.constant 0 : i32
        %dma_wait3A_228 = tpu.memref_slice %arg2[%dma_wait3A_227, %multiple_of3A_224] : memref<2x320000xi32, #tpu.memory_space<hbm>> -> memref<2x128xi32, #tpu.memory_space<hbm>>
        tpu.wait_dma2 semaphore(%arg15 : memref<!tpu.dma_semaphore, #tpu.memory_space<semaphore_mem>>) src(%dma_wait3A_228 : memref<2x128xi32, #tpu.memory_space<hbm>>) dst(%arg9 : memref<2x128xi32, #tpu.memory_space<vmem>>)
        %dma_start3A_229 = arith.constant 0 : i32
        %dma_start3A_230 = arith.constant 0 : i32
        %dma_start3A_231 = tpu.memref_slice %arg9[%dma_start3A_229, %dma_start3A_230] : memref<2x128xi32, #tpu.memory_space<vmem>> -> memref<1x128xi32, #tpu.memory_space<vmem>>
        %dma_start3A_232 = tpu.memref_squeeze %dma_start3A_231 : memref<1x128xi32, #tpu.memory_space<vmem>> -> memref<128xi32, #tpu.memory_space<vmem>>
        %dma_start3A_233 = arith.constant 0 : i32
        %dma_start3A_234 = arith.constant 0 : i32
        %dma_start3A_235 = tpu.memref_slice %arg3[%dma_start3A_233, %dma_start3A_234] : memref<10240x128xf32, #tpu.memory_space<hbm>> -> memref<10240x128xf32, #tpu.memory_space<hbm>>
        tpu.enqueue_indirect_dma source(%dma_start3A_235 : memref<10240x128xf32, #tpu.memory_space<hbm>>) target(%arg12 : memref<128x128xf32, #tpu.memory_space<vmem>>) offsets(%dma_start3A_232 : memref<128xi32, #tpu.memory_space<vmem>>) semaphore(%arg18 : memref<!tpu.dma_semaphore, #tpu.memory_space<semaphore_mem>>)
      } else {
      }
    }
    %scan3A_91 = arith.constant 19 : i32
    %dma_wait3A_92 = arith.constant 0 : i32
    %dma_wait3A_93 = arith.constant 0 : i32
    %dma_wait3A_94 = tpu.memref_slice %arg7[%dma_wait3A_92, %dma_wait3A_93] : memref<2x128xi32, #tpu.memory_space<vmem>> -> memref<1x128xi32, #tpu.memory_space<vmem>>
    %dma_wait3A_95 = tpu.memref_squeeze %dma_wait3A_94 : memref<1x128xi32, #tpu.memory_space<vmem>> -> memref<128xi32, #tpu.memory_space<vmem>>
    %dma_wait3A_96 = arith.constant 0 : i32
    %dma_wait3A_97 = arith.constant 0 : i32
    %dma_wait3A_98 = tpu.memref_slice %arg3[%dma_wait3A_96, %dma_wait3A_97] : memref<10240x128xf32, #tpu.memory_space<hbm>> -> memref<10240x128xf32, #tpu.memory_space<hbm>>
    tpu.wait_indirect_dma semaphore(%arg17 : memref<!tpu.dma_semaphore, #tpu.memory_space<semaphore_mem>>) src(%dma_wait3A_98 : memref<10240x128xf32, #tpu.memory_space<hbm>>) dst(%arg11 : memref<128x128xf32, #tpu.memory_space<vmem>>)
    %run_scoped3A = arith.constant 1 : i32
    "tpu.region"() ({
      %run_scoped3A_122 = tpu.sem_alloc : memref<!tpu.dma_semaphore, #tpu.memory_space<semaphore_mem>>
      %dma_start3A_123 = arith.constant 0 : i32
      %dma_start3A_124 = tpu.memref_slice %arg7[%run_scoped3A, %dma_start3A_123] : memref<2x128xi32, #tpu.memory_space<vmem>> -> memref<1x128xi32, #tpu.memory_space<vmem>>
      %dma_start3A_125 = tpu.memref_squeeze %dma_start3A_124 : memref<1x128xi32, #tpu.memory_space<vmem>> -> memref<128xi32, #tpu.memory_space<vmem>>
      %dma_start3A_126 = arith.constant 0 : i32
      %dma_start3A_127 = arith.constant 0 : i32
      %dma_start3A_128 = tpu.memref_slice %arg19[%dma_start3A_126, %dma_start3A_127] : memref<10240x128xf32, #tpu.memory_space<vmem_shared>> -> memref<10240x128xf32, #tpu.memory_space<vmem_shared>>
      tpu.enqueue_indirect_dma source(%arg11 : memref<128x128xf32, #tpu.memory_space<vmem>>) target(%dma_start3A_128 : memref<10240x128xf32, #tpu.memory_space<vmem_shared>>) offsets(%dma_start3A_125 : memref<128xi32, #tpu.memory_space<vmem>>) semaphore(%run_scoped3A_122 : memref<!tpu.dma_semaphore, #tpu.memory_space<semaphore_mem>>) {add = true}
      %dma_wait3A_129 = arith.constant 0 : i32
      %dma_wait3A_130 = tpu.memref_slice %arg7[%run_scoped3A, %dma_wait3A_129] : memref<2x128xi32, #tpu.memory_space<vmem>> -> memref<1x128xi32, #tpu.memory_space<vmem>>
      %dma_wait3A_131 = tpu.memref_squeeze %dma_wait3A_130 : memref<1x128xi32, #tpu.memory_space<vmem>> -> memref<128xi32, #tpu.memory_space<vmem>>
      %dma_wait3A_132 = arith.constant 0 : i32
      %dma_wait3A_133 = arith.constant 0 : i32
      %dma_wait3A_134 = tpu.memref_slice %arg19[%dma_wait3A_132, %dma_wait3A_133] : memref<10240x128xf32, #tpu.memory_space<vmem_shared>> -> memref<10240x128xf32, #tpu.memory_space<vmem_shared>>
      tpu.wait_indirect_dma semaphore(%run_scoped3A_122 : memref<!tpu.dma_semaphore, #tpu.memory_space<semaphore_mem>>) src(%arg11 : memref<128x128xf32, #tpu.memory_space<vmem>>) dst(%dma_wait3A_134 : memref<10240x128xf32, #tpu.memory_space<vmem_shared>>)
      tpu.yield
    }) : () -> ()
    %dma_wait3A_99 = arith.constant 0 : i32
    %dma_wait3A_100 = arith.constant 0 : i32
    %dma_wait3A_101 = tpu.memref_slice %arg9[%dma_wait3A_99, %dma_wait3A_100] : memref<2x128xi32, #tpu.memory_space<vmem>> -> memref<1x128xi32, #tpu.memory_space<vmem>>
    %dma_wait3A_102 = tpu.memref_squeeze %dma_wait3A_101 : memref<1x128xi32, #tpu.memory_space<vmem>> -> memref<128xi32, #tpu.memory_space<vmem>>
    %dma_wait3A_103 = arith.constant 0 : i32
    %dma_wait3A_104 = arith.constant 0 : i32
    %dma_wait3A_105 = tpu.memref_slice %arg3[%dma_wait3A_103, %dma_wait3A_104] : memref<10240x128xf32, #tpu.memory_space<hbm>> -> memref<10240x128xf32, #tpu.memory_space<hbm>>
    tpu.wait_indirect_dma semaphore(%arg18 : memref<!tpu.dma_semaphore, #tpu.memory_space<semaphore_mem>>) src(%dma_wait3A_105 : memref<10240x128xf32, #tpu.memory_space<hbm>>) dst(%arg12 : memref<128x128xf32, #tpu.memory_space<vmem>>)
    %run_scoped3A_106 = arith.constant 1 : i32
    "tpu.region"() ({
      %run_scoped3A_122 = tpu.sem_alloc : memref<!tpu.dma_semaphore, #tpu.memory_space<semaphore_mem>>
      %dma_start3A_123 = arith.constant 0 : i32
      %dma_start3A_124 = tpu.memref_slice %arg9[%run_scoped3A_106, %dma_start3A_123] : memref<2x128xi32, #tpu.memory_space<vmem>> -> memref<1x128xi32, #tpu.memory_space<vmem>>
      %dma_start3A_125 = tpu.memref_squeeze %dma_start3A_124 : memref<1x128xi32, #tpu.memory_space<vmem>> -> memref<128xi32, #tpu.memory_space<vmem>>
      %dma_start3A_126 = arith.constant 0 : i32
      %dma_start3A_127 = arith.constant 0 : i32
      %dma_start3A_128 = tpu.memref_slice %arg19[%dma_start3A_126, %dma_start3A_127] : memref<10240x128xf32, #tpu.memory_space<vmem_shared>> -> memref<10240x128xf32, #tpu.memory_space<vmem_shared>>
      tpu.enqueue_indirect_dma source(%arg12 : memref<128x128xf32, #tpu.memory_space<vmem>>) target(%dma_start3A_128 : memref<10240x128xf32, #tpu.memory_space<vmem_shared>>) offsets(%dma_start3A_125 : memref<128xi32, #tpu.memory_space<vmem>>) semaphore(%run_scoped3A_122 : memref<!tpu.dma_semaphore, #tpu.memory_space<semaphore_mem>>) {add = true}
      %dma_wait3A_129 = arith.constant 0 : i32
      %dma_wait3A_130 = tpu.memref_slice %arg9[%run_scoped3A_106, %dma_wait3A_129] : memref<2x128xi32, #tpu.memory_space<vmem>> -> memref<1x128xi32, #tpu.memory_space<vmem>>
      %dma_wait3A_131 = tpu.memref_squeeze %dma_wait3A_130 : memref<1x128xi32, #tpu.memory_space<vmem>> -> memref<128xi32, #tpu.memory_space<vmem>>
      %dma_wait3A_132 = arith.constant 0 : i32
      %dma_wait3A_133 = arith.constant 0 : i32
      %dma_wait3A_134 = tpu.memref_slice %arg19[%dma_wait3A_132, %dma_wait3A_133] : memref<10240x128xf32, #tpu.memory_space<vmem_shared>> -> memref<10240x128xf32, #tpu.memory_space<vmem_shared>>
      tpu.wait_indirect_dma semaphore(%run_scoped3A_122 : memref<!tpu.dma_semaphore, #tpu.memory_space<semaphore_mem>>) src(%arg12 : memref<128x128xf32, #tpu.memory_space<vmem>>) dst(%dma_wait3A_134 : memref<10240x128xf32, #tpu.memory_space<vmem_shared>>)
      tpu.yield
    }) : () -> ()
    %lt3A = arith.constant 4 : i32
    %lt3A_107 = arith.cmpi slt, %add3A, %lt3A : i32
    %convert_element_type3A_108 = arith.extui %lt3A_107 : i1 to i32
    %cond3A_109 = arith.constant 0 : i32
    %cond3A_110 = arith.cmpi ne, %convert_element_type3A_108, %cond3A_109 : i32
    scf.if %cond3A_110 {
      %add3A_122 = arith.constant 2496 : i32
      %add3A_123 = arith.addi %add3A_122, %add3A : i32
      %mul3A_124 = arith.constant 128 : i32
      %mul3A_125 = arith.muli %add3A_123, %mul3A_124 : i32
      %multiple_of3A_126 = tpu.assume_multiple %mul3A_125, 128 : i32
      "tpu.region"() ({
        %run_scoped3A_142 = tpu.sem_alloc : memref<!tpu.dma_semaphore, #tpu.memory_space<semaphore_mem>>
        %dma_start3A_143 = arith.constant 0 : i32
        %dma_start3A_144 = tpu.memref_slice %arg2[%dma_start3A_143, %multiple_of3A_126] : memref<2x320000xi32, #tpu.memory_space<hbm>> -> memref<2x128xi32, #tpu.memory_space<hbm>>
        %dma_start3A_145 = arith.constant 0 : i32
        %dma_start3A_146 = tpu.memref_slice %arg2[%dma_start3A_145, %multiple_of3A_126] : memref<2x320000xi32, #tpu.memory_space<hbm>> -> memref<2x128xi32, #tpu.memory_space<hbm>>
        tpu.enqueue_dma source(%dma_start3A_146 : memref<2x128xi32, #tpu.memory_space<hbm>>) target(%arg7 : memref<2x128xi32, #tpu.memory_space<vmem>>) target_semaphore(%run_scoped3A_142 : memref<!tpu.dma_semaphore, #tpu.memory_space<semaphore_mem>>)
        %dma_wait3A_147 = arith.constant 0 : i32
        %dma_wait3A_148 = tpu.memref_slice %arg2[%dma_wait3A_147, %multiple_of3A_126] : memref<2x320000xi32, #tpu.memory_space<hbm>> -> memref<2x128xi32, #tpu.memory_space<hbm>>
        %dma_wait3A_149 = arith.constant 0 : i32
        %dma_wait3A_150 = tpu.memref_slice %arg2[%dma_wait3A_149, %multiple_of3A_126] : memref<2x320000xi32, #tpu.memory_space<hbm>> -> memref<2x128xi32, #tpu.memory_space<hbm>>
        tpu.wait_dma2 semaphore(%run_scoped3A_142 : memref<!tpu.dma_semaphore, #tpu.memory_space<semaphore_mem>>) src(%dma_wait3A_150 : memref<2x128xi32, #tpu.memory_space<hbm>>) dst(%arg7 : memref<2x128xi32, #tpu.memory_space<vmem>>)
        tpu.yield
      }) : () -> ()
      %dma_start3A_127 = arith.constant 0 : i32
      %dma_start3A_128 = arith.constant 0 : i32
      %dma_start3A_129 = tpu.memref_slice %arg7[%dma_start3A_127, %dma_start3A_128] : memref<2x128xi32, #tpu.memory_space<vmem>> -> memref<1x128xi32, #tpu.memory_space<vmem>>
      %dma_start3A_130 = tpu.memref_squeeze %dma_start3A_129 : memref<1x128xi32, #tpu.memory_space<vmem>> -> memref<128xi32, #tpu.memory_space<vmem>>
      %dma_start3A_131 = arith.constant 0 : i32
      %dma_start3A_132 = arith.constant 0 : i32
      %dma_start3A_133 = tpu.memref_slice %arg3[%dma_start3A_131, %dma_start3A_132] : memref<10240x128xf32, #tpu.memory_space<hbm>> -> memref<10240x128xf32, #tpu.memory_space<hbm>>
      tpu.enqueue_indirect_dma source(%dma_start3A_133 : memref<10240x128xf32, #tpu.memory_space<hbm>>) target(%arg11 : memref<128x128xf32, #tpu.memory_space<vmem>>) offsets(%dma_start3A_130 : memref<128xi32, #tpu.memory_space<vmem>>) semaphore(%arg17 : memref<!tpu.dma_semaphore, #tpu.memory_space<semaphore_mem>>)
      %dma_wait3A_134 = arith.constant 0 : i32
      %dma_wait3A_135 = arith.constant 0 : i32
      %dma_wait3A_136 = tpu.memref_slice %arg7[%dma_wait3A_134, %dma_wait3A_135] : memref<2x128xi32, #tpu.memory_space<vmem>> -> memref<1x128xi32, #tpu.memory_space<vmem>>
      %dma_wait3A_137 = tpu.memref_squeeze %dma_wait3A_136 : memref<1x128xi32, #tpu.memory_space<vmem>> -> memref<128xi32, #tpu.memory_space<vmem>>
      %dma_wait3A_138 = arith.constant 0 : i32
      %dma_wait3A_139 = arith.constant 0 : i32
      %dma_wait3A_140 = tpu.memref_slice %arg3[%dma_wait3A_138, %dma_wait3A_139] : memref<10240x128xf32, #tpu.memory_space<hbm>> -> memref<10240x128xf32, #tpu.memory_space<hbm>>
      tpu.wait_indirect_dma semaphore(%arg17 : memref<!tpu.dma_semaphore, #tpu.memory_space<semaphore_mem>>) src(%dma_wait3A_140 : memref<10240x128xf32, #tpu.memory_space<hbm>>) dst(%arg11 : memref<128x128xf32, #tpu.memory_space<vmem>>)
      %run_scoped3A_141 = arith.constant 1 : i32
      "tpu.region"() ({
        %run_scoped3A_142 = tpu.sem_alloc : memref<!tpu.dma_semaphore, #tpu.memory_space<semaphore_mem>>
        %dma_start3A_143 = arith.constant 0 : i32
        %dma_start3A_144 = tpu.memref_slice %arg7[%run_scoped3A_141, %dma_start3A_143] : memref<2x128xi32, #tpu.memory_space<vmem>> -> memref<1x128xi32, #tpu.memory_space<vmem>>
        %dma_start3A_145 = tpu.memref_squeeze %dma_start3A_144 : memref<1x128xi32, #tpu.memory_space<vmem>> -> memref<128xi32, #tpu.memory_space<vmem>>
        %dma_start3A_146 = arith.constant 0 : i32
        %dma_start3A_147 = arith.constant 0 : i32
        %dma_start3A_148 = tpu.memref_slice %arg19[%dma_start3A_146, %dma_start3A_147] : memref<10240x128xf32, #tpu.memory_space<vmem_shared>> -> memref<10240x128xf32, #tpu.memory_space<vmem_shared>>
        tpu.enqueue_indirect_dma source(%arg11 : memref<128x128xf32, #tpu.memory_space<vmem>>) target(%dma_start3A_148 : memref<10240x128xf32, #tpu.memory_space<vmem_shared>>) offsets(%dma_start3A_145 : memref<128xi32, #tpu.memory_space<vmem>>) semaphore(%run_scoped3A_142 : memref<!tpu.dma_semaphore, #tpu.memory_space<semaphore_mem>>) {add = true}
        %dma_wait3A_149 = arith.constant 0 : i32
        %dma_wait3A_150 = tpu.memref_slice %arg7[%run_scoped3A_141, %dma_wait3A_149] : memref<2x128xi32, #tpu.memory_space<vmem>> -> memref<1x128xi32, #tpu.memory_space<vmem>>
        %dma_wait3A_151 = tpu.memref_squeeze %dma_wait3A_150 : memref<1x128xi32, #tpu.memory_space<vmem>> -> memref<128xi32, #tpu.memory_space<vmem>>
        %dma_wait3A_152 = arith.constant 0 : i32
        %dma_wait3A_153 = arith.constant 0 : i32
        %dma_wait3A_154 = tpu.memref_slice %arg19[%dma_wait3A_152, %dma_wait3A_153] : memref<10240x128xf32, #tpu.memory_space<vmem_shared>> -> memref<10240x128xf32, #tpu.memory_space<vmem_shared>>
        tpu.wait_indirect_dma semaphore(%run_scoped3A_142 : memref<!tpu.dma_semaphore, #tpu.memory_space<semaphore_mem>>) src(%arg11 : memref<128x128xf32, #tpu.memory_space<vmem>>) dst(%dma_wait3A_154 : memref<10240x128xf32, #tpu.memory_space<vmem_shared>>)
        tpu.yield
      }) : () -> ()
    } else {
    }
    %barrier3A_111 = arith.constant 0 : index
    tpu.barrier barrier_id(%barrier3A_111)
    %eq3A_112 = arith.constant 0 : i32
    %eq3A_113 = arith.cmpi eq, %arg0, %eq3A_112 : i32
    %convert_element_type3A_114 = arith.extui %eq3A_113 : i1 to i32
    %cond3A_115 = arith.constant 0 : i32
    %cond3A_116 = arith.cmpi ne, %convert_element_type3A_114, %cond3A_115 : i32
    scf.if %cond3A_116 {
      "tpu.region"() ({
        %run_scoped3A_122 = tpu.sem_alloc : memref<!tpu.dma_semaphore, #tpu.memory_space<semaphore_mem>>
        %dma_start3A_123 = arith.constant 0 : i32
        %dma_start3A_124 = tpu.memref_slice %arg5[%mul3A_2, %dma_start3A_123] : memref<10240x128xf32, #tpu.memory_space<hbm>> -> memref<640x128xf32, #tpu.memory_space<hbm>>
        %dma_start3A_125 = arith.constant 0 : i32
        %dma_start3A_126 = tpu.memref_slice %arg19[%mul3A_2, %dma_start3A_125] : memref<10240x128xf32, #tpu.memory_space<vmem_shared>> -> memref<640x128xf32, #tpu.memory_space<vmem_shared>>
        tpu.enqueue_dma source(%dma_start3A_126 : memref<640x128xf32, #tpu.memory_space<vmem_shared>>) target(%dma_start3A_124 : memref<640x128xf32, #tpu.memory_space<hbm>>) target_semaphore(%run_scoped3A_122 : memref<!tpu.dma_semaphore, #tpu.memory_space<semaphore_mem>>)
        %dma_wait3A_127 = arith.constant 0 : i32
        %dma_wait3A_128 = tpu.memref_slice %arg5[%mul3A_2, %dma_wait3A_127] : memref<10240x128xf32, #tpu.memory_space<hbm>> -> memref<640x128xf32, #tpu.memory_space<hbm>>
        %dma_wait3A_129 = arith.constant 0 : i32
        %dma_wait3A_130 = tpu.memref_slice %arg19[%mul3A_2, %dma_wait3A_129] : memref<10240x128xf32, #tpu.memory_space<vmem_shared>> -> memref<640x128xf32, #tpu.memory_space<vmem_shared>>
        tpu.wait_dma2 semaphore(%run_scoped3A_122 : memref<!tpu.dma_semaphore, #tpu.memory_space<semaphore_mem>>) src(%dma_wait3A_130 : memref<640x128xf32, #tpu.memory_space<vmem_shared>>) dst(%dma_wait3A_128 : memref<640x128xf32, #tpu.memory_space<hbm>>)
        tpu.yield
      }) : () -> ()
    } else {
    }
    %eq3A_117 = arith.constant 1 : i32
    %eq3A_118 = arith.cmpi eq, %arg0, %eq3A_117 : i32
    %convert_element_type3A_119 = arith.extui %eq3A_118 : i1 to i32
    %cond3A_120 = arith.constant 0 : i32
    %cond3A_121 = arith.cmpi ne, %convert_element_type3A_119, %cond3A_120 : i32
    scf.if %cond3A_121 {
      "tpu.region"() ({
        %run_scoped3A_122 = tpu.sem_alloc : memref<!tpu.dma_semaphore, #tpu.memory_space<semaphore_mem>>
        %dma_start3A_123 = arith.constant 0 : i32
        %dma_start3A_124 = tpu.memref_slice %arg6[%mul3A_2, %dma_start3A_123] : memref<10240x128xf32, #tpu.memory_space<hbm>> -> memref<640x128xf32, #tpu.memory_space<hbm>>
        %dma_start3A_125 = arith.constant 0 : i32
        %dma_start3A_126 = tpu.memref_slice %arg19[%mul3A_2, %dma_start3A_125] : memref<10240x128xf32, #tpu.memory_space<vmem_shared>> -> memref<640x128xf32, #tpu.memory_space<vmem_shared>>
        tpu.enqueue_dma source(%dma_start3A_126 : memref<640x128xf32, #tpu.memory_space<vmem_shared>>) target(%dma_start3A_124 : memref<640x128xf32, #tpu.memory_space<hbm>>) target_semaphore(%run_scoped3A_122 : memref<!tpu.dma_semaphore, #tpu.memory_space<semaphore_mem>>)
        %dma_wait3A_127 = arith.constant 0 : i32
        %dma_wait3A_128 = tpu.memref_slice %arg6[%mul3A_2, %dma_wait3A_127] : memref<10240x128xf32, #tpu.memory_space<hbm>> -> memref<640x128xf32, #tpu.memory_space<hbm>>
        %dma_wait3A_129 = arith.constant 0 : i32
        %dma_wait3A_130 = tpu.memref_slice %arg19[%mul3A_2, %dma_wait3A_129] : memref<10240x128xf32, #tpu.memory_space<vmem_shared>> -> memref<640x128xf32, #tpu.memory_space<vmem_shared>>
        tpu.wait_dma2 semaphore(%run_scoped3A_122 : memref<!tpu.dma_semaphore, #tpu.memory_space<semaphore_mem>>) src(%dma_wait3A_130 : memref<640x128xf32, #tpu.memory_space<vmem_shared>>) dst(%dma_wait3A_128 : memref<640x128xf32, #tpu.memory_space<hbm>>)
        tpu.yield
      }) : () -> ()
    } else {
    }
    return
  }
}

#map = affine_map<(d0, d1) -> (0, 0)>
module attributes {stable_mosaic.version = 14 : i64} {
  func.func @k(%arg0: i32, %arg1: i32, %arg2: memref<2x320000xi32, #tpu.memory_space<hbm>>, %arg3: memref<10240x16xf32, #tpu.memory_space<hbm>>, %arg4: memref<10240x16xf32, #tpu.memory_space<hbm>>, %arg5: memref<10240x16xf32, #tpu.memory_space<hbm>>, %arg6: memref<10240x16xf32, #tpu.memory_space<hbm>>, %arg7: memref<2x128xi32, #tpu.memory_space<vmem>>, %arg8: memref<2x128xi32, #tpu.memory_space<vmem>>, %arg9: memref<2x128xi32, #tpu.memory_space<vmem>>, %arg10: memref<2x128xi32, #tpu.memory_space<vmem>>, %arg11: memref<128x16xf32, #tpu.memory_space<vmem>>, %arg12: memref<128x16xf32, #tpu.memory_space<vmem>>, %arg13: memref<!tpu.dma_semaphore, #tpu.memory_space<semaphore_mem>>, %arg14: memref<!tpu.dma_semaphore, #tpu.memory_space<semaphore_mem>>, %arg15: memref<!tpu.dma_semaphore, #tpu.memory_space<semaphore_mem>>, %arg16: memref<!tpu.dma_semaphore, #tpu.memory_space<semaphore_mem>>, %arg17: memref<!tpu.dma_semaphore, #tpu.memory_space<semaphore_mem>>, %arg18: memref<!tpu.dma_semaphore, #tpu.memory_space<semaphore_mem>>, %arg19: memref<10240x16xf32, #tpu.memory_space<vmem_shared>>) attributes {dimension_semantics = [#tpu.dimension_semantics<core_parallel>, #tpu.dimension_semantics<subcore_parallel>], iteration_bounds = array<i64: 2, 16>, scalar_prefetch = 0 : i64, scratch_operands = 13 : i64, tpu.core_type = #tpu.core_type<sc_vector_subcore>, window_params = [{transform_indices = #map}, {transform_indices = #map}, {transform_indices = #map}, {transform_indices = #map}, {transform_indices = #map}]} {
    %mul3A = arith.constant 16 : i32
    %mul3A_0 = arith.muli %arg0, %mul3A : i32
    %add3A = arith.addi %mul3A_0, %arg1 : i32
    %mul3A_1 = arith.constant 640 : i32
    %mul3A_2 = arith.muli %arg1, %mul3A_1 : i32
    %eq3A = arith.constant 0 : i32
    %eq3A_3 = arith.cmpi eq, %arg0, %eq3A : i32
    %convert_element_type3A = arith.extui %eq3A_3 : i1 to i32
    %cond3A = arith.constant 0 : i32
    %cond3A_4 = arith.cmpi ne, %convert_element_type3A, %cond3A : i32
    scf.if %cond3A_4 {
      "tpu.region"() ({
        %run_scoped3A_122 = tpu.sem_alloc : memref<!tpu.dma_semaphore, #tpu.memory_space<semaphore_mem>>
        %dma_start3A_123 = arith.constant 0 : i32
        %dma_start3A_124 = tpu.memref_slice %arg19[%mul3A_2, %dma_start3A_123] : memref<10240x16xf32, #tpu.memory_space<vmem_shared>> -> memref<640x16xf32, #tpu.memory_space<vmem_shared>>
        %dma_start3A_125 = arith.constant 0 : i32
        %dma_start3A_126 = tpu.memref_slice %arg3[%mul3A_2, %dma_start3A_125] : memref<10240x16xf32, #tpu.memory_space<hbm>> -> memref<640x16xf32, #tpu.memory_space<hbm>>
        tpu.enqueue_dma source(%dma_start3A_126 : memref<640x16xf32, #tpu.memory_space<hbm>>) target(%dma_start3A_124 : memref<640x16xf32, #tpu.memory_space<vmem_shared>>) target_semaphore(%run_scoped3A_122 : memref<!tpu.dma_semaphore, #tpu.memory_space<semaphore_mem>>)
        %dma_wait3A_127 = arith.constant 0 : i32
        %dma_wait3A_128 = tpu.memref_slice %arg19[%mul3A_2, %dma_wait3A_127] : memref<10240x16xf32, #tpu.memory_space<vmem_shared>> -> memref<640x16xf32, #tpu.memory_space<vmem_shared>>
        %dma_wait3A_129 = arith.constant 0 : i32
        %dma_wait3A_130 = tpu.memref_slice %arg3[%mul3A_2, %dma_wait3A_129] : memref<10240x16xf32, #tpu.memory_space<hbm>> -> memref<640x16xf32, #tpu.memory_space<hbm>>
        tpu.wait_dma2 semaphore(%run_scoped3A_122 : memref<!tpu.dma_semaphore, #tpu.memory_space<semaphore_mem>>) src(%dma_wait3A_130 : memref<640x16xf32, #tpu.memory_space<hbm>>) dst(%dma_wait3A_128 : memref<640x16xf32, #tpu.memory_space<vmem_shared>>)
        tpu.yield
      }) : () -> ()
    } else {
    }
    %eq3A_5 = arith.constant 1 : i32
    %eq3A_6 = arith.cmpi eq, %arg0, %eq3A_5 : i32
    %convert_element_type3A_7 = arith.extui %eq3A_6 : i1 to i32
    %cond3A_8 = arith.constant 0 : i32
    %cond3A_9 = arith.cmpi ne, %convert_element_type3A_7, %cond3A_8 : i32
    scf.if %cond3A_9 {
      "tpu.region"() ({
        %run_scoped3A_122 = tpu.sem_alloc : memref<!tpu.dma_semaphore, #tpu.memory_space<semaphore_mem>>
        %dma_start3A_123 = arith.constant 0 : i32
        %dma_start3A_124 = tpu.memref_slice %arg19[%mul3A_2, %dma_start3A_123] : memref<10240x16xf32, #tpu.memory_space<vmem_shared>> -> memref<640x16xf32, #tpu.memory_space<vmem_shared>>
        %dma_start3A_125 = arith.constant 0 : i32
        %dma_start3A_126 = tpu.memref_slice %arg4[%mul3A_2, %dma_start3A_125] : memref<10240x16xf32, #tpu.memory_space<hbm>> -> memref<640x16xf32, #tpu.memory_space<hbm>>
        tpu.enqueue_dma source(%dma_start3A_126 : memref<640x16xf32, #tpu.memory_space<hbm>>) target(%dma_start3A_124 : memref<640x16xf32, #tpu.memory_space<vmem_shared>>) target_semaphore(%run_scoped3A_122 : memref<!tpu.dma_semaphore, #tpu.memory_space<semaphore_mem>>)
        %dma_wait3A_127 = arith.constant 0 : i32
        %dma_wait3A_128 = tpu.memref_slice %arg19[%mul3A_2, %dma_wait3A_127] : memref<10240x16xf32, #tpu.memory_space<vmem_shared>> -> memref<640x16xf32, #tpu.memory_space<vmem_shared>>
        %dma_wait3A_129 = arith.constant 0 : i32
        %dma_wait3A_130 = tpu.memref_slice %arg4[%mul3A_2, %dma_wait3A_129] : memref<10240x16xf32, #tpu.memory_space<hbm>> -> memref<640x16xf32, #tpu.memory_space<hbm>>
        tpu.wait_dma2 semaphore(%run_scoped3A_122 : memref<!tpu.dma_semaphore, #tpu.memory_space<semaphore_mem>>) src(%dma_wait3A_130 : memref<640x16xf32, #tpu.memory_space<hbm>>) dst(%dma_wait3A_128 : memref<640x16xf32, #tpu.memory_space<vmem_shared>>)
        tpu.yield
      }) : () -> ()
    } else {
    }
    %barrier3A = arith.constant 0 : index
    tpu.barrier barrier_id(%barrier3A)
    %mul3A_10 = arith.constant 78 : i32
    %mul3A_11 = arith.muli %add3A, %mul3A_10 : i32
    %add3A_12 = arith.constant 0 : i32
    %add3A_13 = arith.addi %mul3A_11, %add3A_12 : i32
    %mul3A_14 = arith.constant 128 : i32
    %mul3A_15 = arith.muli %add3A_13, %mul3A_14 : i32
    %multiple_of3A = tpu.assume_multiple %mul3A_15, 128 : i32
    %dma_start3A = arith.constant 0 : i32
    %dma_start3A_16 = tpu.memref_slice %arg2[%dma_start3A, %multiple_of3A] : memref<2x320000xi32, #tpu.memory_space<hbm>> -> memref<2x128xi32, #tpu.memory_space<hbm>>
    %dma_start3A_17 = arith.constant 0 : i32
    %dma_start3A_18 = tpu.memref_slice %arg2[%dma_start3A_17, %multiple_of3A] : memref<2x320000xi32, #tpu.memory_space<hbm>> -> memref<2x128xi32, #tpu.memory_space<hbm>>
    tpu.enqueue_dma source(%dma_start3A_18 : memref<2x128xi32, #tpu.memory_space<hbm>>) target(%arg7 : memref<2x128xi32, #tpu.memory_space<vmem>>) target_semaphore(%arg13 : memref<!tpu.dma_semaphore, #tpu.memory_space<semaphore_mem>>)
    %mul3A_19 = arith.constant 78 : i32
    %mul3A_20 = arith.muli %add3A, %mul3A_19 : i32
    %add3A_21 = arith.constant 1 : i32
    %add3A_22 = arith.addi %mul3A_20, %add3A_21 : i32
    %mul3A_23 = arith.constant 128 : i32
    %mul3A_24 = arith.muli %add3A_22, %mul3A_23 : i32
    %multiple_of3A_25 = tpu.assume_multiple %mul3A_24, 128 : i32
    %dma_start3A_26 = arith.constant 0 : i32
    %dma_start3A_27 = tpu.memref_slice %arg2[%dma_start3A_26, %multiple_of3A_25] : memref<2x320000xi32, #tpu.memory_space<hbm>> -> memref<2x128xi32, #tpu.memory_space<hbm>>
    %dma_start3A_28 = arith.constant 0 : i32
    %dma_start3A_29 = tpu.memref_slice %arg2[%dma_start3A_28, %multiple_of3A_25] : memref<2x320000xi32, #tpu.memory_space<hbm>> -> memref<2x128xi32, #tpu.memory_space<hbm>>
    tpu.enqueue_dma source(%dma_start3A_29 : memref<2x128xi32, #tpu.memory_space<hbm>>) target(%arg9 : memref<2x128xi32, #tpu.memory_space<vmem>>) target_semaphore(%arg15 : memref<!tpu.dma_semaphore, #tpu.memory_space<semaphore_mem>>)
    %mul3A_30 = arith.constant 78 : i32
    %mul3A_31 = arith.muli %add3A, %mul3A_30 : i32
    %add3A_32 = arith.constant 2 : i32
    %add3A_33 = arith.addi %mul3A_31, %add3A_32 : i32
    %mul3A_34 = arith.constant 128 : i32
    %mul3A_35 = arith.muli %add3A_33, %mul3A_34 : i32
    %multiple_of3A_36 = tpu.assume_multiple %mul3A_35, 128 : i32
    %dma_start3A_37 = arith.constant 0 : i32
    %dma_start3A_38 = tpu.memref_slice %arg2[%dma_start3A_37, %multiple_of3A_36] : memref<2x320000xi32, #tpu.memory_space<hbm>> -> memref<2x128xi32, #tpu.memory_space<hbm>>
    %dma_start3A_39 = arith.constant 0 : i32
    %dma_start3A_40 = tpu.memref_slice %arg2[%dma_start3A_39, %multiple_of3A_36] : memref<2x320000xi32, #tpu.memory_space<hbm>> -> memref<2x128xi32, #tpu.memory_space<hbm>>
    tpu.enqueue_dma source(%dma_start3A_40 : memref<2x128xi32, #tpu.memory_space<hbm>>) target(%arg8 : memref<2x128xi32, #tpu.memory_space<vmem>>) target_semaphore(%arg14 : memref<!tpu.dma_semaphore, #tpu.memory_space<semaphore_mem>>)
    %mul3A_41 = arith.constant 78 : i32
    %mul3A_42 = arith.muli %add3A, %mul3A_41 : i32
    %add3A_43 = arith.constant 3 : i32
    %add3A_44 = arith.addi %mul3A_42, %add3A_43 : i32
    %mul3A_45 = arith.constant 128 : i32
    %mul3A_46 = arith.muli %add3A_44, %mul3A_45 : i32
    %multiple_of3A_47 = tpu.assume_multiple %mul3A_46, 128 : i32
    %dma_start3A_48 = arith.constant 0 : i32
    %dma_start3A_49 = tpu.memref_slice %arg2[%dma_start3A_48, %multiple_of3A_47] : memref<2x320000xi32, #tpu.memory_space<hbm>> -> memref<2x128xi32, #tpu.memory_space<hbm>>
    %dma_start3A_50 = arith.constant 0 : i32
    %dma_start3A_51 = tpu.memref_slice %arg2[%dma_start3A_50, %multiple_of3A_47] : memref<2x320000xi32, #tpu.memory_space<hbm>> -> memref<2x128xi32, #tpu.memory_space<hbm>>
    tpu.enqueue_dma source(%dma_start3A_51 : memref<2x128xi32, #tpu.memory_space<hbm>>) target(%arg10 : memref<2x128xi32, #tpu.memory_space<vmem>>) target_semaphore(%arg16 : memref<!tpu.dma_semaphore, #tpu.memory_space<semaphore_mem>>)
    %mul3A_52 = arith.constant 78 : i32
    %mul3A_53 = arith.muli %add3A, %mul3A_52 : i32
    %add3A_54 = arith.constant 0 : i32
    %add3A_55 = arith.addi %mul3A_53, %add3A_54 : i32
    %mul3A_56 = arith.constant 128 : i32
    %mul3A_57 = arith.muli %add3A_55, %mul3A_56 : i32
    %multiple_of3A_58 = tpu.assume_multiple %mul3A_57, 128 : i32
    %dma_wait3A = arith.constant 0 : i32
    %dma_wait3A_59 = tpu.memref_slice %arg2[%dma_wait3A, %multiple_of3A_58] : memref<2x320000xi32, #tpu.memory_space<hbm>> -> memref<2x128xi32, #tpu.memory_space<hbm>>
    %dma_wait3A_60 = arith.constant 0 : i32
    %dma_wait3A_61 = tpu.memref_slice %arg2[%dma_wait3A_60, %multiple_of3A_58] : memref<2x320000xi32, #tpu.memory_space<hbm>> -> memref<2x128xi32, #tpu.memory_space<hbm>>
    tpu.wait_dma2 semaphore(%arg13 : memref<!tpu.dma_semaphore, #tpu.memory_space<semaphore_mem>>) src(%dma_wait3A_61 : memref<2x128xi32, #tpu.memory_space<hbm>>) dst(%arg7 : memref<2x128xi32, #tpu.memory_space<vmem>>)
    %dma_start3A_62 = arith.constant 0 : i32
    %dma_start3A_63 = arith.constant 0 : i32
    %dma_start3A_64 = tpu.memref_slice %arg7[%dma_start3A_62, %dma_start3A_63] : memref<2x128xi32, #tpu.memory_space<vmem>> -> memref<1x128xi32, #tpu.memory_space<vmem>>
    %dma_start3A_65 = tpu.memref_squeeze %dma_start3A_64 : memref<1x128xi32, #tpu.memory_space<vmem>> -> memref<128xi32, #tpu.memory_space<vmem>>
    %dma_start3A_66 = arith.constant 0 : i32
    %dma_start3A_67 = arith.constant 0 : i32
    %dma_start3A_68 = tpu.memref_slice %arg3[%dma_start3A_66, %dma_start3A_67] : memref<10240x16xf32, #tpu.memory_space<hbm>> -> memref<10240x16xf32, #tpu.memory_space<hbm>>
    tpu.enqueue_indirect_dma source(%dma_start3A_68 : memref<10240x16xf32, #tpu.memory_space<hbm>>) target(%arg11 : memref<128x16xf32, #tpu.memory_space<vmem>>) offsets(%dma_start3A_65 : memref<128xi32, #tpu.memory_space<vmem>>) semaphore(%arg17 : memref<!tpu.dma_semaphore, #tpu.memory_space<semaphore_mem>>)
    %mul3A_69 = arith.constant 78 : i32
    %mul3A_70 = arith.muli %add3A, %mul3A_69 : i32
    %add3A_71 = arith.constant 1 : i32
    %add3A_72 = arith.addi %mul3A_70, %add3A_71 : i32
    %mul3A_73 = arith.constant 128 : i32
    %mul3A_74 = arith.muli %add3A_72, %mul3A_73 : i32
    %multiple_of3A_75 = tpu.assume_multiple %mul3A_74, 128 : i32
    %dma_wait3A_76 = arith.constant 0 : i32
    %dma_wait3A_77 = tpu.memref_slice %arg2[%dma_wait3A_76, %multiple_of3A_75] : memref<2x320000xi32, #tpu.memory_space<hbm>> -> memref<2x128xi32, #tpu.memory_space<hbm>>
    %dma_wait3A_78 = arith.constant 0 : i32
    %dma_wait3A_79 = tpu.memref_slice %arg2[%dma_wait3A_78, %multiple_of3A_75] : memref<2x320000xi32, #tpu.memory_space<hbm>> -> memref<2x128xi32, #tpu.memory_space<hbm>>
    tpu.wait_dma2 semaphore(%arg15 : memref<!tpu.dma_semaphore, #tpu.memory_space<semaphore_mem>>) src(%dma_wait3A_79 : memref<2x128xi32, #tpu.memory_space<hbm>>) dst(%arg9 : memref<2x128xi32, #tpu.memory_space<vmem>>)
    %dma_start3A_80 = arith.constant 0 : i32
    %dma_start3A_81 = arith.constant 0 : i32
    %dma_start3A_82 = tpu.memref_slice %arg9[%dma_start3A_80, %dma_start3A_81] : memref<2x128xi32, #tpu.memory_space<vmem>> -> memref<1x128xi32, #tpu.memory_space<vmem>>
    %dma_start3A_83 = tpu.memref_squeeze %dma_start3A_82 : memref<1x128xi32, #tpu.memory_space<vmem>> -> memref<128xi32, #tpu.memory_space<vmem>>
    %dma_start3A_84 = arith.constant 0 : i32
    %dma_start3A_85 = arith.constant 0 : i32
    %dma_start3A_86 = tpu.memref_slice %arg3[%dma_start3A_84, %dma_start3A_85] : memref<10240x16xf32, #tpu.memory_space<hbm>> -> memref<10240x16xf32, #tpu.memory_space<hbm>>
    tpu.enqueue_indirect_dma source(%dma_start3A_86 : memref<10240x16xf32, #tpu.memory_space<hbm>>) target(%arg12 : memref<128x16xf32, #tpu.memory_space<vmem>>) offsets(%dma_start3A_83 : memref<128xi32, #tpu.memory_space<vmem>>) semaphore(%arg18 : memref<!tpu.dma_semaphore, #tpu.memory_space<semaphore_mem>>)
    %scan3A = arith.constant 0 : i32
    %scan3A_87 = arith.constant 0 : i32
    %scan3A_88 = arith.constant 19 : i32
    %scan3A_89 = arith.addi %scan3A_87, %scan3A_88 : i32
    %scan3A_90 = arith.constant 1 : i32
    scf.for %scan3A_122 = %scan3A_87 to %scan3A_89 step %scan3A_90  : i32 {
      %mul3A_123 = arith.constant 2 : i32
      %mul3A_124 = arith.muli %mul3A_123, %scan3A_122 : i32
      %mul3A_125 = arith.constant 2 : i32
      %mul3A_126 = arith.muli %mul3A_125, %mul3A_124 : i32
      %add3A_127 = arith.constant 0 : i32
      %add3A_128 = arith.addi %mul3A_126, %add3A_127 : i32
      %dma_wait3A_129 = arith.constant 0 : i32
      %dma_wait3A_130 = arith.constant 0 : i32
      %dma_wait3A_131 = tpu.memref_slice %arg7[%dma_wait3A_129, %dma_wait3A_130] : memref<2x128xi32, #tpu.memory_space<vmem>> -> memref<1x128xi32, #tpu.memory_space<vmem>>
      %dma_wait3A_132 = tpu.memref_squeeze %dma_wait3A_131 : memref<1x128xi32, #tpu.memory_space<vmem>> -> memref<128xi32, #tpu.memory_space<vmem>>
      %dma_wait3A_133 = arith.constant 0 : i32
      %dma_wait3A_134 = arith.constant 0 : i32
      %dma_wait3A_135 = tpu.memref_slice %arg3[%dma_wait3A_133, %dma_wait3A_134] : memref<10240x16xf32, #tpu.memory_space<hbm>> -> memref<10240x16xf32, #tpu.memory_space<hbm>>
      tpu.wait_indirect_dma semaphore(%arg17 : memref<!tpu.dma_semaphore, #tpu.memory_space<semaphore_mem>>) src(%dma_wait3A_135 : memref<10240x16xf32, #tpu.memory_space<hbm>>) dst(%arg11 : memref<128x16xf32, #tpu.memory_space<vmem>>)
      %run_scoped3A_136 = arith.constant 1 : i32
      "tpu.region"() ({
        %run_scoped3A_217 = tpu.sem_alloc : memref<!tpu.dma_semaphore, #tpu.memory_space<semaphore_mem>>
        %dma_start3A_218 = arith.constant 0 : i32
        %dma_start3A_219 = tpu.memref_slice %arg7[%run_scoped3A_136, %dma_start3A_218] : memref<2x128xi32, #tpu.memory_space<vmem>> -> memref<1x128xi32, #tpu.memory_space<vmem>>
        %dma_start3A_220 = tpu.memref_squeeze %dma_start3A_219 : memref<1x128xi32, #tpu.memory_space<vmem>> -> memref<128xi32, #tpu.memory_space<vmem>>
        %dma_start3A_221 = arith.constant 0 : i32
        %dma_start3A_222 = arith.constant 0 : i32
        %dma_start3A_223 = tpu.memref_slice %arg19[%dma_start3A_221, %dma_start3A_222] : memref<10240x16xf32, #tpu.memory_space<vmem_shared>> -> memref<10240x16xf32, #tpu.memory_space<vmem_shared>>
        tpu.enqueue_indirect_dma source(%arg11 : memref<128x16xf32, #tpu.memory_space<vmem>>) target(%dma_start3A_223 : memref<10240x16xf32, #tpu.memory_space<vmem_shared>>) offsets(%dma_start3A_220 : memref<128xi32, #tpu.memory_space<vmem>>) semaphore(%run_scoped3A_217 : memref<!tpu.dma_semaphore, #tpu.memory_space<semaphore_mem>>) {add = true}
        %dma_wait3A_224 = arith.constant 0 : i32
        %dma_wait3A_225 = tpu.memref_slice %arg7[%run_scoped3A_136, %dma_wait3A_224] : memref<2x128xi32, #tpu.memory_space<vmem>> -> memref<1x128xi32, #tpu.memory_space<vmem>>
        %dma_wait3A_226 = tpu.memref_squeeze %dma_wait3A_225 : memref<1x128xi32, #tpu.memory_space<vmem>> -> memref<128xi32, #tpu.memory_space<vmem>>
        %dma_wait3A_227 = arith.constant 0 : i32
        %dma_wait3A_228 = arith.constant 0 : i32
        %dma_wait3A_229 = tpu.memref_slice %arg19[%dma_wait3A_227, %dma_wait3A_228] : memref<10240x16xf32, #tpu.memory_space<vmem_shared>> -> memref<10240x16xf32, #tpu.memory_space<vmem_shared>>
        tpu.wait_indirect_dma semaphore(%run_scoped3A_217 : memref<!tpu.dma_semaphore, #tpu.memory_space<semaphore_mem>>) src(%arg11 : memref<128x16xf32, #tpu.memory_space<vmem>>) dst(%dma_wait3A_229 : memref<10240x16xf32, #tpu.memory_space<vmem_shared>>)
        tpu.yield
      }) : () -> ()
      %lt3A_137 = arith.constant 37 : i32
      %lt3A_138 = arith.cmpi slt, %mul3A_124, %lt3A_137 : i32
      %convert_element_type3A_139 = arith.extui %lt3A_138 : i1 to i32
      %cond3A_140 = arith.constant 0 : i32
      %cond3A_141 = arith.cmpi ne, %convert_element_type3A_139, %cond3A_140 : i32
      scf.if %cond3A_141 {
        %add3A_217 = arith.constant 4 : i32
        %add3A_218 = arith.addi %add3A_128, %add3A_217 : i32
        %mul3A_219 = arith.constant 78 : i32
        %mul3A_220 = arith.muli %add3A, %mul3A_219 : i32
        %add3A_221 = arith.addi %mul3A_220, %add3A_218 : i32
        %mul3A_222 = arith.constant 128 : i32
        %mul3A_223 = arith.muli %add3A_221, %mul3A_222 : i32
        %multiple_of3A_224 = tpu.assume_multiple %mul3A_223, 128 : i32
        %dma_start3A_225 = arith.constant 0 : i32
        %dma_start3A_226 = tpu.memref_slice %arg2[%dma_start3A_225, %multiple_of3A_224] : memref<2x320000xi32, #tpu.memory_space<hbm>> -> memref<2x128xi32, #tpu.memory_space<hbm>>
        %dma_start3A_227 = arith.constant 0 : i32
        %dma_start3A_228 = tpu.memref_slice %arg2[%dma_start3A_227, %multiple_of3A_224] : memref<2x320000xi32, #tpu.memory_space<hbm>> -> memref<2x128xi32, #tpu.memory_space<hbm>>
        tpu.enqueue_dma source(%dma_start3A_228 : memref<2x128xi32, #tpu.memory_space<hbm>>) target(%arg7 : memref<2x128xi32, #tpu.memory_space<vmem>>) target_semaphore(%arg13 : memref<!tpu.dma_semaphore, #tpu.memory_space<semaphore_mem>>)
      } else {
      }
      %lt3A_142 = arith.constant 38 : i32
      %lt3A_143 = arith.cmpi slt, %mul3A_124, %lt3A_142 : i32
      %convert_element_type3A_144 = arith.extui %lt3A_143 : i1 to i32
      %cond3A_145 = arith.constant 0 : i32
      %cond3A_146 = arith.cmpi ne, %convert_element_type3A_144, %cond3A_145 : i32
      scf.if %cond3A_146 {
        %add3A_217 = arith.constant 2 : i32
        %add3A_218 = arith.addi %add3A_128, %add3A_217 : i32
        %mul3A_219 = arith.constant 78 : i32
        %mul3A_220 = arith.muli %add3A, %mul3A_219 : i32
        %add3A_221 = arith.addi %mul3A_220, %add3A_218 : i32
        %mul3A_222 = arith.constant 128 : i32
        %mul3A_223 = arith.muli %add3A_221, %mul3A_222 : i32
        %multiple_of3A_224 = tpu.assume_multiple %mul3A_223, 128 : i32
        %dma_wait3A_225 = arith.constant 0 : i32
        %dma_wait3A_226 = tpu.memref_slice %arg2[%dma_wait3A_225, %multiple_of3A_224] : memref<2x320000xi32, #tpu.memory_space<hbm>> -> memref<2x128xi32, #tpu.memory_space<hbm>>
        %dma_wait3A_227 = arith.constant 0 : i32
        %dma_wait3A_228 = tpu.memref_slice %arg2[%dma_wait3A_227, %multiple_of3A_224] : memref<2x320000xi32, #tpu.memory_space<hbm>> -> memref<2x128xi32, #tpu.memory_space<hbm>>
        tpu.wait_dma2 semaphore(%arg14 : memref<!tpu.dma_semaphore, #tpu.memory_space<semaphore_mem>>) src(%dma_wait3A_228 : memref<2x128xi32, #tpu.memory_space<hbm>>) dst(%arg8 : memref<2x128xi32, #tpu.memory_space<vmem>>)
        %dma_start3A_229 = arith.constant 0 : i32
        %dma_start3A_230 = arith.constant 0 : i32
        %dma_start3A_231 = tpu.memref_slice %arg8[%dma_start3A_229, %dma_start3A_230] : memref<2x128xi32, #tpu.memory_space<vmem>> -> memref<1x128xi32, #tpu.memory_space<vmem>>
        %dma_start3A_232 = tpu.memref_squeeze %dma_start3A_231 : memref<1x128xi32, #tpu.memory_space<vmem>> -> memref<128xi32, #tpu.memory_space<vmem>>
        %dma_start3A_233 = arith.constant 0 : i32
        %dma_start3A_234 = arith.constant 0 : i32
        %dma_start3A_235 = tpu.memref_slice %arg3[%dma_start3A_233, %dma_start3A_234] : memref<10240x16xf32, #tpu.memory_space<hbm>> -> memref<10240x16xf32, #tpu.memory_space<hbm>>
        tpu.enqueue_indirect_dma source(%dma_start3A_235 : memref<10240x16xf32, #tpu.memory_space<hbm>>) target(%arg11 : memref<128x16xf32, #tpu.memory_space<vmem>>) offsets(%dma_start3A_232 : memref<128xi32, #tpu.memory_space<vmem>>) semaphore(%arg17 : memref<!tpu.dma_semaphore, #tpu.memory_space<semaphore_mem>>)
      } else {
      }
      %mul3A_147 = arith.constant 2 : i32
      %mul3A_148 = arith.muli %mul3A_147, %mul3A_124 : i32
      %add3A_149 = arith.constant 1 : i32
      %add3A_150 = arith.addi %mul3A_148, %add3A_149 : i32
      %dma_wait3A_151 = arith.constant 0 : i32
      %dma_wait3A_152 = arith.constant 0 : i32
      %dma_wait3A_153 = tpu.memref_slice %arg9[%dma_wait3A_151, %dma_wait3A_152] : memref<2x128xi32, #tpu.memory_space<vmem>> -> memref<1x128xi32, #tpu.memory_space<vmem>>
      %dma_wait3A_154 = tpu.memref_squeeze %dma_wait3A_153 : memref<1x128xi32, #tpu.memory_space<vmem>> -> memref<128xi32, #tpu.memory_space<vmem>>
      %dma_wait3A_155 = arith.constant 0 : i32
      %dma_wait3A_156 = arith.constant 0 : i32
      %dma_wait3A_157 = tpu.memref_slice %arg3[%dma_wait3A_155, %dma_wait3A_156] : memref<10240x16xf32, #tpu.memory_space<hbm>> -> memref<10240x16xf32, #tpu.memory_space<hbm>>
      tpu.wait_indirect_dma semaphore(%arg18 : memref<!tpu.dma_semaphore, #tpu.memory_space<semaphore_mem>>) src(%dma_wait3A_157 : memref<10240x16xf32, #tpu.memory_space<hbm>>) dst(%arg12 : memref<128x16xf32, #tpu.memory_space<vmem>>)
      %run_scoped3A_158 = arith.constant 1 : i32
      "tpu.region"() ({
        %run_scoped3A_217 = tpu.sem_alloc : memref<!tpu.dma_semaphore, #tpu.memory_space<semaphore_mem>>
        %dma_start3A_218 = arith.constant 0 : i32
        %dma_start3A_219 = tpu.memref_slice %arg9[%run_scoped3A_158, %dma_start3A_218] : memref<2x128xi32, #tpu.memory_space<vmem>> -> memref<1x128xi32, #tpu.memory_space<vmem>>
        %dma_start3A_220 = tpu.memref_squeeze %dma_start3A_219 : memref<1x128xi32, #tpu.memory_space<vmem>> -> memref<128xi32, #tpu.memory_space<vmem>>
        %dma_start3A_221 = arith.constant 0 : i32
        %dma_start3A_222 = arith.constant 0 : i32
        %dma_start3A_223 = tpu.memref_slice %arg19[%dma_start3A_221, %dma_start3A_222] : memref<10240x16xf32, #tpu.memory_space<vmem_shared>> -> memref<10240x16xf32, #tpu.memory_space<vmem_shared>>
        tpu.enqueue_indirect_dma source(%arg12 : memref<128x16xf32, #tpu.memory_space<vmem>>) target(%dma_start3A_223 : memref<10240x16xf32, #tpu.memory_space<vmem_shared>>) offsets(%dma_start3A_220 : memref<128xi32, #tpu.memory_space<vmem>>) semaphore(%run_scoped3A_217 : memref<!tpu.dma_semaphore, #tpu.memory_space<semaphore_mem>>) {add = true}
        %dma_wait3A_224 = arith.constant 0 : i32
        %dma_wait3A_225 = tpu.memref_slice %arg9[%run_scoped3A_158, %dma_wait3A_224] : memref<2x128xi32, #tpu.memory_space<vmem>> -> memref<1x128xi32, #tpu.memory_space<vmem>>
        %dma_wait3A_226 = tpu.memref_squeeze %dma_wait3A_225 : memref<1x128xi32, #tpu.memory_space<vmem>> -> memref<128xi32, #tpu.memory_space<vmem>>
        %dma_wait3A_227 = arith.constant 0 : i32
        %dma_wait3A_228 = arith.constant 0 : i32
        %dma_wait3A_229 = tpu.memref_slice %arg19[%dma_wait3A_227, %dma_wait3A_228] : memref<10240x16xf32, #tpu.memory_space<vmem_shared>> -> memref<10240x16xf32, #tpu.memory_space<vmem_shared>>
        tpu.wait_indirect_dma semaphore(%run_scoped3A_217 : memref<!tpu.dma_semaphore, #tpu.memory_space<semaphore_mem>>) src(%arg12 : memref<128x16xf32, #tpu.memory_space<vmem>>) dst(%dma_wait3A_229 : memref<10240x16xf32, #tpu.memory_space<vmem_shared>>)
        tpu.yield
      }) : () -> ()
      %lt3A_159 = arith.constant 37 : i32
      %lt3A_160 = arith.cmpi slt, %mul3A_124, %lt3A_159 : i32
      %convert_element_type3A_161 = arith.extui %lt3A_160 : i1 to i32
      %cond3A_162 = arith.constant 0 : i32
      %cond3A_163 = arith.cmpi ne, %convert_element_type3A_161, %cond3A_162 : i32
      scf.if %cond3A_163 {
        %add3A_217 = arith.constant 4 : i32
        %add3A_218 = arith.addi %add3A_150, %add3A_217 : i32
        %mul3A_219 = arith.constant 78 : i32
        %mul3A_220 = arith.muli %add3A, %mul3A_219 : i32
        %add3A_221 = arith.addi %mul3A_220, %add3A_218 : i32
        %mul3A_222 = arith.constant 128 : i32
        %mul3A_223 = arith.muli %add3A_221, %mul3A_222 : i32
        %multiple_of3A_224 = tpu.assume_multiple %mul3A_223, 128 : i32
        %dma_start3A_225 = arith.constant 0 : i32
        %dma_start3A_226 = tpu.memref_slice %arg2[%dma_start3A_225, %multiple_of3A_224] : memref<2x320000xi32, #tpu.memory_space<hbm>> -> memref<2x128xi32, #tpu.memory_space<hbm>>
        %dma_start3A_227 = arith.constant 0 : i32
        %dma_start3A_228 = tpu.memref_slice %arg2[%dma_start3A_227, %multiple_of3A_224] : memref<2x320000xi32, #tpu.memory_space<hbm>> -> memref<2x128xi32, #tpu.memory_space<hbm>>
        tpu.enqueue_dma source(%dma_start3A_228 : memref<2x128xi32, #tpu.memory_space<hbm>>) target(%arg9 : memref<2x128xi32, #tpu.memory_space<vmem>>) target_semaphore(%arg15 : memref<!tpu.dma_semaphore, #tpu.memory_space<semaphore_mem>>)
      } else {
      }
      %lt3A_164 = arith.constant 38 : i32
      %lt3A_165 = arith.cmpi slt, %mul3A_124, %lt3A_164 : i32
      %convert_element_type3A_166 = arith.extui %lt3A_165 : i1 to i32
      %cond3A_167 = arith.constant 0 : i32
      %cond3A_168 = arith.cmpi ne, %convert_element_type3A_166, %cond3A_167 : i32
      scf.if %cond3A_168 {
        %add3A_217 = arith.constant 2 : i32
        %add3A_218 = arith.addi %add3A_150, %add3A_217 : i32
        %mul3A_219 = arith.constant 78 : i32
        %mul3A_220 = arith.muli %add3A, %mul3A_219 : i32
        %add3A_221 = arith.addi %mul3A_220, %add3A_218 : i32
        %mul3A_222 = arith.constant 128 : i32
        %mul3A_223 = arith.muli %add3A_221, %mul3A_222 : i32
        %multiple_of3A_224 = tpu.assume_multiple %mul3A_223, 128 : i32
        %dma_wait3A_225 = arith.constant 0 : i32
        %dma_wait3A_226 = tpu.memref_slice %arg2[%dma_wait3A_225, %multiple_of3A_224] : memref<2x320000xi32, #tpu.memory_space<hbm>> -> memref<2x128xi32, #tpu.memory_space<hbm>>
        %dma_wait3A_227 = arith.constant 0 : i32
        %dma_wait3A_228 = tpu.memref_slice %arg2[%dma_wait3A_227, %multiple_of3A_224] : memref<2x320000xi32, #tpu.memory_space<hbm>> -> memref<2x128xi32, #tpu.memory_space<hbm>>
        tpu.wait_dma2 semaphore(%arg16 : memref<!tpu.dma_semaphore, #tpu.memory_space<semaphore_mem>>) src(%dma_wait3A_228 : memref<2x128xi32, #tpu.memory_space<hbm>>) dst(%arg10 : memref<2x128xi32, #tpu.memory_space<vmem>>)
        %dma_start3A_229 = arith.constant 0 : i32
        %dma_start3A_230 = arith.constant 0 : i32
        %dma_start3A_231 = tpu.memref_slice %arg10[%dma_start3A_229, %dma_start3A_230] : memref<2x128xi32, #tpu.memory_space<vmem>> -> memref<1x128xi32, #tpu.memory_space<vmem>>
        %dma_start3A_232 = tpu.memref_squeeze %dma_start3A_231 : memref<1x128xi32, #tpu.memory_space<vmem>> -> memref<128xi32, #tpu.memory_space<vmem>>
        %dma_start3A_233 = arith.constant 0 : i32
        %dma_start3A_234 = arith.constant 0 : i32
        %dma_start3A_235 = tpu.memref_slice %arg3[%dma_start3A_233, %dma_start3A_234] : memref<10240x16xf32, #tpu.memory_space<hbm>> -> memref<10240x16xf32, #tpu.memory_space<hbm>>
        tpu.enqueue_indirect_dma source(%dma_start3A_235 : memref<10240x16xf32, #tpu.memory_space<hbm>>) target(%arg12 : memref<128x16xf32, #tpu.memory_space<vmem>>) offsets(%dma_start3A_232 : memref<128xi32, #tpu.memory_space<vmem>>) semaphore(%arg18 : memref<!tpu.dma_semaphore, #tpu.memory_space<semaphore_mem>>)
      } else {
      }
      %add3A_169 = arith.constant 1 : i32
      %add3A_170 = arith.addi %mul3A_124, %add3A_169 : i32
      %mul3A_171 = arith.constant 2 : i32
      %mul3A_172 = arith.muli %mul3A_171, %add3A_170 : i32
      %add3A_173 = arith.constant 0 : i32
      %add3A_174 = arith.addi %mul3A_172, %add3A_173 : i32
      %dma_wait3A_175 = arith.constant 0 : i32
      %dma_wait3A_176 = arith.constant 0 : i32
      %dma_wait3A_177 = tpu.memref_slice %arg8[%dma_wait3A_175, %dma_wait3A_176] : memref<2x128xi32, #tpu.memory_space<vmem>> -> memref<1x128xi32, #tpu.memory_space<vmem>>
      %dma_wait3A_178 = tpu.memref_squeeze %dma_wait3A_177 : memref<1x128xi32, #tpu.memory_space<vmem>> -> memref<128xi32, #tpu.memory_space<vmem>>
      %dma_wait3A_179 = arith.constant 0 : i32
      %dma_wait3A_180 = arith.constant 0 : i32
      %dma_wait3A_181 = tpu.memref_slice %arg3[%dma_wait3A_179, %dma_wait3A_180] : memref<10240x16xf32, #tpu.memory_space<hbm>> -> memref<10240x16xf32, #tpu.memory_space<hbm>>
      tpu.wait_indirect_dma semaphore(%arg17 : memref<!tpu.dma_semaphore, #tpu.memory_space<semaphore_mem>>) src(%dma_wait3A_181 : memref<10240x16xf32, #tpu.memory_space<hbm>>) dst(%arg11 : memref<128x16xf32, #tpu.memory_space<vmem>>)
      %run_scoped3A_182 = arith.constant 1 : i32
      "tpu.region"() ({
        %run_scoped3A_217 = tpu.sem_alloc : memref<!tpu.dma_semaphore, #tpu.memory_space<semaphore_mem>>
        %dma_start3A_218 = arith.constant 0 : i32
        %dma_start3A_219 = tpu.memref_slice %arg8[%run_scoped3A_182, %dma_start3A_218] : memref<2x128xi32, #tpu.memory_space<vmem>> -> memref<1x128xi32, #tpu.memory_space<vmem>>
        %dma_start3A_220 = tpu.memref_squeeze %dma_start3A_219 : memref<1x128xi32, #tpu.memory_space<vmem>> -> memref<128xi32, #tpu.memory_space<vmem>>
        %dma_start3A_221 = arith.constant 0 : i32
        %dma_start3A_222 = arith.constant 0 : i32
        %dma_start3A_223 = tpu.memref_slice %arg19[%dma_start3A_221, %dma_start3A_222] : memref<10240x16xf32, #tpu.memory_space<vmem_shared>> -> memref<10240x16xf32, #tpu.memory_space<vmem_shared>>
        tpu.enqueue_indirect_dma source(%arg11 : memref<128x16xf32, #tpu.memory_space<vmem>>) target(%dma_start3A_223 : memref<10240x16xf32, #tpu.memory_space<vmem_shared>>) offsets(%dma_start3A_220 : memref<128xi32, #tpu.memory_space<vmem>>) semaphore(%run_scoped3A_217 : memref<!tpu.dma_semaphore, #tpu.memory_space<semaphore_mem>>) {add = true}
        %dma_wait3A_224 = arith.constant 0 : i32
        %dma_wait3A_225 = tpu.memref_slice %arg8[%run_scoped3A_182, %dma_wait3A_224] : memref<2x128xi32, #tpu.memory_space<vmem>> -> memref<1x128xi32, #tpu.memory_space<vmem>>
        %dma_wait3A_226 = tpu.memref_squeeze %dma_wait3A_225 : memref<1x128xi32, #tpu.memory_space<vmem>> -> memref<128xi32, #tpu.memory_space<vmem>>
        %dma_wait3A_227 = arith.constant 0 : i32
        %dma_wait3A_228 = arith.constant 0 : i32
        %dma_wait3A_229 = tpu.memref_slice %arg19[%dma_wait3A_227, %dma_wait3A_228] : memref<10240x16xf32, #tpu.memory_space<vmem_shared>> -> memref<10240x16xf32, #tpu.memory_space<vmem_shared>>
        tpu.wait_indirect_dma semaphore(%run_scoped3A_217 : memref<!tpu.dma_semaphore, #tpu.memory_space<semaphore_mem>>) src(%arg11 : memref<128x16xf32, #tpu.memory_space<vmem>>) dst(%dma_wait3A_229 : memref<10240x16xf32, #tpu.memory_space<vmem_shared>>)
        tpu.yield
      }) : () -> ()
      %lt3A_183 = arith.constant 37 : i32
      %lt3A_184 = arith.cmpi slt, %add3A_170, %lt3A_183 : i32
      %convert_element_type3A_185 = arith.extui %lt3A_184 : i1 to i32
      %cond3A_186 = arith.constant 0 : i32
      %cond3A_187 = arith.cmpi ne, %convert_element_type3A_185, %cond3A_186 : i32
      scf.if %cond3A_187 {
        %add3A_217 = arith.constant 4 : i32
        %add3A_218 = arith.addi %add3A_174, %add3A_217 : i32
        %mul3A_219 = arith.constant 78 : i32
        %mul3A_220 = arith.muli %add3A, %mul3A_219 : i32
        %add3A_221 = arith.addi %mul3A_220, %add3A_218 : i32
        %mul3A_222 = arith.constant 128 : i32
        %mul3A_223 = arith.muli %add3A_221, %mul3A_222 : i32
        %multiple_of3A_224 = tpu.assume_multiple %mul3A_223, 128 : i32
        %dma_start3A_225 = arith.constant 0 : i32
        %dma_start3A_226 = tpu.memref_slice %arg2[%dma_start3A_225, %multiple_of3A_224] : memref<2x320000xi32, #tpu.memory_space<hbm>> -> memref<2x128xi32, #tpu.memory_space<hbm>>
        %dma_start3A_227 = arith.constant 0 : i32
        %dma_start3A_228 = tpu.memref_slice %arg2[%dma_start3A_227, %multiple_of3A_224] : memref<2x320000xi32, #tpu.memory_space<hbm>> -> memref<2x128xi32, #tpu.memory_space<hbm>>
        tpu.enqueue_dma source(%dma_start3A_228 : memref<2x128xi32, #tpu.memory_space<hbm>>) target(%arg8 : memref<2x128xi32, #tpu.memory_space<vmem>>) target_semaphore(%arg14 : memref<!tpu.dma_semaphore, #tpu.memory_space<semaphore_mem>>)
      } else {
      }
      %lt3A_188 = arith.constant 38 : i32
      %lt3A_189 = arith.cmpi slt, %add3A_170, %lt3A_188 : i32
      %convert_element_type3A_190 = arith.extui %lt3A_189 : i1 to i32
      %cond3A_191 = arith.constant 0 : i32
      %cond3A_192 = arith.cmpi ne, %convert_element_type3A_190, %cond3A_191 : i32
      scf.if %cond3A_192 {
        %add3A_217 = arith.constant 2 : i32
        %add3A_218 = arith.addi %add3A_174, %add3A_217 : i32
        %mul3A_219 = arith.constant 78 : i32
        %mul3A_220 = arith.muli %add3A, %mul3A_219 : i32
        %add3A_221 = arith.addi %mul3A_220, %add3A_218 : i32
        %mul3A_222 = arith.constant 128 : i32
        %mul3A_223 = arith.muli %add3A_221, %mul3A_222 : i32
        %multiple_of3A_224 = tpu.assume_multiple %mul3A_223, 128 : i32
        %dma_wait3A_225 = arith.constant 0 : i32
        %dma_wait3A_226 = tpu.memref_slice %arg2[%dma_wait3A_225, %multiple_of3A_224] : memref<2x320000xi32, #tpu.memory_space<hbm>> -> memref<2x128xi32, #tpu.memory_space<hbm>>
        %dma_wait3A_227 = arith.constant 0 : i32
        %dma_wait3A_228 = tpu.memref_slice %arg2[%dma_wait3A_227, %multiple_of3A_224] : memref<2x320000xi32, #tpu.memory_space<hbm>> -> memref<2x128xi32, #tpu.memory_space<hbm>>
        tpu.wait_dma2 semaphore(%arg13 : memref<!tpu.dma_semaphore, #tpu.memory_space<semaphore_mem>>) src(%dma_wait3A_228 : memref<2x128xi32, #tpu.memory_space<hbm>>) dst(%arg7 : memref<2x128xi32, #tpu.memory_space<vmem>>)
        %dma_start3A_229 = arith.constant 0 : i32
        %dma_start3A_230 = arith.constant 0 : i32
        %dma_start3A_231 = tpu.memref_slice %arg7[%dma_start3A_229, %dma_start3A_230] : memref<2x128xi32, #tpu.memory_space<vmem>> -> memref<1x128xi32, #tpu.memory_space<vmem>>
        %dma_start3A_232 = tpu.memref_squeeze %dma_start3A_231 : memref<1x128xi32, #tpu.memory_space<vmem>> -> memref<128xi32, #tpu.memory_space<vmem>>
        %dma_start3A_233 = arith.constant 0 : i32
        %dma_start3A_234 = arith.constant 0 : i32
        %dma_start3A_235 = tpu.memref_slice %arg3[%dma_start3A_233, %dma_start3A_234] : memref<10240x16xf32, #tpu.memory_space<hbm>> -> memref<10240x16xf32, #tpu.memory_space<hbm>>
        tpu.enqueue_indirect_dma source(%dma_start3A_235 : memref<10240x16xf32, #tpu.memory_space<hbm>>) target(%arg11 : memref<128x16xf32, #tpu.memory_space<vmem>>) offsets(%dma_start3A_232 : memref<128xi32, #tpu.memory_space<vmem>>) semaphore(%arg17 : memref<!tpu.dma_semaphore, #tpu.memory_space<semaphore_mem>>)
      } else {
      }
      %add3A_193 = arith.constant 1 : i32
      %add3A_194 = arith.addi %mul3A_124, %add3A_193 : i32
      %mul3A_195 = arith.constant 2 : i32
      %mul3A_196 = arith.muli %mul3A_195, %add3A_194 : i32
      %add3A_197 = arith.constant 1 : i32
      %add3A_198 = arith.addi %mul3A_196, %add3A_197 : i32
      %dma_wait3A_199 = arith.constant 0 : i32
      %dma_wait3A_200 = arith.constant 0 : i32
      %dma_wait3A_201 = tpu.memref_slice %arg10[%dma_wait3A_199, %dma_wait3A_200] : memref<2x128xi32, #tpu.memory_space<vmem>> -> memref<1x128xi32, #tpu.memory_space<vmem>>
      %dma_wait3A_202 = tpu.memref_squeeze %dma_wait3A_201 : memref<1x128xi32, #tpu.memory_space<vmem>> -> memref<128xi32, #tpu.memory_space<vmem>>
      %dma_wait3A_203 = arith.constant 0 : i32
      %dma_wait3A_204 = arith.constant 0 : i32
      %dma_wait3A_205 = tpu.memref_slice %arg3[%dma_wait3A_203, %dma_wait3A_204] : memref<10240x16xf32, #tpu.memory_space<hbm>> -> memref<10240x16xf32, #tpu.memory_space<hbm>>
      tpu.wait_indirect_dma semaphore(%arg18 : memref<!tpu.dma_semaphore, #tpu.memory_space<semaphore_mem>>) src(%dma_wait3A_205 : memref<10240x16xf32, #tpu.memory_space<hbm>>) dst(%arg12 : memref<128x16xf32, #tpu.memory_space<vmem>>)
      %run_scoped3A_206 = arith.constant 1 : i32
      "tpu.region"() ({
        %run_scoped3A_217 = tpu.sem_alloc : memref<!tpu.dma_semaphore, #tpu.memory_space<semaphore_mem>>
        %dma_start3A_218 = arith.constant 0 : i32
        %dma_start3A_219 = tpu.memref_slice %arg10[%run_scoped3A_206, %dma_start3A_218] : memref<2x128xi32, #tpu.memory_space<vmem>> -> memref<1x128xi32, #tpu.memory_space<vmem>>
        %dma_start3A_220 = tpu.memref_squeeze %dma_start3A_219 : memref<1x128xi32, #tpu.memory_space<vmem>> -> memref<128xi32, #tpu.memory_space<vmem>>
        %dma_start3A_221 = arith.constant 0 : i32
        %dma_start3A_222 = arith.constant 0 : i32
        %dma_start3A_223 = tpu.memref_slice %arg19[%dma_start3A_221, %dma_start3A_222] : memref<10240x16xf32, #tpu.memory_space<vmem_shared>> -> memref<10240x16xf32, #tpu.memory_space<vmem_shared>>
        tpu.enqueue_indirect_dma source(%arg12 : memref<128x16xf32, #tpu.memory_space<vmem>>) target(%dma_start3A_223 : memref<10240x16xf32, #tpu.memory_space<vmem_shared>>) offsets(%dma_start3A_220 : memref<128xi32, #tpu.memory_space<vmem>>) semaphore(%run_scoped3A_217 : memref<!tpu.dma_semaphore, #tpu.memory_space<semaphore_mem>>) {add = true}
        %dma_wait3A_224 = arith.constant 0 : i32
        %dma_wait3A_225 = tpu.memref_slice %arg10[%run_scoped3A_206, %dma_wait3A_224] : memref<2x128xi32, #tpu.memory_space<vmem>> -> memref<1x128xi32, #tpu.memory_space<vmem>>
        %dma_wait3A_226 = tpu.memref_squeeze %dma_wait3A_225 : memref<1x128xi32, #tpu.memory_space<vmem>> -> memref<128xi32, #tpu.memory_space<vmem>>
        %dma_wait3A_227 = arith.constant 0 : i32
        %dma_wait3A_228 = arith.constant 0 : i32
        %dma_wait3A_229 = tpu.memref_slice %arg19[%dma_wait3A_227, %dma_wait3A_228] : memref<10240x16xf32, #tpu.memory_space<vmem_shared>> -> memref<10240x16xf32, #tpu.memory_space<vmem_shared>>
        tpu.wait_indirect_dma semaphore(%run_scoped3A_217 : memref<!tpu.dma_semaphore, #tpu.memory_space<semaphore_mem>>) src(%arg12 : memref<128x16xf32, #tpu.memory_space<vmem>>) dst(%dma_wait3A_229 : memref<10240x16xf32, #tpu.memory_space<vmem_shared>>)
        tpu.yield
      }) : () -> ()
      %lt3A_207 = arith.constant 37 : i32
      %lt3A_208 = arith.cmpi slt, %add3A_194, %lt3A_207 : i32
      %convert_element_type3A_209 = arith.extui %lt3A_208 : i1 to i32
      %cond3A_210 = arith.constant 0 : i32
      %cond3A_211 = arith.cmpi ne, %convert_element_type3A_209, %cond3A_210 : i32
      scf.if %cond3A_211 {
        %add3A_217 = arith.constant 4 : i32
        %add3A_218 = arith.addi %add3A_198, %add3A_217 : i32
        %mul3A_219 = arith.constant 78 : i32
        %mul3A_220 = arith.muli %add3A, %mul3A_219 : i32
        %add3A_221 = arith.addi %mul3A_220, %add3A_218 : i32
        %mul3A_222 = arith.constant 128 : i32
        %mul3A_223 = arith.muli %add3A_221, %mul3A_222 : i32
        %multiple_of3A_224 = tpu.assume_multiple %mul3A_223, 128 : i32
        %dma_start3A_225 = arith.constant 0 : i32
        %dma_start3A_226 = tpu.memref_slice %arg2[%dma_start3A_225, %multiple_of3A_224] : memref<2x320000xi32, #tpu.memory_space<hbm>> -> memref<2x128xi32, #tpu.memory_space<hbm>>
        %dma_start3A_227 = arith.constant 0 : i32
        %dma_start3A_228 = tpu.memref_slice %arg2[%dma_start3A_227, %multiple_of3A_224] : memref<2x320000xi32, #tpu.memory_space<hbm>> -> memref<2x128xi32, #tpu.memory_space<hbm>>
        tpu.enqueue_dma source(%dma_start3A_228 : memref<2x128xi32, #tpu.memory_space<hbm>>) target(%arg10 : memref<2x128xi32, #tpu.memory_space<vmem>>) target_semaphore(%arg16 : memref<!tpu.dma_semaphore, #tpu.memory_space<semaphore_mem>>)
      } else {
      }
      %lt3A_212 = arith.constant 38 : i32
      %lt3A_213 = arith.cmpi slt, %add3A_194, %lt3A_212 : i32
      %convert_element_type3A_214 = arith.extui %lt3A_213 : i1 to i32
      %cond3A_215 = arith.constant 0 : i32
      %cond3A_216 = arith.cmpi ne, %convert_element_type3A_214, %cond3A_215 : i32
      scf.if %cond3A_216 {
        %add3A_217 = arith.constant 2 : i32
        %add3A_218 = arith.addi %add3A_198, %add3A_217 : i32
        %mul3A_219 = arith.constant 78 : i32
        %mul3A_220 = arith.muli %add3A, %mul3A_219 : i32
        %add3A_221 = arith.addi %mul3A_220, %add3A_218 : i32
        %mul3A_222 = arith.constant 128 : i32
        %mul3A_223 = arith.muli %add3A_221, %mul3A_222 : i32
        %multiple_of3A_224 = tpu.assume_multiple %mul3A_223, 128 : i32
        %dma_wait3A_225 = arith.constant 0 : i32
        %dma_wait3A_226 = tpu.memref_slice %arg2[%dma_wait3A_225, %multiple_of3A_224] : memref<2x320000xi32, #tpu.memory_space<hbm>> -> memref<2x128xi32, #tpu.memory_space<hbm>>
        %dma_wait3A_227 = arith.constant 0 : i32
        %dma_wait3A_228 = tpu.memref_slice %arg2[%dma_wait3A_227, %multiple_of3A_224] : memref<2x320000xi32, #tpu.memory_space<hbm>> -> memref<2x128xi32, #tpu.memory_space<hbm>>
        tpu.wait_dma2 semaphore(%arg15 : memref<!tpu.dma_semaphore, #tpu.memory_space<semaphore_mem>>) src(%dma_wait3A_228 : memref<2x128xi32, #tpu.memory_space<hbm>>) dst(%arg9 : memref<2x128xi32, #tpu.memory_space<vmem>>)
        %dma_start3A_229 = arith.constant 0 : i32
        %dma_start3A_230 = arith.constant 0 : i32
        %dma_start3A_231 = tpu.memref_slice %arg9[%dma_start3A_229, %dma_start3A_230] : memref<2x128xi32, #tpu.memory_space<vmem>> -> memref<1x128xi32, #tpu.memory_space<vmem>>
        %dma_start3A_232 = tpu.memref_squeeze %dma_start3A_231 : memref<1x128xi32, #tpu.memory_space<vmem>> -> memref<128xi32, #tpu.memory_space<vmem>>
        %dma_start3A_233 = arith.constant 0 : i32
        %dma_start3A_234 = arith.constant 0 : i32
        %dma_start3A_235 = tpu.memref_slice %arg3[%dma_start3A_233, %dma_start3A_234] : memref<10240x16xf32, #tpu.memory_space<hbm>> -> memref<10240x16xf32, #tpu.memory_space<hbm>>
        tpu.enqueue_indirect_dma source(%dma_start3A_235 : memref<10240x16xf32, #tpu.memory_space<hbm>>) target(%arg12 : memref<128x16xf32, #tpu.memory_space<vmem>>) offsets(%dma_start3A_232 : memref<128xi32, #tpu.memory_space<vmem>>) semaphore(%arg18 : memref<!tpu.dma_semaphore, #tpu.memory_space<semaphore_mem>>)
      } else {
      }
    }
    %scan3A_91 = arith.constant 19 : i32
    %dma_wait3A_92 = arith.constant 0 : i32
    %dma_wait3A_93 = arith.constant 0 : i32
    %dma_wait3A_94 = tpu.memref_slice %arg7[%dma_wait3A_92, %dma_wait3A_93] : memref<2x128xi32, #tpu.memory_space<vmem>> -> memref<1x128xi32, #tpu.memory_space<vmem>>
    %dma_wait3A_95 = tpu.memref_squeeze %dma_wait3A_94 : memref<1x128xi32, #tpu.memory_space<vmem>> -> memref<128xi32, #tpu.memory_space<vmem>>
    %dma_wait3A_96 = arith.constant 0 : i32
    %dma_wait3A_97 = arith.constant 0 : i32
    %dma_wait3A_98 = tpu.memref_slice %arg3[%dma_wait3A_96, %dma_wait3A_97] : memref<10240x16xf32, #tpu.memory_space<hbm>> -> memref<10240x16xf32, #tpu.memory_space<hbm>>
    tpu.wait_indirect_dma semaphore(%arg17 : memref<!tpu.dma_semaphore, #tpu.memory_space<semaphore_mem>>) src(%dma_wait3A_98 : memref<10240x16xf32, #tpu.memory_space<hbm>>) dst(%arg11 : memref<128x16xf32, #tpu.memory_space<vmem>>)
    %run_scoped3A = arith.constant 1 : i32
    "tpu.region"() ({
      %run_scoped3A_122 = tpu.sem_alloc : memref<!tpu.dma_semaphore, #tpu.memory_space<semaphore_mem>>
      %dma_start3A_123 = arith.constant 0 : i32
      %dma_start3A_124 = tpu.memref_slice %arg7[%run_scoped3A, %dma_start3A_123] : memref<2x128xi32, #tpu.memory_space<vmem>> -> memref<1x128xi32, #tpu.memory_space<vmem>>
      %dma_start3A_125 = tpu.memref_squeeze %dma_start3A_124 : memref<1x128xi32, #tpu.memory_space<vmem>> -> memref<128xi32, #tpu.memory_space<vmem>>
      %dma_start3A_126 = arith.constant 0 : i32
      %dma_start3A_127 = arith.constant 0 : i32
      %dma_start3A_128 = tpu.memref_slice %arg19[%dma_start3A_126, %dma_start3A_127] : memref<10240x16xf32, #tpu.memory_space<vmem_shared>> -> memref<10240x16xf32, #tpu.memory_space<vmem_shared>>
      tpu.enqueue_indirect_dma source(%arg11 : memref<128x16xf32, #tpu.memory_space<vmem>>) target(%dma_start3A_128 : memref<10240x16xf32, #tpu.memory_space<vmem_shared>>) offsets(%dma_start3A_125 : memref<128xi32, #tpu.memory_space<vmem>>) semaphore(%run_scoped3A_122 : memref<!tpu.dma_semaphore, #tpu.memory_space<semaphore_mem>>) {add = true}
      %dma_wait3A_129 = arith.constant 0 : i32
      %dma_wait3A_130 = tpu.memref_slice %arg7[%run_scoped3A, %dma_wait3A_129] : memref<2x128xi32, #tpu.memory_space<vmem>> -> memref<1x128xi32, #tpu.memory_space<vmem>>
      %dma_wait3A_131 = tpu.memref_squeeze %dma_wait3A_130 : memref<1x128xi32, #tpu.memory_space<vmem>> -> memref<128xi32, #tpu.memory_space<vmem>>
      %dma_wait3A_132 = arith.constant 0 : i32
      %dma_wait3A_133 = arith.constant 0 : i32
      %dma_wait3A_134 = tpu.memref_slice %arg19[%dma_wait3A_132, %dma_wait3A_133] : memref<10240x16xf32, #tpu.memory_space<vmem_shared>> -> memref<10240x16xf32, #tpu.memory_space<vmem_shared>>
      tpu.wait_indirect_dma semaphore(%run_scoped3A_122 : memref<!tpu.dma_semaphore, #tpu.memory_space<semaphore_mem>>) src(%arg11 : memref<128x16xf32, #tpu.memory_space<vmem>>) dst(%dma_wait3A_134 : memref<10240x16xf32, #tpu.memory_space<vmem_shared>>)
      tpu.yield
    }) : () -> ()
    %dma_wait3A_99 = arith.constant 0 : i32
    %dma_wait3A_100 = arith.constant 0 : i32
    %dma_wait3A_101 = tpu.memref_slice %arg9[%dma_wait3A_99, %dma_wait3A_100] : memref<2x128xi32, #tpu.memory_space<vmem>> -> memref<1x128xi32, #tpu.memory_space<vmem>>
    %dma_wait3A_102 = tpu.memref_squeeze %dma_wait3A_101 : memref<1x128xi32, #tpu.memory_space<vmem>> -> memref<128xi32, #tpu.memory_space<vmem>>
    %dma_wait3A_103 = arith.constant 0 : i32
    %dma_wait3A_104 = arith.constant 0 : i32
    %dma_wait3A_105 = tpu.memref_slice %arg3[%dma_wait3A_103, %dma_wait3A_104] : memref<10240x16xf32, #tpu.memory_space<hbm>> -> memref<10240x16xf32, #tpu.memory_space<hbm>>
    tpu.wait_indirect_dma semaphore(%arg18 : memref<!tpu.dma_semaphore, #tpu.memory_space<semaphore_mem>>) src(%dma_wait3A_105 : memref<10240x16xf32, #tpu.memory_space<hbm>>) dst(%arg12 : memref<128x16xf32, #tpu.memory_space<vmem>>)
    %run_scoped3A_106 = arith.constant 1 : i32
    "tpu.region"() ({
      %run_scoped3A_122 = tpu.sem_alloc : memref<!tpu.dma_semaphore, #tpu.memory_space<semaphore_mem>>
      %dma_start3A_123 = arith.constant 0 : i32
      %dma_start3A_124 = tpu.memref_slice %arg9[%run_scoped3A_106, %dma_start3A_123] : memref<2x128xi32, #tpu.memory_space<vmem>> -> memref<1x128xi32, #tpu.memory_space<vmem>>
      %dma_start3A_125 = tpu.memref_squeeze %dma_start3A_124 : memref<1x128xi32, #tpu.memory_space<vmem>> -> memref<128xi32, #tpu.memory_space<vmem>>
      %dma_start3A_126 = arith.constant 0 : i32
      %dma_start3A_127 = arith.constant 0 : i32
      %dma_start3A_128 = tpu.memref_slice %arg19[%dma_start3A_126, %dma_start3A_127] : memref<10240x16xf32, #tpu.memory_space<vmem_shared>> -> memref<10240x16xf32, #tpu.memory_space<vmem_shared>>
      tpu.enqueue_indirect_dma source(%arg12 : memref<128x16xf32, #tpu.memory_space<vmem>>) target(%dma_start3A_128 : memref<10240x16xf32, #tpu.memory_space<vmem_shared>>) offsets(%dma_start3A_125 : memref<128xi32, #tpu.memory_space<vmem>>) semaphore(%run_scoped3A_122 : memref<!tpu.dma_semaphore, #tpu.memory_space<semaphore_mem>>) {add = true}
      %dma_wait3A_129 = arith.constant 0 : i32
      %dma_wait3A_130 = tpu.memref_slice %arg9[%run_scoped3A_106, %dma_wait3A_129] : memref<2x128xi32, #tpu.memory_space<vmem>> -> memref<1x128xi32, #tpu.memory_space<vmem>>
      %dma_wait3A_131 = tpu.memref_squeeze %dma_wait3A_130 : memref<1x128xi32, #tpu.memory_space<vmem>> -> memref<128xi32, #tpu.memory_space<vmem>>
      %dma_wait3A_132 = arith.constant 0 : i32
      %dma_wait3A_133 = arith.constant 0 : i32
      %dma_wait3A_134 = tpu.memref_slice %arg19[%dma_wait3A_132, %dma_wait3A_133] : memref<10240x16xf32, #tpu.memory_space<vmem_shared>> -> memref<10240x16xf32, #tpu.memory_space<vmem_shared>>
      tpu.wait_indirect_dma semaphore(%run_scoped3A_122 : memref<!tpu.dma_semaphore, #tpu.memory_space<semaphore_mem>>) src(%arg12 : memref<128x16xf32, #tpu.memory_space<vmem>>) dst(%dma_wait3A_134 : memref<10240x16xf32, #tpu.memory_space<vmem_shared>>)
      tpu.yield
    }) : () -> ()
    %lt3A = arith.constant 4 : i32
    %lt3A_107 = arith.cmpi slt, %add3A, %lt3A : i32
    %convert_element_type3A_108 = arith.extui %lt3A_107 : i1 to i32
    %cond3A_109 = arith.constant 0 : i32
    %cond3A_110 = arith.cmpi ne, %convert_element_type3A_108, %cond3A_109 : i32
    scf.if %cond3A_110 {
      %add3A_122 = arith.constant 2496 : i32
      %add3A_123 = arith.addi %add3A_122, %add3A : i32
      %mul3A_124 = arith.constant 128 : i32
      %mul3A_125 = arith.muli %add3A_123, %mul3A_124 : i32
      %multiple_of3A_126 = tpu.assume_multiple %mul3A_125, 128 : i32
      "tpu.region"() ({
        %run_scoped3A_142 = tpu.sem_alloc : memref<!tpu.dma_semaphore, #tpu.memory_space<semaphore_mem>>
        %dma_start3A_143 = arith.constant 0 : i32
        %dma_start3A_144 = tpu.memref_slice %arg2[%dma_start3A_143, %multiple_of3A_126] : memref<2x320000xi32, #tpu.memory_space<hbm>> -> memref<2x128xi32, #tpu.memory_space<hbm>>
        %dma_start3A_145 = arith.constant 0 : i32
        %dma_start3A_146 = tpu.memref_slice %arg2[%dma_start3A_145, %multiple_of3A_126] : memref<2x320000xi32, #tpu.memory_space<hbm>> -> memref<2x128xi32, #tpu.memory_space<hbm>>
        tpu.enqueue_dma source(%dma_start3A_146 : memref<2x128xi32, #tpu.memory_space<hbm>>) target(%arg7 : memref<2x128xi32, #tpu.memory_space<vmem>>) target_semaphore(%run_scoped3A_142 : memref<!tpu.dma_semaphore, #tpu.memory_space<semaphore_mem>>)
        %dma_wait3A_147 = arith.constant 0 : i32
        %dma_wait3A_148 = tpu.memref_slice %arg2[%dma_wait3A_147, %multiple_of3A_126] : memref<2x320000xi32, #tpu.memory_space<hbm>> -> memref<2x128xi32, #tpu.memory_space<hbm>>
        %dma_wait3A_149 = arith.constant 0 : i32
        %dma_wait3A_150 = tpu.memref_slice %arg2[%dma_wait3A_149, %multiple_of3A_126] : memref<2x320000xi32, #tpu.memory_space<hbm>> -> memref<2x128xi32, #tpu.memory_space<hbm>>
        tpu.wait_dma2 semaphore(%run_scoped3A_142 : memref<!tpu.dma_semaphore, #tpu.memory_space<semaphore_mem>>) src(%dma_wait3A_150 : memref<2x128xi32, #tpu.memory_space<hbm>>) dst(%arg7 : memref<2x128xi32, #tpu.memory_space<vmem>>)
        tpu.yield
      }) : () -> ()
      %dma_start3A_127 = arith.constant 0 : i32
      %dma_start3A_128 = arith.constant 0 : i32
      %dma_start3A_129 = tpu.memref_slice %arg7[%dma_start3A_127, %dma_start3A_128] : memref<2x128xi32, #tpu.memory_space<vmem>> -> memref<1x128xi32, #tpu.memory_space<vmem>>
      %dma_start3A_130 = tpu.memref_squeeze %dma_start3A_129 : memref<1x128xi32, #tpu.memory_space<vmem>> -> memref<128xi32, #tpu.memory_space<vmem>>
      %dma_start3A_131 = arith.constant 0 : i32
      %dma_start3A_132 = arith.constant 0 : i32
      %dma_start3A_133 = tpu.memref_slice %arg3[%dma_start3A_131, %dma_start3A_132] : memref<10240x16xf32, #tpu.memory_space<hbm>> -> memref<10240x16xf32, #tpu.memory_space<hbm>>
      tpu.enqueue_indirect_dma source(%dma_start3A_133 : memref<10240x16xf32, #tpu.memory_space<hbm>>) target(%arg11 : memref<128x16xf32, #tpu.memory_space<vmem>>) offsets(%dma_start3A_130 : memref<128xi32, #tpu.memory_space<vmem>>) semaphore(%arg17 : memref<!tpu.dma_semaphore, #tpu.memory_space<semaphore_mem>>)
      %dma_wait3A_134 = arith.constant 0 : i32
      %dma_wait3A_135 = arith.constant 0 : i32
      %dma_wait3A_136 = tpu.memref_slice %arg7[%dma_wait3A_134, %dma_wait3A_135] : memref<2x128xi32, #tpu.memory_space<vmem>> -> memref<1x128xi32, #tpu.memory_space<vmem>>
      %dma_wait3A_137 = tpu.memref_squeeze %dma_wait3A_136 : memref<1x128xi32, #tpu.memory_space<vmem>> -> memref<128xi32, #tpu.memory_space<vmem>>
      %dma_wait3A_138 = arith.constant 0 : i32
      %dma_wait3A_139 = arith.constant 0 : i32
      %dma_wait3A_140 = tpu.memref_slice %arg3[%dma_wait3A_138, %dma_wait3A_139] : memref<10240x16xf32, #tpu.memory_space<hbm>> -> memref<10240x16xf32, #tpu.memory_space<hbm>>
      tpu.wait_indirect_dma semaphore(%arg17 : memref<!tpu.dma_semaphore, #tpu.memory_space<semaphore_mem>>) src(%dma_wait3A_140 : memref<10240x16xf32, #tpu.memory_space<hbm>>) dst(%arg11 : memref<128x16xf32, #tpu.memory_space<vmem>>)
      %run_scoped3A_141 = arith.constant 1 : i32
      "tpu.region"() ({
        %run_scoped3A_142 = tpu.sem_alloc : memref<!tpu.dma_semaphore, #tpu.memory_space<semaphore_mem>>
        %dma_start3A_143 = arith.constant 0 : i32
        %dma_start3A_144 = tpu.memref_slice %arg7[%run_scoped3A_141, %dma_start3A_143] : memref<2x128xi32, #tpu.memory_space<vmem>> -> memref<1x128xi32, #tpu.memory_space<vmem>>
        %dma_start3A_145 = tpu.memref_squeeze %dma_start3A_144 : memref<1x128xi32, #tpu.memory_space<vmem>> -> memref<128xi32, #tpu.memory_space<vmem>>
        %dma_start3A_146 = arith.constant 0 : i32
        %dma_start3A_147 = arith.constant 0 : i32
        %dma_start3A_148 = tpu.memref_slice %arg19[%dma_start3A_146, %dma_start3A_147] : memref<10240x16xf32, #tpu.memory_space<vmem_shared>> -> memref<10240x16xf32, #tpu.memory_space<vmem_shared>>
        tpu.enqueue_indirect_dma source(%arg11 : memref<128x16xf32, #tpu.memory_space<vmem>>) target(%dma_start3A_148 : memref<10240x16xf32, #tpu.memory_space<vmem_shared>>) offsets(%dma_start3A_145 : memref<128xi32, #tpu.memory_space<vmem>>) semaphore(%run_scoped3A_142 : memref<!tpu.dma_semaphore, #tpu.memory_space<semaphore_mem>>) {add = true}
        %dma_wait3A_149 = arith.constant 0 : i32
        %dma_wait3A_150 = tpu.memref_slice %arg7[%run_scoped3A_141, %dma_wait3A_149] : memref<2x128xi32, #tpu.memory_space<vmem>> -> memref<1x128xi32, #tpu.memory_space<vmem>>
        %dma_wait3A_151 = tpu.memref_squeeze %dma_wait3A_150 : memref<1x128xi32, #tpu.memory_space<vmem>> -> memref<128xi32, #tpu.memory_space<vmem>>
        %dma_wait3A_152 = arith.constant 0 : i32
        %dma_wait3A_153 = arith.constant 0 : i32
        %dma_wait3A_154 = tpu.memref_slice %arg19[%dma_wait3A_152, %dma_wait3A_153] : memref<10240x16xf32, #tpu.memory_space<vmem_shared>> -> memref<10240x16xf32, #tpu.memory_space<vmem_shared>>
        tpu.wait_indirect_dma semaphore(%run_scoped3A_142 : memref<!tpu.dma_semaphore, #tpu.memory_space<semaphore_mem>>) src(%arg11 : memref<128x16xf32, #tpu.memory_space<vmem>>) dst(%dma_wait3A_154 : memref<10240x16xf32, #tpu.memory_space<vmem_shared>>)
        tpu.yield
      }) : () -> ()
    } else {
    }
    %barrier3A_111 = arith.constant 0 : index
    tpu.barrier barrier_id(%barrier3A_111)
    %eq3A_112 = arith.constant 0 : i32
    %eq3A_113 = arith.cmpi eq, %arg0, %eq3A_112 : i32
    %convert_element_type3A_114 = arith.extui %eq3A_113 : i1 to i32
    %cond3A_115 = arith.constant 0 : i32
    %cond3A_116 = arith.cmpi ne, %convert_element_type3A_114, %cond3A_115 : i32
    scf.if %cond3A_116 {
      "tpu.region"() ({
        %run_scoped3A_122 = tpu.sem_alloc : memref<!tpu.dma_semaphore, #tpu.memory_space<semaphore_mem>>
        %dma_start3A_123 = arith.constant 0 : i32
        %dma_start3A_124 = tpu.memref_slice %arg5[%mul3A_2, %dma_start3A_123] : memref<10240x16xf32, #tpu.memory_space<hbm>> -> memref<640x16xf32, #tpu.memory_space<hbm>>
        %dma_start3A_125 = arith.constant 0 : i32
        %dma_start3A_126 = tpu.memref_slice %arg19[%mul3A_2, %dma_start3A_125] : memref<10240x16xf32, #tpu.memory_space<vmem_shared>> -> memref<640x16xf32, #tpu.memory_space<vmem_shared>>
        tpu.enqueue_dma source(%dma_start3A_126 : memref<640x16xf32, #tpu.memory_space<vmem_shared>>) target(%dma_start3A_124 : memref<640x16xf32, #tpu.memory_space<hbm>>) target_semaphore(%run_scoped3A_122 : memref<!tpu.dma_semaphore, #tpu.memory_space<semaphore_mem>>)
        %dma_wait3A_127 = arith.constant 0 : i32
        %dma_wait3A_128 = tpu.memref_slice %arg5[%mul3A_2, %dma_wait3A_127] : memref<10240x16xf32, #tpu.memory_space<hbm>> -> memref<640x16xf32, #tpu.memory_space<hbm>>
        %dma_wait3A_129 = arith.constant 0 : i32
        %dma_wait3A_130 = tpu.memref_slice %arg19[%mul3A_2, %dma_wait3A_129] : memref<10240x16xf32, #tpu.memory_space<vmem_shared>> -> memref<640x16xf32, #tpu.memory_space<vmem_shared>>
        tpu.wait_dma2 semaphore(%run_scoped3A_122 : memref<!tpu.dma_semaphore, #tpu.memory_space<semaphore_mem>>) src(%dma_wait3A_130 : memref<640x16xf32, #tpu.memory_space<vmem_shared>>) dst(%dma_wait3A_128 : memref<640x16xf32, #tpu.memory_space<hbm>>)
        tpu.yield
      }) : () -> ()
    } else {
    }
    %eq3A_117 = arith.constant 1 : i32
    %eq3A_118 = arith.cmpi eq, %arg0, %eq3A_117 : i32
    %convert_element_type3A_119 = arith.extui %eq3A_118 : i1 to i32
    %cond3A_120 = arith.constant 0 : i32
    %cond3A_121 = arith.cmpi ne, %convert_element_type3A_119, %cond3A_120 : i32
    scf.if %cond3A_121 {
      "tpu.region"() ({
        %run_scoped3A_122 = tpu.sem_alloc : memref<!tpu.dma_semaphore, #tpu.memory_space<semaphore_mem>>
        %dma_start3A_123 = arith.constant 0 : i32
        %dma_start3A_124 = tpu.memref_slice %arg6[%mul3A_2, %dma_start3A_123] : memref<10240x16xf32, #tpu.memory_space<hbm>> -> memref<640x16xf32, #tpu.memory_space<hbm>>
        %dma_start3A_125 = arith.constant 0 : i32
        %dma_start3A_126 = tpu.memref_slice %arg19[%mul3A_2, %dma_start3A_125] : memref<10240x16xf32, #tpu.memory_space<vmem_shared>> -> memref<640x16xf32, #tpu.memory_space<vmem_shared>>
        tpu.enqueue_dma source(%dma_start3A_126 : memref<640x16xf32, #tpu.memory_space<vmem_shared>>) target(%dma_start3A_124 : memref<640x16xf32, #tpu.memory_space<hbm>>) target_semaphore(%run_scoped3A_122 : memref<!tpu.dma_semaphore, #tpu.memory_space<semaphore_mem>>)
        %dma_wait3A_127 = arith.constant 0 : i32
        %dma_wait3A_128 = tpu.memref_slice %arg6[%mul3A_2, %dma_wait3A_127] : memref<10240x16xf32, #tpu.memory_space<hbm>> -> memref<640x16xf32, #tpu.memory_space<hbm>>
        %dma_wait3A_129 = arith.constant 0 : i32
        %dma_wait3A_130 = tpu.memref_slice %arg19[%mul3A_2, %dma_wait3A_129] : memref<10240x16xf32, #tpu.memory_space<vmem_shared>> -> memref<640x16xf32, #tpu.memory_space<vmem_shared>>
        tpu.wait_dma2 semaphore(%run_scoped3A_122 : memref<!tpu.dma_semaphore, #tpu.memory_space<semaphore_mem>>) src(%dma_wait3A_130 : memref<640x16xf32, #tpu.memory_space<vmem_shared>>) dst(%dma_wait3A_128 : memref<640x16xf32, #tpu.memory_space<hbm>>)
        tpu.yield
      }) : () -> ()
    } else {
    }
    return
  }
}

module attributes {stable_mosaic.version = 14 : i64} {
  func.func @body(%arg0: i32, %arg1: memref<512x128xf32, #tpu.memory_space<vmem>>, %arg2: memref<128x128xf32, #tpu.memory_space<vmem>>, %arg3: memref<512x2xf32, #tpu.memory_space<vmem>>, %arg4: memref<512x128xf32, #tpu.memory_space<vmem>>) attributes {dimension_semantics = [#tpu.dimension_semantics<arbitrary>], iteration_bounds = array<i64: 20>, scalar_prefetch = 0 : i64, scratch_operands = 0 : i64, tpu.core_type = #tpu.core_type<tc>, window_params = [{transform_indices = @transform_0, window_bounds = array<i64: 512, 128>}, {pipeline_mode = #tpu.pipeline_mode<synchronous>, transform_indices = @transform_1, window_bounds = array<i64: 128, 128>}, {transform_indices = @transform_2, window_bounds = array<i64: 512, 2>}, {transform_indices = @transform_3, window_bounds = array<i64: 512, 128>}]} {
    %get3A = arith.constant 0 : index
    %get3A_0 = arith.constant 0 : index
    %get3A_1 = vector.load %arg1[%get3A, %get3A_0] : memref<512x128xf32, #tpu.memory_space<vmem>>, vector<512x128xf32>
    %get3A_2 = arith.constant 0 : index
    %get3A_3 = arith.constant 0 : index
    %get3A_4 = vector.load %arg2[%get3A_2, %get3A_3] : memref<128x128xf32, #tpu.memory_space<vmem>>, vector<128x128xf32>
    %dot_general3A = arith.constant dense<0.000000e+00> : vector<512x128xf32>
    %dot_general3A_5 = tpu.matmul %get3A_1, %get3A_4, %dot_general3A {dimension_numbers = #tpu.dot_dimension_numbers<[1], [0], [0], [1], [0, 0, 1, 1], [], []>, transpose_lhs_hint = false} : vector<512x128xf32>, vector<128x128xf32>, vector<512x128xf32> -> vector<512x128xf32>
    %get3A_6 = arith.constant 0 : index
    %get3A_7 = arith.constant 0 : index
    %get3A_8 = vector.load %arg3[%get3A_6, %get3A_7] : memref<512x2xf32, #tpu.memory_space<vmem>>, vector<512x1xf32>
    %get3A_9 = arith.constant 0 : index
    %get3A_10 = arith.constant 1 : index
    %get3A_11 = vector.load %arg3[%get3A_9, %get3A_10] : memref<512x2xf32, #tpu.memory_space<vmem>>, vector<512x1xf32>
    %add3A = arith.addf %get3A_8, %get3A_11 : vector<512x1xf32>
    %add3A_12 = arith.constant 1.000000e+00 : f32
    %add3A_13 = vector.broadcast %add3A_12 : f32 to vector<512x1xf32>
    %add3A_14 = arith.addf %add3A, %add3A_13 : vector<512x1xf32>
    %rsqrt3A = math.rsqrt %add3A_14 : vector<512x1xf32>
    %mul3A = vector.broadcast %rsqrt3A : vector<512x1xf32> to vector<512x128xf32>
    %mul3A_15 = arith.mulf %dot_general3A_5, %mul3A : vector<512x128xf32>
    %swap3A = arith.constant 0 : index
    %swap3A_16 = arith.constant 0 : index
    %swap3A_17 = vector.load %arg4[%swap3A, %swap3A_16] : memref<512x128xf32, #tpu.memory_space<vmem>>, vector<512x128xf32>
    tpu.vector_store %arg4[%swap3A, %swap3A_16], %mul3A_15 {strides = array<i32>} : memref<512x128xf32, #tpu.memory_space<vmem>>, vector<512x128xf32>,
    return
  }
  func.func @transform_0(%arg0: i32) -> (i32, i32) {
    %c0_i32 = arith.constant 0 : i32
    %c0_i32_0 = arith.constant 0 : i32
    return %arg0, %c0_i32 : i32, i32
  }
  func.func @transform_1(%arg0: i32) -> (i32, i32) {
    %c0_i32 = arith.constant 0 : i32
    %c0_i32_0 = arith.constant 0 : i32
    %c0_i32_1 = arith.constant 0 : i32
    return %c0_i32, %c0_i32_0 : i32, i32
  }
  func.func @transform_2(%arg0: i32) -> (i32, i32) {
    %c0_i32 = arith.constant 0 : i32
    %c0_i32_0 = arith.constant 0 : i32
    return %arg0, %c0_i32 : i32, i32
  }
  func.func @transform_3(%arg0: i32) -> (i32, i32) {
    %c0_i32 = arith.constant 0 : i32
    %c0_i32_0 = arith.constant 0 : i32
    return %arg0, %c0_i32 : i32, i32
  }
}

module attributes {stable_mosaic.version = 14 : i64} {
  func.func @body(%arg0: i32, %arg1: memref<512x128xf32, #tpu.memory_space<vmem>>, %arg2: memref<512x128xf32, #tpu.memory_space<vmem>>, %arg3: memref<512x2xf32, #tpu.memory_space<vmem>>, %arg4: memref<128x16xf32, #tpu.memory_space<vmem>>, %arg5: memref<1x128xf32, #tpu.memory_space<vmem>>, %arg6: memref<512x16xf32, #tpu.memory_space<vmem>>) attributes {dimension_semantics = [#tpu.dimension_semantics<arbitrary>], iteration_bounds = array<i64: 20>, scalar_prefetch = 0 : i64, scratch_operands = 0 : i64, tpu.core_type = #tpu.core_type<tc>, window_params = [{transform_indices = @transform_0, window_bounds = array<i64: 512, 128>}, {transform_indices = @transform_1, window_bounds = array<i64: 512, 128>}, {transform_indices = @transform_2, window_bounds = array<i64: 512, 2>}, {pipeline_mode = #tpu.pipeline_mode<synchronous>, transform_indices = @transform_3, window_bounds = array<i64: 128, 16>}, {pipeline_mode = #tpu.pipeline_mode<synchronous>, transform_indices = @transform_4, window_bounds = array<i64: 1, 128>}, {transform_indices = @transform_5, window_bounds = array<i64: 512, 16>}]} {
    %get3A = arith.constant 0 : index
    %get3A_0 = arith.constant 0 : index
    %get3A_1 = vector.load %arg3[%get3A, %get3A_0] : memref<512x2xf32, #tpu.memory_space<vmem>>, vector<512x1xf32>
    %get3A_2 = arith.constant 0 : index
    %get3A_3 = arith.constant 1 : index
    %get3A_4 = vector.load %arg3[%get3A_2, %get3A_3] : memref<512x2xf32, #tpu.memory_space<vmem>>, vector<512x1xf32>
    %add3A = arith.addf %get3A_1, %get3A_4 : vector<512x1xf32>
    %add3A_5 = arith.constant 1.000000e+00 : f32
    %add3A_6 = vector.broadcast %add3A_5 : f32 to vector<512x1xf32>
    %add3A_7 = arith.addf %add3A, %add3A_6 : vector<512x1xf32>
    %rsqrt3A = math.rsqrt %add3A_7 : vector<512x1xf32>
    %get3A_8 = arith.constant 0 : index
    %get3A_9 = arith.constant 0 : index
    %get3A_10 = vector.load %arg1[%get3A_8, %get3A_9] : memref<512x128xf32, #tpu.memory_space<vmem>>, vector<512x128xf32>
    %get3A_11 = arith.constant 0 : index
    %get3A_12 = arith.constant 0 : index
    %get3A_13 = vector.load %arg2[%get3A_11, %get3A_12] : memref<512x128xf32, #tpu.memory_space<vmem>>, vector<512x128xf32>
    %add3A_14 = arith.addf %get3A_10, %get3A_13 : vector<512x128xf32>
    %mul3A = vector.broadcast %rsqrt3A : vector<512x1xf32> to vector<512x128xf32>
    %mul3A_15 = arith.mulf %add3A_14, %mul3A : vector<512x128xf32>
    %get3A_16 = arith.constant 0 : index
    %get3A_17 = arith.constant 0 : index
    %get3A_18 = vector.load %arg5[%get3A_16, %get3A_17] : memref<1x128xf32, #tpu.memory_space<vmem>>, vector<1x128xf32>
    %add3A_19 = vector.broadcast %get3A_18 : vector<1x128xf32> to vector<512x128xf32>
    %add3A_20 = arith.addf %mul3A_15, %add3A_19 : vector<512x128xf32>
    %max3A = arith.constant 0.000000e+00 : f32
    %max3A_21 = vector.broadcast %max3A : f32 to vector<512x128xf32>
    %max3A_22 = arith.maximumf %add3A_20, %max3A_21 : vector<512x128xf32>
    %get3A_23 = arith.constant 0 : index
    %get3A_24 = arith.constant 0 : index
    %get3A_25 = vector.load %arg4[%get3A_23, %get3A_24] : memref<128x16xf32, #tpu.memory_space<vmem>>, vector<128x16xf32>
    %dot_general3A = arith.constant dense<0.000000e+00> : vector<512x16xf32>
    %dot_general3A_26 = tpu.matmul %max3A_22, %get3A_25, %dot_general3A {dimension_numbers = #tpu.dot_dimension_numbers<[1], [0], [0], [1], [0, 0, 1, 1], [], []>, transpose_lhs_hint = false} : vector<512x128xf32>, vector<128x16xf32>, vector<512x16xf32> -> vector<512x16xf32>
    %mul3A_27 = vector.broadcast %rsqrt3A : vector<512x1xf32> to vector<512x16xf32>
    %mul3A_28 = arith.mulf %dot_general3A_26, %mul3A_27 : vector<512x16xf32>
    %swap3A = arith.constant 0 : index
    %swap3A_29 = arith.constant 0 : index
    %swap3A_30 = vector.load %arg6[%swap3A, %swap3A_29] : memref<512x16xf32, #tpu.memory_space<vmem>>, vector<512x16xf32>
    tpu.vector_store %arg6[%swap3A, %swap3A_29], %mul3A_28 {strides = array<i32>} : memref<512x16xf32, #tpu.memory_space<vmem>>, vector<512x16xf32>,
    return
  }
  func.func @transform_0(%arg0: i32) -> (i32, i32) {
    %c0_i32 = arith.constant 0 : i32
    %c0_i32_0 = arith.constant 0 : i32
    return %arg0, %c0_i32 : i32, i32
  }
  func.func @transform_1(%arg0: i32) -> (i32, i32) {
    %c0_i32 = arith.constant 0 : i32
    %c0_i32_0 = arith.constant 0 : i32
    return %arg0, %c0_i32 : i32, i32
  }
  func.func @transform_2(%arg0: i32) -> (i32, i32) {
    %c0_i32 = arith.constant 0 : i32
    %c0_i32_0 = arith.constant 0 : i32
    return %arg0, %c0_i32 : i32, i32
  }
  func.func @transform_3(%arg0: i32) -> (i32, i32) {
    %c0_i32 = arith.constant 0 : i32
    %c0_i32_0 = arith.constant 0 : i32
    %c0_i32_1 = arith.constant 0 : i32
    return %c0_i32, %c0_i32_0 : i32, i32
  }
  func.func @transform_4(%arg0: i32) -> (i32, i32) {
    %c0_i32 = arith.constant 0 : i32
    %c0_i32_0 = arith.constant 0 : i32
    %c0_i32_1 = arith.constant 0 : i32
    return %c0_i32, %c0_i32_0 : i32, i32
  }
  func.func @transform_5(%arg0: i32) -> (i32, i32) {
    %c0_i32 = arith.constant 0 : i32
    %c0_i32_0 = arith.constant 0 : i32
    return %arg0, %c0_i32 : i32, i32
  }
}

module attributes {stable_mosaic.version = 14 : i64} {
  func.func @body(%arg0: i32, %arg1: memref<400x16xf32, #tpu.memory_space<vmem>>, %arg2: memref<400x16xf32, #tpu.memory_space<vmem>>, %arg3: memref<400x2xf32, #tpu.memory_space<vmem>>, %arg4: memref<1x16xf32, #tpu.memory_space<vmem>>, %arg5: memref<400x2xf32, #tpu.memory_space<vmem>>) attributes {dimension_semantics = [#tpu.dimension_semantics<arbitrary>], iteration_bounds = array<i64: 25>, scalar_prefetch = 0 : i64, scratch_operands = 0 : i64, tpu.core_type = #tpu.core_type<tc>, window_params = [{transform_indices = @transform_0, window_bounds = array<i64: 400, 16>}, {transform_indices = @transform_1, window_bounds = array<i64: 400, 16>}, {transform_indices = @transform_2, window_bounds = array<i64: 400, 2>}, {pipeline_mode = #tpu.pipeline_mode<synchronous>, transform_indices = @transform_3, window_bounds = array<i64: 1, 16>}, {transform_indices = @transform_4, window_bounds = array<i64: 400, 2>}]} {
    %get3A = arith.constant 0 : index
    %get3A_0 = arith.constant 0 : index
    %get3A_1 = vector.load %arg3[%get3A, %get3A_0] : memref<400x2xf32, #tpu.memory_space<vmem>>, vector<400x1xf32>
    %get3A_2 = arith.constant 0 : index
    %get3A_3 = arith.constant 1 : index
    %get3A_4 = vector.load %arg3[%get3A_2, %get3A_3] : memref<400x2xf32, #tpu.memory_space<vmem>>, vector<400x1xf32>
    %add3A = arith.addf %get3A_1, %get3A_4 : vector<400x1xf32>
    %add3A_5 = arith.constant 1.000000e+00 : f32
    %add3A_6 = vector.broadcast %add3A_5 : f32 to vector<400x1xf32>
    %add3A_7 = arith.addf %add3A, %add3A_6 : vector<400x1xf32>
    %rsqrt3A = math.rsqrt %add3A_7 : vector<400x1xf32>
    %get3A_8 = arith.constant 0 : index
    %get3A_9 = arith.constant 0 : index
    %get3A_10 = vector.load %arg1[%get3A_8, %get3A_9] : memref<400x16xf32, #tpu.memory_space<vmem>>, vector<400x16xf32>
    %get3A_11 = arith.constant 0 : index
    %get3A_12 = arith.constant 0 : index
    %get3A_13 = vector.load %arg2[%get3A_11, %get3A_12] : memref<400x16xf32, #tpu.memory_space<vmem>>, vector<400x16xf32>
    %add3A_14 = arith.addf %get3A_10, %get3A_13 : vector<400x16xf32>
    %mul3A = vector.broadcast %rsqrt3A : vector<400x1xf32> to vector<400x16xf32>
    %mul3A_15 = arith.mulf %add3A_14, %mul3A : vector<400x16xf32>
    %get3A_16 = arith.constant 0 : index
    %get3A_17 = arith.constant 0 : index
    %get3A_18 = vector.load %arg4[%get3A_16, %get3A_17] : memref<1x16xf32, #tpu.memory_space<vmem>>, vector<1x16xf32>
    %add3A_19 = vector.broadcast %get3A_18 : vector<1x16xf32> to vector<400x16xf32>
    %add3A_20 = arith.addf %mul3A_15, %add3A_19 : vector<400x16xf32>
    %slice3A = vector.extract_strided_slice %add3A_20 {offsets = [0, 0], sizes = [400, 2], strides = [1, 1]} : vector<400x16xf32> to vector<400x2xf32>
    %swap3A = arith.constant 0 : index
    %swap3A_21 = arith.constant 0 : index
    %swap3A_22 = vector.load %arg5[%swap3A, %swap3A_21] : memref<400x2xf32, #tpu.memory_space<vmem>>, vector<400x2xf32>
    tpu.vector_store %arg5[%swap3A, %swap3A_21], %slice3A {strides = array<i32>} : memref<400x2xf32, #tpu.memory_space<vmem>>, vector<400x2xf32>,
    return
  }
  func.func @transform_0(%arg0: i32) -> (i32, i32) {
    %c0_i32 = arith.constant 0 : i32
    %c0_i32_0 = arith.constant 0 : i32
    return %arg0, %c0_i32 : i32, i32
  }
  func.func @transform_1(%arg0: i32) -> (i32, i32) {
    %c0_i32 = arith.constant 0 : i32
    %c0_i32_0 = arith.constant 0 : i32
    return %arg0, %c0_i32 : i32, i32
  }
  func.func @transform_2(%arg0: i32) -> (i32, i32) {
    %c0_i32 = arith.constant 0 : i32
    %c0_i32_0 = arith.constant 0 : i32
    return %arg0, %c0_i32 : i32, i32
  }
  func.func @transform_3(%arg0: i32) -> (i32, i32) {
    %c0_i32 = arith.constant 0 : i32
    %c0_i32_0 = arith.constant 0 : i32
    %c0_i32_1 = arith.constant 0 : i32
    return %c0_i32, %c0_i32_0 : i32, i32
  }
  func.func @transform_4(%arg0: i32) -> (i32, i32) {
    %c0_i32 = arith.constant 0 : i32
    %c0_i32_0 = arith.constant 0 : i32
    return %arg0, %c0_i32 : i32, i32
  }
}

</mosaic_0001>

<sc_bundles>
// kernel: kernel.11.cloned.1.call-start
scs
__scs_entry_jumppad:
0x0: {  	(pc) =	sbr.rel $0x88, $3  }
0x1: {  	(tag) =	ssettag $0x0;
	lr =	simm.s32 $0x1  }
0x2: {  	[smem:$0x3F9B] =	sst lr;
	_ =	strace $0xD0000000  }
0x3: {  	_ = 	snop  }
0x4: {  	_ = 	snop  }
0x5: {  	_ = 	snop  }
0x6: {  	_ = 	snop  }
0x7: {  	_ = 	snop  }
__scs_overlays_trampoline_lowered:
0x8: {  	[smem:$0x3FAA] =	sst s0  }
0x9: {  	[smem:$0x3FAB] =	sst s1  }
0xa: {  	[smem:$0x3FAC] =	sst s2  }
0xb: {  	[smem:$0x3FAD] =	sst s3  }
0xc: {  	[smem:$0x3FAE] =	sst s4  }
0xd: {  	[smem:$0x3FAF] =	sst s5  }
0xe: {  	[smem:$0x3FB0] =	sst s6  }
0xf: {  	[smem:$0x3FB1] =	sst s7  }
0x10: {  	[smem:$0x3FB2] =	sst s8  }
0x11: {  	[smem:$0x3FB3] =	sst s9;
	s0 =	simm.s32 @!p0 $0x0  }
0x12: {  	s1 =	sld [smem:$0x3F99];
	s0 =	simm.s32 @p0 $0x1  }
0x13: {  	[smem:$0x3FB4] =	sst s0;
	s0 =	simm.s32 @!p1 $0x0  }
0x14: {  	s2 =	sld [smem:$0x3F98];
	s0 =	simm.s32 @p1 $0x1  }
0x15: {  	[smem:$0x3FB5] =	sst s0;
	s0 =	simm.s32 @!p2 $0x0  }
0x16: {  	s3 =	sld [smem:$0x3FDB];
	s0 =	simm.s32 @p2 $0x1  }
0x17: {  	s4 =	simm.s32 $0x1BF5;
	[smem:$0x3FB7] =	sst s0  }
0x18: {  	s0 =	sld [smem:$0x3F9A];
	_ =	swait.ge [sflag:s4], $0x0  }
0x19: {  	s7 =	sld [smem:$0x3F9B]  }
0x1a: {  	s8 =	sadd.s32 $0xFFFFE003, lr  }
0x1b: {  	s9 =	sadd.s32 $0xFFFFFEF7, lr;
	s5 =	simm.s32 $0xFFFFFFFF;
	p2 =	slt.u32 s8, $0xFFFFF086  }
0x1c: {  	p1 =	slt.u32 s9, $0xF7A;
	s5 =	simm.s32 @!p2 $0x0  }
0x1d: {  	s5 =	simm.s32 @p1 $0x1;
	p0 =	seq.s32 s7, s2  }
0x1e: {  	s7 =	smul.u32 @!p0 $0xF7A, s2;
	p2 =	seq.s32 @!p0 s5, $0x0  }
0x1f: {  	s9 =	smul.u32 $0xF7A, s1;
	s8 =	simm.s32 @!p0 $0x1BF5;
	p2 =	por !p2, p0  }
0x20: {  	[sflag:s8] =	ssyncset.s32 @!p0 $0xFFFFF086;
	s6 =	sadd.s32 @!p0 s3, s7;
	s7 =	simm.s32 @!p0 $0x108  }
0x21: {  	s3 =	sadd.s32 s3, s9;
	s6 =	sadd.s32 @!p0 $0x88, s6;
	s7 =	simm.s32 @p2 $0x1082  }
0x22: {  	[simem:s7], [sflag:s8] =	dma.local @!p0 [hbm:s6], $0xF7A  }
0x23: {  	s9 =	sor.u32 $0xD0000000, s2;
	s6 =	simm.s32 $0x108;
	_ =	swait.ge @!p0 [sflag:s8], $0x0  }
0x24: {  	s3 =	sadd.s32 $0x88, s3;
	s6 =	simm.s32 @!p1 $0x1082;
	[sflag:s4] =	ssyncset.s32 $0xFFFFF086  }
0x25: {  	[simem:s6], [sflag:s4] =	dma.local [hbm:s3], $0xF7A  }
0x26: {  	[smem:$0x3F9B] =	sst s1;
	(tag) =	ssettag s2;
	_ =	strace s9  }
0x27: {  	s1 =	sld [smem:$0x3FAB]  }
0x28: {  	s2 =	sld [smem:$0x3FAC]  }
0x29: {  	s4 =	sld [smem:$0x3FAE]  }
0x2a: {  	p0 =	seq.s32 s5, $0x0;
	s5 =	sld [smem:$0x3FAF]  }
0x2b: {  	s6 =	sld [smem:$0x3FB0]  }
0x2c: {  	s7 =	sld [smem:$0x3FB1]  }
0x2d: {  	s3 =	simm.s32 $0x108;
	s8 =	sld [smem:$0x3FB2]  }
0x2e: {  	s3 =	simm.s32 @!p0 $0x1082;
	s9 =	sld [smem:$0x3FB3]  }
0x2f: {  	lr =	sadd.s32 s0, s3;
	s0 =	sld [smem:$0x3FAA]  }
0x30: {  	s3 =	sld [smem:$0x3FAD]  }
0x31: {  	[smem:$0x3FB6] =	sst s10  }
0x32: {  	s10 =	sld [smem:$0x3FB4];
	_ =	sdelay $0x3  }
0x33: {  	p0 =	seq.s32 s10, $0x1;
	s10 =	sld [smem:$0x3FB6];
	_ =	sdelay $0x3  }
0x34: {  	[smem:$0x3FB6] =	sst s10  }
0x35: {  	s10 =	sld [smem:$0x3FB5];
	_ =	sdelay $0x3  }
0x36: {  	p1 =	seq.s32 s10, $0x1;
	s10 =	sld [smem:$0x3FB6];
	_ =	sdelay $0x3  }
0x37: {  	[smem:$0x3FB6] =	sst s10  }
0x38: {  	s10 =	sld [smem:$0x3FB7]  }
0x39: {  	_ = 	snop;
	(pc) =	sbr.ind lr, $3  }
0x3a: {  	_ = 	snop  }
0x3b: {  	_ = 	snop  }
0x3c: {  	p2 =	seq.s32 s10, $0x1;
	s10 =	sld [smem:$0x3FB6]  }
0x3d: {  	_ =	shalt  }
0x3e: {  	_ =	shalt  }
0x3f: {  	_ =	shalt  }
0x40: {  	_ =	shalt  }
0x41: {  	_ =	shalt  }
0x42: {  	_ =	shalt  }
0x43: {  	_ =	shalt  }
0x44: {  	_ =	shalt  }
0x45: {  	_ =	shalt  }
0x46: {  	_ =	shalt  }
0x47: {  	_ =	shalt  }
0x48: {  	_ =	shalt  }
0x49: {  	_ =	shalt  }
0x4a: {  	_ =	shalt  }
0x4b: {  	_ =	shalt  }
0x4c: {  	_ =	shalt  }
0x4d: {  	_ =	shalt  }
0x4e: {  	_ =	shalt  }
0x4f: {  	_ =	shalt  }
0x50: {  	_ =	shalt  }
0x51: {  	_ =	shalt  }
0x52: {  	_ =	shalt  }
0x53: {  	_ =	shalt  }
0x54: {  	_ =	shalt  }
0x55: {  	_ =	shalt  }
0x56: {  	_ =	shalt  }
0x57: {  	_ =	shalt  }
0x58: {  	_ =	shalt  }
0x59: {  	_ =	shalt  }
0x5a: {  	_ =	shalt  }
0x5b: {  	_ =	shalt  }
0x5c: {  	_ =	shalt  }
0x5d: {  	_ =	shalt  }
0x5e: {  	_ =	shalt  }
0x5f: {  	_ =	shalt  }
0x60: {  	_ =	shalt  }
0x61: {  	_ =	shalt  }
0x62: {  	_ =	shalt  }
0x63: {  	_ =	shalt  }
0x64: {  	_ =	shalt  }
0x65: {  	_ =	shalt  }
0x66: {  	_ =	shalt  }
0x67: {  	_ =	shalt  }
0x68: {  	_ =	shalt  }
0x69: {  	_ =	shalt  }
0x6a: {  	_ =	shalt  }
0x6b: {  	_ =	shalt  }
0x6c: {  	_ =	shalt  }
0x6d: {  	_ =	shalt  }
0x6e: {  	_ =	shalt  }
0x6f: {  	_ =	shalt  }
0x70: {  	_ =	shalt  }
0x71: {  	_ =	shalt  }
0x72: {  	_ =	shalt  }
0x73: {  	_ =	shalt  }
0x74: {  	_ =	shalt  }
0x75: {  	_ =	shalt  }
0x76: {  	_ =	shalt  }
0x77: {  	_ =	shalt  }
0x78: {  	_ =	shalt  }
0x79: {  	_ =	shalt  }
0x7a: {  	_ =	shalt  }
0x7b: {  	_ =	shalt  }
0x7c: {  	_ =	shalt  }
0x7d: {  	_ =	shalt  }
0x7e: {  	_ =	shalt  }
0x7f: {  	_ =	shalt  }
0x80: {  	_ =	shalt  }
0x81: {  	_ =	shalt  }
0x82: {  	_ =	shalt  }
0x83: {  	_ =	shalt  }
0x84: {  	_ =	shalt  }
0x85: {  	_ =	shalt  }
0x86: {  	_ =	shalt  }
0x87: {  	_ =	shalt  }
.Lfunc_end0:
.L_simem_size_0:
called_computation.1_lowered:
.L_overlay_start_0:
0x88: {  	s2 =	sld [smem:$0x3FD9]  }
0x89: {  	s3 =	sld [smem:$0x3FFE];
	_ =	sdelay $0x1  }
0x8a: {  	s1 =	srdreg.scid  }
0x8b: {  	s0 =	sand.u32 $0x1, s1  }
0x8c: {  	s17 =	sshll.u32 s0, $0xA;
	s2 =	sadd.s32 s3, s2  }
0x8d: {  	s2 =	sadd.s32 s2, s17  }
0x8e: {  	[smem:$0x3FC2] =	sst s2  }
0x8f: {  	_ = 	snop  }
0x90: {  	s2 =	sld [smem:$0x3FC8];
	(tm) =	ssettm $0x1  }
0x91: {  	s18 =	sld [smem:$0x3FFB];
	_ =	sdelay $0x3  }
0x92: {  	_ =	strace s18  }
0x93: {  	s3 =	sld [smem:$0x3FFC];
	_ =	sdelay $0x3  }
0x94: {  	_ =	strace s3  }
0x95: {  	s3 =	sld [smem:$0x3FFD];
	_ =	sdelay $0x3  }
0x96: {  	_ =	strace s3  }
0x97: {  	_ =	strace $0x8FFFFFFF  }
0x98: {  	s19 =	sld [smem:$0x3FDB];
	_ =	sdelay $0x1  }
0x99: {  	s4 =	simm.s32 $_scs_section_size  }
0x9a: {  	s5 =	simm.s32 $_size__tile_overlayer_lowered;
	s6 =	simm.s32 $_tile_overlayer_lowered  }
0x9b: {  	s22 =	simm.s32 $0x1BFF;
	s21 =	sshll.u32 s6, $0x1;
	s3 =	sadd.s32 s4, s19  }
0x9c: {  	s7 =	simm.s32 $0x0;
	s20 =	sshll.u32 s5, $0x1;
	s5 =	sadd.s32 s21, s3  }
0x9d: {  	[timem:s7], [sflag:s22] =	dma.local [hbm:s5], s20  }
0x9e: {  	_ =	swait.ge [sflag:s22], s20  }
0x9f: {  	s4 =	ssub.s32 $0x0, s20;
	[sflag:s22] =	ssyncset.done $0x0  }
0xa0: {  	[sflag:s22] =	ssyncadd.s32 s4;
	_ =	sdelay $0x1  }
0xa1: {  	s23 =	simm.s32 $0x1B8B  }
0xa2: {  	_ =	swait.ge [sflag:s23], $0x1  }
0xa3: {  	[sflag:s23] =	ssyncset.done $0x0  }
0xa4: {  	s25 =	simm.s32 $0x1B8E;
	s24 =	sld [smem:$0x3FFE];
	[sflag:s23] =	ssyncadd.s32 $0xFFFFFFFF  }
0xa5: {  	s26 =	simm.s32 $execute0_lowered;
	[smem:$0x3FD2] =	sst s25  }
0xa6: {  	s5 =	sshll.u32 s26, $0x1;
	_ =	strace $0x80000049;
	[dreg:$0x1] =	wrdreg $0xFFFFFFFF  }
0xa7: {  	s28 =	simm.s32 $_size_execute0_lowered;
	s3 =	sadd.s32 s3, s5;
	[dreg:$0x0] =	wrdreg $0x0  }
0xa8: {  	s5 =	sshll.u32 s28, $0x1;
	[dreg:$0x2] =	wrdreg s3  }
0xa9: {  	[dreg:$0x3] =	wrdreg s5  }
0xaa: {  	[dreg:$0x4] =	wrdreg $0xC0  }
0xab: {  	_ =	task [dreg:s7], $0x5FFFF  }
0xac: {  	[dreg:$0x1] =	wrdreg $0xFFFFFFFF  }
0xad: {  	[dreg:$0x0] =	wrdreg $0x60  }
0xae: {  	[dreg:$0x2] =	wrdreg s2  }
0xaf: {  	[dreg:$0x3] =	wrdreg s24  }
0xb0: {  	[dreg:$0x4] =	wrdreg $0x84000  }
0xb1: {  	[dreg:$0x5] =	wrdreg $0x9  }
0xb2: {  	_ =	task.clear_ibuf [dreg:s7], $0x6FFFF;
	_ =	strace $0x90000049  }
0xb3: {  	s29 =	simm.s32 $0x9;
	_ =	strace $0x8000004B  }
0xb4: {  	_ =	swait.ge [sflag:s29], $0x1  }
0xb5: {  	[sflag:s29] =	ssyncadd.s32 $0xFFFFFFFF  }
0xb6: {  	_ =	strace $0x9000004B  }
0xb7: {  	_ =	sfence  }
0xb8: {  	s30 =	sld [smem:$0x0];
	_ =	sdelay $0x2  }
0xb9: {  	s31 =	sshll.u32 s1, $0xD;
	s1 =	sshrl.u32 s1, $0x2  }
0xba: {  	s3 =	sand.u32 $0x4000, s31;
	s1 =	sadd.s32 s1, s30  }
0xbb: {  	s0 =	sor.u32 s3, s0;
	s1 =	sshll.u32 s1, $0x11  }
0xbc: {  	s0 =	sor.u32 s1, s0  }
0xbd: {  	s0 =	sadd.s32 $0x8F2B, s0  }
0xbe: {  	[sflag:s0] =	ssyncadd.remote.s32 $0x1  }
0xbf: {  	_ =	sfence.sel $0xFFFF  }
0xc0: {  	[dreg:$0x0] =	wrdreg $0xFFFFFFFF;
	(pc) =	sbr.abs _section_cstart, $3  }
0xc1: {  	[dreg:$0x1] =	wrdreg $0xFFFFFFFF  }
0xc2: {  	_ =	task.clear_ibuf [dreg:s7], $0x2FFFF;
	_ =	strace $0x9FFFFFFF  }
0xc3: {  	(tm) =	ssettm $0x7FFFFFFF  }
tec
execute0_lowered:
.L_overlay_start_1:
0x0: {  	(tag) =	ssettag $0x1  }
0x1: {  	s0 =	rddreg [dreg:$0x0]  }
0x2: {  	s4 =	rddreg [dreg:$0x1]  }
0x3: {  	s1 =	rddreg [dreg:$0x2]  }
0x4: {  	s2 =	simm.s32 $0x0;
	s5 =	srdreg.scid;
	s15 =	stileid.u32  }
0x5: {  	s26 =	simm.s32 $0x180;
	s28 =	simm.s32 $0x5;
	s29 =	simm.s32 $0x2  }
0x6: {  	s30 =	simm.s32 $0x6;
	s31 =	simm.s32 $0x280;
	[smem:$0x7FF] =	sst s2  }
0x7: {  	s3 =	sadd.s32 $0x2400, s4;
	s6 =	sadd.s32 $0x2A400, s4;
	s7 =	sadd.s32 $0x52400, s4  }
0x8: {  	s5 =	sand.u32 $0x1, s5;
	s11 =	smul.u32 $0x50000, s15;
	s4 =	sadd.s32 $0x7A400, s4  }
0x9: {  	s17 =	smul.u32 $0x2800, s15;
	s14 =	sadd.s32 $0x20, s0;
	s19 =	sshll.u32 s15, $0x5  }
0xa: {  	s21 =	smul.u32 $0x4E, s15;
	s23 =	sshll.u32 s15, $0x6;
	_ =	strace $0x8000004A  }
0xb: {  	s8 =	ssub.s32 $0x2, s5;
	s9 =	sshll.u32 s5, $0x4;
	p0 =	seq.s32 s5, $0x0  }
0xc: {  	s5 =	smul.u32 $0x4E0, s5;
	[dreg:$0x4] =	wrdreg s26;
	s26 =	simm.s32 $0x4400  }
0xd: {  	s10 =	sshrl.u32 s8, $0x1;
	s9 =	sor.u32 s15, s9;
	s11 =	sshrl.u32 s11, $0x2  }
0xe: {  	s6 =	smov.u32 @p0 s3;
	s4 =	smov.u32 @p0 s7;
	s16 =	smul.u32 $0x9C0, s9  }
0xf: {  	s8 =	ssub.s32 s8, s10;
	s12 =	smul.u32 $0x4E00, s9;
	s11 =	sadd.s32 s11, s1  }
0x10: {  	s5 =	sadd.s32 s21, s5;
	s6 =	sadd.s32 s6, s17;
	s4 =	sadd.s32 s4, s17  }
0x11: {  	s21 =	simm.s32 $0x100;
	p0 =	sgt.u32 s9, $0x3;
	[dreg:$0x5] =	wrdreg s11  }
0x12: {  	s8 =	smax.u32 s8, $0x1;
	[dreg:$0xc] =	wrdreg s6;
	s5 =	sshll.u32 s5, $0x5  }
0x13: {  	[dreg:$0xd] =	wrdreg s4;
	s4 =	simm.s32 $0x1;
	s6 =	simm.s32 $0x0  }
0x14: {  	s13 =	sadd.s32 s0, s16;
	s10 =	sadd.s32 s16, s14;
	[dreg:$0xb] =	wrdreg s8  }
0x15: {  	s18 =	sshrl.u32 s12, $0x3;
	s12 =	sadd.s32 s19, s0;
	[dreg:$0x6] =	wrdreg s13  }
0x16: {  	s24 =	sadd.s32 s14, s5;
	s19 =	simm.s32 $0x7;
	[dreg:$0x7] =	wrdreg s10  }
0x17: {  	s10 =	sadd.s32 s0, s18;
	s22 =	sadd.s32 $0x13800, s12;
	s0 =	sadd.s32 s0, s5  }
0x18: {  	s25 =	sadd.s32 $0x80, s24;
	s17 =	sadd.s32 $0xC0, s24;
	s24 =	simm.s32 $0x400  }
0x19: {  	s5 =	simm.s32 $0x380;
	s20 =	sadd.s32 $0x40, s10;
	[dreg:$0xa] =	wrdreg s22  }
0x1a: {  	s10 =	sadd.s32 $0x60, s10;
	[dreg:$0xe] =	wrdreg s25;
	s16 =	sadd.s32 $0x80, s0  }
0x1b: {  	s18 =	sadd.s32 $0xC0, s0;
	s22 =	simm.s32 $0x300;
	[dreg:$0x8] =	wrdreg s20  }
0x1c: {  	s25 =	simm.s32 $0x3;
	s0 =	simm.s32 $0x4;
	[dreg:$0x9] =	wrdreg s10  }
0x1d: {  	s10 =	sor.u32 $0x1C07, s23;
	s20 =	simm.s32 $0x200;
	s23 =	simm.s32 $0x80  }
.LBB2_1:
0x1e: {  	s7 =	rddreg [dreg:$0x5]  }
0x1f: {  	s8 =	rddreg [dreg:$0xc];
	s7 =	sshrl.u32 s7, $0x3  }
0x20: {  	[spmem:s7], [sflag:s10] =	dma.local [hbm:s8], $0x2800  }
0x21: {  	_ =	swait.ge [sflag:s19], $0x2800  }
0x22: {  	[sflag:s19] =	ssyncset.done $0x0  }
0x23: {  	[sflag:s19] =	ssyncadd.s32 $0xFFFFD800  }
0x24: {  	[bflag:$0x0] =	sbarrier.arrive $0xFFFF  }
0x25: {  	s15 =	smov.u32 s10;
	s10 =	rddreg [dreg:$0x6]  }
0x26: {  	[tilespmem:s2], [sflag:$0x1] =	stream.linear.gather [hbm4b:s10+s2], $0x100, $0x38;
	[tilespmem:$0x1C400] =	vst v63  }
0x27: {  	s11 =	rddreg [dreg:$0x7]  }
0x28: {  	[tilespmem:s20], [sflag:$0x3] =	stream.linear.gather [hbm4b:s11+s2], $0x100, $0x38;
	[tilespmem:$0x1C400] =	vst v63  }
0x29: {  	s12 =	rddreg [dreg:$0x8]  }
0x2a: {  	[tilespmem:s21], [sflag:$0x2] =	stream.linear.gather [hbm4b:s12+s2], $0x100, $0x38;
	[tilespmem:$0x1C400] =	vst v63  }
0x2b: {  	s13 =	rddreg [dreg:$0x9]  }
0x2c: {  	[tilespmem:s22], [sflag:$0x4] =	stream.linear.gather [hbm4b:s13+s2], $0x100, $0x38;
	[tilespmem:$0x1C400] =	vst v63  }
0x2d: {  	_ =	swait.ge [sflag:s4], $0x100  }
0x2e: {  	[sflag:s4] =	ssyncset.done $0x0  }
0x2f: {  	[sflag:s4] =	ssyncadd.s32 $0xFFFFFF00  }
0x30: {  	[tilespmem:s24], [sflag:$0x5] =	stream.indirect.gather [hbm4b:s3+s23], $0x80, s2, s23, $0xb8;
	[tilespmem:$0x1C400] =	vst v63  }
0x31: {  	_ =	swait.ge [sflag:s25], $0x100  }
0x32: {  	[sflag:s25] =	ssyncset.done $0x0  }
0x33: {  	[sflag:s25] =	ssyncadd.s32 $0xFFFFFF00  }
0x34: {  	[tilespmem:s26], [sflag:$0x6] =	stream.indirect.gather [hbm4b:s3+s23], $0x80, s20, s23, $0xb8;
	[tilespmem:$0x1C400] =	vst v63  }
0x35: {  	_ =	swait.ge [sflag:s28], $0x4000  }
0x36: {  	[sflag:s28] =	ssyncset.done $0x0  }
0x37: {  	[sflag:s28] =	ssyncadd.s32 $0xFFFFC000  }
0x38: {  	[spmem:s1] =	stream.indirect.scatter.add.f32 [tilespmem:s24], [sflag:$0x7], $0x80, s23, s23, $0xb8;
	[tilespmem:$0x1C400] =	vst v63  }
0x39: {  	_ =	swait.ge [sflag:s19], $0x4000  }
0x3a: {  	[sflag:s19] =	ssyncset.done $0x0  }
0x3b: {  	[sflag:s19] =	ssyncadd.s32 $0xFFFFC000  }
0x3c: {  	[tilespmem:s2], [sflag:$0x1] =	stream.linear.gather [hbm4b:s16+s2], $0x100, $0x38;
	[tilespmem:$0x1C400] =	vst v63  }
0x3d: {  	_ =	swait.ge [sflag:s29], $0x100  }
0x3e: {  	[sflag:s29] =	ssyncset.done $0x0  }
0x3f: {  	[sflag:s29] =	ssyncadd.s32 $0xFFFFFF00  }
0x40: {  	[tilespmem:s24], [sflag:$0x5] =	stream.indirect.gather [hbm4b:s3+s23], $0x80, s21, s23, $0xb8;
	[tilespmem:$0x1C400] =	vst v63  }
0x41: {  	_ =	swait.ge [sflag:s30], $0x4000  }
0x42: {  	[sflag:s30] =	ssyncset.done $0x0  }
0x43: {  	[sflag:s30] =	ssyncadd.s32 $0xFFFFC000  }
0x44: {  	[spmem:s1] =	stream.indirect.scatter.add.f32 [tilespmem:s26], [sflag:$0x7], $0x80, s31, s23, $0xb8;
	[tilespmem:$0x1C400] =	vst v63  }
0x45: {  	_ =	swait.ge [sflag:s19], $0x4000  }
0x46: {  	[sflag:s19] =	ssyncset.done $0x0  }
0x47: {  	s11 =	rddreg [dreg:$0xe];
	[sflag:s19] =	ssyncadd.s32 $0xFFFFC000  }
0x48: {  	[tilespmem:s20], [sflag:$0x3] =	stream.linear.gather [hbm4b:s11+s2], $0x100, $0x38;
	[tilespmem:$0x1C400] =	vst v63  }
0x49: {  	_ =	swait.ge [sflag:s0], $0x100  }
0x4a: {  	[sflag:s0] =	ssyncset.done $0x0  }
0x4b: {  	[sflag:s0] =	ssyncadd.s32 $0xFFFFFF00  }
0x4c: {  	[tilespmem:s26], [sflag:$0x6] =	stream.indirect.gather [hbm4b:s3+s23], $0x80, s22, s23, $0xb8;
	[tilespmem:$0x1C400] =	vst v63  }
0x4d: {  	_ =	swait.ge [sflag:s28], $0x4000  }
0x4e: {  	[sflag:s28] =	ssyncset.done $0x0  }
0x4f: {  	s14 =	rddreg [dreg:$0x4];
	[sflag:s28] =	ssyncadd.s32 $0xFFFFC000  }
0x50: {  	[spmem:s1] =	stream.indirect.scatter.add.f32 [tilespmem:s24], [sflag:$0x7], $0x80, s14, s23, $0xb8;
	[tilespmem:$0x1C400] =	vst v63  }
0x51: {  	_ =	swait.ge [sflag:s19], $0x4000  }
0x52: {  	p1 =	por $0x0, $0x0;
	[sflag:s19] =	ssyncset.done $0x0  }
0x53: {  	s9 =	simm.s32 @!p1 $0x100;
	s8 =	simm.s32 @!p1 $0x0;
	[sflag:s19] =	ssyncadd.s32 $0xFFFFC000  }
0x54: {  	[tilespmem:s9], [sflag:$0x2] =	stream.linear.gather @!p1 [hbm4b:s18+s8], $0x100, $0x38;
	[tilespmem:$0x1C400] =	vst v63  }
0x55: {  	_ =	swait.ge [sflag:s4], $0x100  }
0x56: {  	[sflag:s4] =	ssyncset.done $0x0  }
0x57: {  	[sflag:s4] =	ssyncadd.s32 $0xFFFFFF00  }
0x58: {  	[tilespmem:s24], [sflag:$0x5] =	stream.indirect.gather [hbm4b:s3+s23], $0x80, s2, s23, $0xb8;
	[tilespmem:$0x1C400] =	vst v63  }
0x59: {  	_ =	swait.ge [sflag:s30], $0x4000  }
0x5a: {  	[sflag:s30] =	ssyncset.done $0x0  }
0x5b: {  	[sflag:s30] =	ssyncadd.s32 $0xFFFFC000  }
0x5c: {  	[spmem:s1] =	stream.indirect.scatter.add.f32 [tilespmem:s26], [sflag:$0x7], $0x80, s5, s23, $0xb8;
	[tilespmem:$0x1C400] =	vst v63  }
0x5d: {  	_ =	swait.ge [sflag:s19], $0x4000  }
0x5e: {  	[sflag:s19] =	ssyncset.done $0x0  }
0x5f: {  	s9 =	simm.s32 @!p1 $0x300;
	[sflag:s19] =	ssyncadd.s32 $0xFFFFC000  }
0x60: {  	[tilespmem:s9], [sflag:$0x4] =	stream.linear.gather @!p1 [hbm4b:s17+s8], $0x100, $0x38;
	[tilespmem:$0x1C400] =	vst v63  }
0x61: {  	s10 =	sadd.s32 $0x80, s18;
	_ =	swait.ge [sflag:s25], $0x100  }
0x62: {  	s12 =	sadd.s32 $0x80, s16;
	s11 =	sadd.s32 $0x80, s11;
	[sflag:s25] =	ssyncset.done $0x0  }
0x63: {  	s8 =	simm.s32 $0x3;
	s9 =	sadd.s32 $0x80, s17;
	[sflag:s25] =	ssyncadd.s32 $0xFFFFFF00  }
.LBB2_2:
0x64: {  	[tilespmem:s26], [sflag:$0x6] =	stream.indirect.gather [hbm4b:s3+s23], $0x80, s20, s23, $0xb8;
	[tilespmem:$0x1C400] =	vst v63  }
0x65: {  	_ =	swait.ge [sflag:s28], $0x4000  }
0x66: {  	[sflag:s28] =	ssyncset.done $0x0  }
0x67: {  	[sflag:s28] =	ssyncadd.s32 $0xFFFFC000  }
0x68: {  	[spmem:s1] =	stream.indirect.scatter.add.f32 [tilespmem:s24], [sflag:$0x7], $0x80, s23, s23, $0xb8;
	[tilespmem:$0x1C400] =	vst v63  }
0x69: {  	_ =	swait.ge [sflag:s19], $0x4000  }
0x6a: {  	[sflag:s19] =	ssyncset.done $0x0  }
0x6b: {  	[sflag:s19] =	ssyncadd.s32 $0xFFFFC000  }
0x6c: {  	[tilespmem:s2], [sflag:$0x1] =	stream.linear.gather [hbm4b:s12+s2], $0x100, $0x38;
	[tilespmem:$0x1C400] =	vst v63  }
0x6d: {  	_ =	swait.ge [sflag:s29], $0x100  }
0x6e: {  	[sflag:s29] =	ssyncset.done $0x0  }
0x6f: {  	[sflag:s29] =	ssyncadd.s32 $0xFFFFFF00  }
0x70: {  	[tilespmem:s24], [sflag:$0x5] =	stream.indirect.gather [hbm4b:s3+s23], $0x80, s21, s23, $0xb8;
	[tilespmem:$0x1C400] =	vst v63  }
0x71: {  	_ =	swait.ge [sflag:s30], $0x4000  }
0x72: {  	[sflag:s30] =	ssyncset.done $0x0  }
0x73: {  	[sflag:s30] =	ssyncadd.s32 $0xFFFFC000  }
0x74: {  	[spmem:s1] =	stream.indirect.scatter.add.f32 [tilespmem:s26], [sflag:$0x7], $0x80, s31, s23, $0xb8;
	[tilespmem:$0x1C400] =	vst v63  }
0x75: {  	_ =	swait.ge [sflag:s19], $0x4000  }
0x76: {  	[sflag:s19] =	ssyncset.done $0x0  }
0x77: {  	[sflag:s19] =	ssyncadd.s32 $0xFFFFC000  }
0x78: {  	[tilespmem:s20], [sflag:$0x3] =	stream.linear.gather [hbm4b:s11+s2], $0x100, $0x38;
	[tilespmem:$0x1C400] =	vst v63  }
0x79: {  	_ =	swait.ge [sflag:s0], $0x100  }
0x7a: {  	[sflag:s0] =	ssyncset.done $0x0  }
0x7b: {  	[sflag:s0] =	ssyncadd.s32 $0xFFFFFF00  }
0x7c: {  	[tilespmem:s26], [sflag:$0x6] =	stream.indirect.gather [hbm4b:s3+s23], $0x80, s22, s23, $0xb8;
	[tilespmem:$0x1C400] =	vst v63  }
0x7d: {  	_ =	swait.ge [sflag:s28], $0x4000  }
0x7e: {  	[sflag:s28] =	ssyncset.done $0x0  }
0x7f: {  	s13 =	rddreg [dreg:$0x4];
	[sflag:s28] =	ssyncadd.s32 $0xFFFFC000  }
0x80: {  	[spmem:s1] =	stream.indirect.scatter.add.f32 [tilespmem:s24], [sflag:$0x7], $0x80, s13, s23, $0xb8;
	[tilespmem:$0x1C400] =	vst v63  }
0x81: {  	s14 =	smov.u32 s8;
	_ =	swait.ge [sflag:s19], $0x4000  }
0x82: {  	p2 =	sgt.u32 s14, $0x24;
	[sflag:s19] =	ssyncset.done $0x0  }
0x83: {  	s14 =	simm.s32 @!p2 $0x100;
	s13 =	simm.s32 @!p2 $0x0;
	[sflag:s19] =	ssyncadd.s32 $0xFFFFC000  }
0x84: {  	[tilespmem:s14], [sflag:$0x2] =	stream.linear.gather @!p2 [hbm4b:s10+s13], $0x100, $0x38;
	[tilespmem:$0x1C400] =	vst v63  }
0x85: {  	_ =	swait.ge [sflag:s4], $0x100  }
0x86: {  	[sflag:s4] =	ssyncset.done $0x0  }
0x87: {  	[sflag:s4] =	ssyncadd.s32 $0xFFFFFF00  }
0x88: {  	[tilespmem:s24], [sflag:$0x5] =	stream.indirect.gather [hbm4b:s3+s23], $0x80, s2, s23, $0xb8;
	[tilespmem:$0x1C400] =	vst v63  }
0x89: {  	_ =	swait.ge [sflag:s30], $0x4000  }
0x8a: {  	[sflag:s30] =	ssyncset.done $0x0  }
0x8b: {  	[sflag:s30] =	ssyncadd.s32 $0xFFFFC000  }
0x8c: {  	[spmem:s1] =	stream.indirect.scatter.add.f32 [tilespmem:s26], [sflag:$0x7], $0x80, s5, s23, $0xb8;
	[tilespmem:$0x1C400] =	vst v63  }
0x8d: {  	s8 =	sadd.s32 $0x2, s8;
	_ =	swait.ge [sflag:s19], $0x4000  }
0x8e: {  	p1 =	sne.s32 s8, $0x27;
	[sflag:s19] =	ssyncset.done $0x0  }
.Ltmp0:
0x8f: {  	s14 =	simm.s32 @!p2 $0x300;
	[sflag:s19] =	ssyncadd.s32 $0xFFFFC000;
	(pc) =	sbr.rel @p1 .LBB2_2-.Ltmp0, $4  }
0x90: {  	[tilespmem:s14], [sflag:$0x4] =	stream.linear.gather @!p2 [hbm4b:s9+s13], $0x100, $0x38;
	[tilespmem:$0x1C400] =	vst v63  }
0x91: {  	_ =	swait.ge [sflag:s25], $0x100  }
0x92: {  	s12 =	sadd.s32 $0x80, s12;
	s11 =	sadd.s32 $0x80, s11;
	[sflag:s25] =	ssyncset.done $0x0  }
0x93: {  	s10 =	sadd.s32 $0x80, s10;
	s9 =	sadd.s32 $0x80, s9;
	[sflag:s25] =	ssyncadd.s32 $0xFFFFFF00  }
0x94: {  	[tilespmem:s26], [sflag:$0x6] =	stream.indirect.gather [hbm4b:s3+s23], $0x80, s20, s23, $0xb8;
	[tilespmem:$0x1C400] =	vst v63  }
0x95: {  	_ =	swait.ge [sflag:s28], $0x4000  }
0x96: {  	[sflag:s28] =	ssyncset.done $0x0  }
0x97: {  	[sflag:s28] =	ssyncadd.s32 $0xFFFFC000  }
0x98: {  	[spmem:s1] =	stream.indirect.scatter.add.f32 [tilespmem:s24], [sflag:$0x7], $0x80, s23, s23, $0xb8;
	[tilespmem:$0x1C400] =	vst v63  }
0x99: {  	_ =	swait.ge [sflag:s19], $0x4000  }
0x9a: {  	[sflag:s19] =	ssyncset.done $0x0  }
0x9b: {  	[sflag:s19] =	ssyncadd.s32 $0xFFFFC000  }
0x9c: {  	_ =	swait.ge [sflag:s30], $0x4000  }
0x9d: {  	[sflag:s30] =	ssyncset.done $0x0  }
0x9e: {  	[sflag:s30] =	ssyncadd.s32 $0xFFFFC000  }
0x9f: {  	[spmem:s1] =	stream.indirect.scatter.add.f32 [tilespmem:s26], [sflag:$0x7], $0x80, s31, s23, $0xb8;
	[tilespmem:$0x1C400] =	vst v63  }
0xa0: {  	_ =	swait.ge [sflag:s19], $0x4000  }
0xa1: {  	[sflag:s19] =	ssyncset.done $0x0  }
0xa2: {  	s8 =	simm.s32 @!p0 $0x0;
	s9 =	rddreg [dreg:$0xa];
	[sflag:s19] =	ssyncadd.s32 $0xFFFFC000  }
0xa3: {  	[tilespmem:s8], [sflag:$0x7] =	stream.linear.gather @!p0 [hbm4b:s9+s8], $0x100, $0x38;
	[tilespmem:$0x1C400] =	vst v63  }
0xa4: {  	s9 =	simm.s32 @!p0 $0x7  }
0xa5: {  	_ =	swait.ge @!p0 [sflag:s9], $0x100  }
0xa6: {  	[sflag:s9] =	ssyncset.done @!p0 $0x0  }
0xa7: {  	s10 =	simm.s32 @!p0 $0x80;
	s11 =	simm.s32 @!p0 $0x400;
	[sflag:s9] =	ssyncadd.s32 @!p0 $0xFFFFFF00  }
0xa8: {  	[tilespmem:s11], [sflag:$0x5] =	stream.indirect.gather @!p0 [hbm4b:s3+s10], $0x80, s8, s10, $0xb8;
	[tilespmem:$0x1C400] =	vst v63  }
0xa9: {  	s8 =	simm.s32 @!p0 $0x5  }
0xaa: {  	_ =	swait.ge @!p0 [sflag:s8], $0x4000  }
0xab: {  	[sflag:s8] =	ssyncset.done @!p0 $0x0  }
0xac: {  	[sflag:s8] =	ssyncadd.s32 @!p0 $0xFFFFC000  }
0xad: {  	[spmem:s1] =	stream.indirect.scatter.add.f32 @!p0 [tilespmem:s11], [sflag:$0x7], $0x80, s10, s10, $0xb8;
	[tilespmem:$0x1C400] =	vst v63  }
0xae: {  	_ =	swait.ge @!p0 [sflag:s9], $0x4000  }
0xaf: {  	[sflag:s9] =	ssyncset.done @!p0 $0x0  }
0xb0: {  	[sflag:s9] =	ssyncadd.s32 @!p0 $0xFFFFC000  }
0xb1: {  	[bflag:$0x0] =	sbarrier.arrive $0xFFFF  }
0xb2: {  	s14 =	rddreg [dreg:$0xd]  }
0xb3: {  	[hbm:s14], [sflag:s15] =	dma.local [spmem:s7], $0x2800  }
0xb4: {  	_ =	swait.ge [sflag:s19], $0x2800  }
0xb5: {  	s6 =	sadd.s32 $0x1, s6;
	s10 =	smov.u32 s15;
	s15 =	rddreg [dreg:$0xb]  }
0xb6: {  	p1 =	sne.s32 s6, s15  }
.Ltmp1:
0xb7: {  	_ = 	snop;
	(pc) =	sbr.rel @p1 .LBB2_1-.Ltmp1, $3  }
0xb8: {  	_ =	sdelay $0x1  }
0xb9: {  	[sflag:s19] =	ssyncset.done $0x0  }
0xba: {  	[sflag:s19] =	ssyncadd.s32 $0xFFFFD800  }
0xbb: {  	_ =	sfence.sel $0x180000  }
0xbc: {  	[bflag:$0x0] =	sbarrier.arrive $0xFFFF  }
0xbd: {  	_ =	strace $0x9000004A  }
0xbe: {  	s0 =	stileid.u32;
	[bflag:$0x2] =	sbarrier.arrive $0xFFFF  }
0xbf: {  	p0 =	sne.s32 s0, $0x0;
	s0 =	rddreg [dreg:$0x3]  }
0xc0: {  	s0 =	sadd.s32 @!p0 $0x100000, s0  }
0xc1: {  	[sflag:s0] =	ssyncadd.tile.s32 @!p0 $0x1;
	_ =	shalt  }
.Lfunc_end2:
_tile_overlayer_lowered:
.L_overlay_start_2:
0xc2: {  	(tag) =	ssettag $0x2  }
0xc3: {  	s0 =	rddreg [dreg:$0x0];
	s2 =	stileid.u32  }
0xc4: {  	s1 =	rddreg [dreg:$0x1];
	p0 =	sne.s32 s2, $0x0  }
0xc5: {  	s3 =	rddreg [dreg:$0x2];
	[bflag:$0x3] =	sbarrier.arrive $0xFFFF;
	s2 =	simm.s32 @!p0 $0x1C07  }
0xc6: {  	[timem:s3], [sflag:s2] =	dma.local @!p0 [hbm:s0], s1  }
0xc7: {  	s0 =	simm.s32 @!p0 $0x7  }
0xc8: {  	_ =	swait.ge @!p0 [sflag:s0], s1  }
0xc9: {  	s1 =	ssub.s32 @!p0 $0x0, s1;
	[sflag:s0] =	ssyncset.done @!p0 $0x0  }
0xca: {  	[sflag:s0] =	ssyncadd.s32 @!p0 s1  }
0xcb: {  	[bflag:$0x3] =	sbarrier.arrive $0xFFFF  }
0xcc: {  	_ =	shalt  }

// kernel: kernel.14.cloned.1.call-start
scs
__scs_entry_jumppad:
0x0: {  	(pc) =	sbr.rel $0x88, $3  }
0x1: {  	(tag) =	ssettag $0x0;
	lr =	simm.s32 $0x1  }
0x2: {  	[smem:$0x3F9B] =	sst lr;
	_ =	strace $0xD0000000  }
0x3: {  	_ = 	snop  }
0x4: {  	_ = 	snop  }
0x5: {  	_ = 	snop  }
0x6: {  	_ = 	snop  }
0x7: {  	_ = 	snop  }
__scs_overlays_trampoline_lowered:
0x8: {  	[smem:$0x3FAA] =	sst s0  }
0x9: {  	[smem:$0x3FAB] =	sst s1  }
0xa: {  	[smem:$0x3FAC] =	sst s2  }
0xb: {  	[smem:$0x3FAD] =	sst s3  }
0xc: {  	[smem:$0x3FAE] =	sst s4  }
0xd: {  	[smem:$0x3FAF] =	sst s5  }
0xe: {  	[smem:$0x3FB0] =	sst s6  }
0xf: {  	[smem:$0x3FB1] =	sst s7  }
0x10: {  	[smem:$0x3FB2] =	sst s8  }
0x11: {  	[smem:$0x3FB3] =	sst s9;
	s0 =	simm.s32 @!p0 $0x0  }
0x12: {  	s1 =	sld [smem:$0x3F99];
	s0 =	simm.s32 @p0 $0x1  }
0x13: {  	[smem:$0x3FB4] =	sst s0;
	s0 =	simm.s32 @!p1 $0x0  }
0x14: {  	s2 =	sld [smem:$0x3F98];
	s0 =	simm.s32 @p1 $0x1  }
0x15: {  	[smem:$0x3FB5] =	sst s0;
	s0 =	simm.s32 @!p2 $0x0  }
0x16: {  	s3 =	sld [smem:$0x3FDB];
	s0 =	simm.s32 @p2 $0x1  }
0x17: {  	s4 =	simm.s32 $0x1BF5;
	[smem:$0x3FB7] =	sst s0  }
0x18: {  	s0 =	sld [smem:$0x3F9A];
	_ =	swait.ge [sflag:s4], $0x0  }
0x19: {  	s7 =	sld [smem:$0x3F9B]  }
0x1a: {  	s8 =	sadd.s32 $0xFFFFE003, lr  }
0x1b: {  	s9 =	sadd.s32 $0xFFFFFEF7, lr;
	s5 =	simm.s32 $0xFFFFFFFF;
	p2 =	slt.u32 s8, $0xFFFFF086  }
0x1c: {  	p1 =	slt.u32 s9, $0xF7A;
	s5 =	simm.s32 @!p2 $0x0  }
0x1d: {  	s5 =	simm.s32 @p1 $0x1;
	p0 =	seq.s32 s7, s2  }
0x1e: {  	s7 =	smul.u32 @!p0 $0xF7A, s2;
	p2 =	seq.s32 @!p0 s5, $0x0  }
0x1f: {  	s9 =	smul.u32 $0xF7A, s1;
	s8 =	simm.s32 @!p0 $0x1BF5;
	p2 =	por !p2, p0  }
0x20: {  	[sflag:s8] =	ssyncset.s32 @!p0 $0xFFFFF086;
	s6 =	sadd.s32 @!p0 s3, s7;
	s7 =	simm.s32 @!p0 $0x108  }
0x21: {  	s3 =	sadd.s32 s3, s9;
	s6 =	sadd.s32 @!p0 $0x88, s6;
	s7 =	simm.s32 @p2 $0x1082  }
0x22: {  	[simem:s7], [sflag:s8] =	dma.local @!p0 [hbm:s6], $0xF7A  }
0x23: {  	s9 =	sor.u32 $0xD0000000, s2;
	s6 =	simm.s32 $0x108;
	_ =	swait.ge @!p0 [sflag:s8], $0x0  }
0x24: {  	s3 =	sadd.s32 $0x88, s3;
	s6 =	simm.s32 @!p1 $0x1082;
	[sflag:s4] =	ssyncset.s32 $0xFFFFF086  }
0x25: {  	[simem:s6], [sflag:s4] =	dma.local [hbm:s3], $0xF7A  }
0x26: {  	[smem:$0x3F9B] =	sst s1;
	(tag) =	ssettag s2;
	_ =	strace s9  }
0x27: {  	s1 =	sld [smem:$0x3FAB]  }
0x28: {  	s2 =	sld [smem:$0x3FAC]  }
0x29: {  	s4 =	sld [smem:$0x3FAE]  }
0x2a: {  	p0 =	seq.s32 s5, $0x0;
	s5 =	sld [smem:$0x3FAF]  }
0x2b: {  	s6 =	sld [smem:$0x3FB0]  }
0x2c: {  	s7 =	sld [smem:$0x3FB1]  }
0x2d: {  	s3 =	simm.s32 $0x108;
	s8 =	sld [smem:$0x3FB2]  }
0x2e: {  	s3 =	simm.s32 @!p0 $0x1082;
	s9 =	sld [smem:$0x3FB3]  }
0x2f: {  	lr =	sadd.s32 s0, s3;
	s0 =	sld [smem:$0x3FAA]  }
0x30: {  	s3 =	sld [smem:$0x3FAD]  }
0x31: {  	[smem:$0x3FB6] =	sst s10  }
0x32: {  	s10 =	sld [smem:$0x3FB4];
	_ =	sdelay $0x3  }
0x33: {  	p0 =	seq.s32 s10, $0x1;
	s10 =	sld [smem:$0x3FB6];
	_ =	sdelay $0x3  }
0x34: {  	[smem:$0x3FB6] =	sst s10  }
0x35: {  	s10 =	sld [smem:$0x3FB5];
	_ =	sdelay $0x3  }
0x36: {  	p1 =	seq.s32 s10, $0x1;
	s10 =	sld [smem:$0x3FB6];
	_ =	sdelay $0x3  }
0x37: {  	[smem:$0x3FB6] =	sst s10  }
0x38: {  	s10 =	sld [smem:$0x3FB7]  }
0x39: {  	_ = 	snop;
	(pc) =	sbr.ind lr, $3  }
0x3a: {  	_ = 	snop  }
0x3b: {  	_ = 	snop  }
0x3c: {  	p2 =	seq.s32 s10, $0x1;
	s10 =	sld [smem:$0x3FB6]  }
0x3d: {  	_ =	shalt  }
0x3e: {  	_ =	shalt  }
0x3f: {  	_ =	shalt  }
0x40: {  	_ =	shalt  }
0x41: {  	_ =	shalt  }
0x42: {  	_ =	shalt  }
0x43: {  	_ =	shalt  }
0x44: {  	_ =	shalt  }
0x45: {  	_ =	shalt  }
0x46: {  	_ =	shalt  }
0x47: {  	_ =	shalt  }
0x48: {  	_ =	shalt  }
0x49: {  	_ =	shalt  }
0x4a: {  	_ =	shalt  }
0x4b: {  	_ =	shalt  }
0x4c: {  	_ =	shalt  }
0x4d: {  	_ =	shalt  }
0x4e: {  	_ =	shalt  }
0x4f: {  	_ =	shalt  }
0x50: {  	_ =	shalt  }
0x51: {  	_ =	shalt  }
0x52: {  	_ =	shalt  }
0x53: {  	_ =	shalt  }
0x54: {  	_ =	shalt  }
0x55: {  	_ =	shalt  }
0x56: {  	_ =	shalt  }
0x57: {  	_ =	shalt  }
0x58: {  	_ =	shalt  }
0x59: {  	_ =	shalt  }
0x5a: {  	_ =	shalt  }
0x5b: {  	_ =	shalt  }
0x5c: {  	_ =	shalt  }
0x5d: {  	_ =	shalt  }
0x5e: {  	_ =	shalt  }
0x5f: {  	_ =	shalt  }
0x60: {  	_ =	shalt  }
0x61: {  	_ =	shalt  }
0x62: {  	_ =	shalt  }
0x63: {  	_ =	shalt  }
0x64: {  	_ =	shalt  }
0x65: {  	_ =	shalt  }
0x66: {  	_ =	shalt  }
0x67: {  	_ =	shalt  }
0x68: {  	_ =	shalt  }
0x69: {  	_ =	shalt  }
0x6a: {  	_ =	shalt  }
0x6b: {  	_ =	shalt  }
0x6c: {  	_ =	shalt  }
0x6d: {  	_ =	shalt  }
0x6e: {  	_ =	shalt  }
0x6f: {  	_ =	shalt  }
0x70: {  	_ =	shalt  }
0x71: {  	_ =	shalt  }
0x72: {  	_ =	shalt  }
0x73: {  	_ =	shalt  }
0x74: {  	_ =	shalt  }
0x75: {  	_ =	shalt  }
0x76: {  	_ =	shalt  }
0x77: {  	_ =	shalt  }
0x78: {  	_ =	shalt  }
0x79: {  	_ =	shalt  }
0x7a: {  	_ =	shalt  }
0x7b: {  	_ =	shalt  }
0x7c: {  	_ =	shalt  }
0x7d: {  	_ =	shalt  }
0x7e: {  	_ =	shalt  }
0x7f: {  	_ =	shalt  }
0x80: {  	_ =	shalt  }
0x81: {  	_ =	shalt  }
0x82: {  	_ =	shalt  }
0x83: {  	_ =	shalt  }
0x84: {  	_ =	shalt  }
0x85: {  	_ =	shalt  }
0x86: {  	_ =	shalt  }
0x87: {  	_ =	shalt  }
.Lfunc_end0:
.L_simem_size_0:
called_computation.2_lowered:
.L_overlay_start_0:
0x88: {  	s2 =	sld [smem:$0x3FD9]  }
0x89: {  	s3 =	sld [smem:$0x3FFE];
	_ =	sdelay $0x1  }
0x8a: {  	s1 =	srdreg.scid  }
0x8b: {  	s0 =	sand.u32 $0x1, s1  }
0x8c: {  	s16 =	sshll.u32 s0, $0xA;
	s2 =	sadd.s32 s3, s2  }
0x8d: {  	s2 =	sadd.s32 s2, s16  }
0x8e: {  	[smem:$0x3FC2] =	sst s2  }
0x8f: {  	_ = 	snop  }
0x90: {  	(tm) =	ssettm $0x1  }
0x91: {  	s17 =	sld [smem:$0x3FFB];
	_ =	sdelay $0x3  }
0x92: {  	_ =	strace s17  }
0x93: {  	s2 =	sld [smem:$0x3FFC];
	_ =	sdelay $0x3  }
0x94: {  	_ =	strace s2  }
0x95: {  	s2 =	sld [smem:$0x3FFD];
	_ =	sdelay $0x3  }
0x96: {  	_ =	strace s2  }
0x97: {  	_ =	strace $0x8FFFFFFF  }
0x98: {  	s18 =	sld [smem:$0x3FDB];
	_ =	sdelay $0x1  }
0x99: {  	s19 =	simm.s32 $_scs_section_size  }
0x9a: {  	s4 =	simm.s32 $_size__tile_overlayer_lowered;
	s5 =	simm.s32 $_tile_overlayer_lowered  }
0x9b: {  	s22 =	simm.s32 $0x1BFF;
	s21 =	sshll.u32 s5, $0x1;
	s2 =	sadd.s32 s19, s18  }
0x9c: {  	s6 =	simm.s32 $0x0;
	s20 =	sshll.u32 s4, $0x1;
	s4 =	sadd.s32 s21, s2  }
0x9d: {  	[timem:s6], [sflag:s22] =	dma.local [hbm:s4], s20  }
0x9e: {  	_ =	swait.ge [sflag:s22], s20  }
0x9f: {  	s3 =	ssub.s32 $0x0, s20;
	[sflag:s22] =	ssyncset.done $0x0  }
0xa0: {  	[sflag:s22] =	ssyncadd.s32 s3;
	_ =	sdelay $0x1  }
0xa1: {  	s23 =	simm.s32 $0x1B8B  }
0xa2: {  	_ =	swait.ge [sflag:s23], $0x1  }
0xa3: {  	[sflag:s23] =	ssyncset.done $0x0  }
0xa4: {  	s25 =	simm.s32 $0x1B8E;
	s24 =	sld [smem:$0x3FFE];
	[sflag:s23] =	ssyncadd.s32 $0xFFFFFFFF  }
0xa5: {  	s26 =	simm.s32 $execute0_lowered;
	[smem:$0x3FD2] =	sst s25  }
0xa6: {  	s4 =	sshll.u32 s26, $0x1;
	_ =	strace $0x8000004C;
	[dreg:$0x1] =	wrdreg $0xFFFFFFFF  }
0xa7: {  	s28 =	simm.s32 $_size_execute0_lowered;
	s2 =	sadd.s32 s2, s4;
	[dreg:$0x0] =	wrdreg $0x0  }
0xa8: {  	s4 =	sshll.u32 s28, $0x1;
	[dreg:$0x2] =	wrdreg s2  }
0xa9: {  	[dreg:$0x3] =	wrdreg s4  }
0xaa: {  	[dreg:$0x4] =	wrdreg $0xC0  }
0xab: {  	_ =	task [dreg:s6], $0x5FFFF  }
0xac: {  	[dreg:$0x1] =	wrdreg $0xFFFFFFFF  }
0xad: {  	[dreg:$0x0] =	wrdreg $0x60  }
0xae: {  	[dreg:$0x2] =	wrdreg s24  }
0xaf: {  	[dreg:$0x3] =	wrdreg $0x14000  }
0xb0: {  	[dreg:$0x4] =	wrdreg $0x9  }
0xb1: {  	_ =	task.clear_ibuf [dreg:s6], $0x5FFFF;
	_ =	strace $0x9000004C  }
0xb2: {  	s29 =	simm.s32 $0x9;
	_ =	strace $0x8000004E  }
0xb3: {  	_ =	swait.ge [sflag:s29], $0x1  }
0xb4: {  	[sflag:s29] =	ssyncadd.s32 $0xFFFFFFFF  }
0xb5: {  	_ =	strace $0x9000004E  }
0xb6: {  	_ =	sfence  }
0xb7: {  	s30 =	sld [smem:$0x0];
	_ =	sdelay $0x2  }
0xb8: {  	s31 =	sshll.u32 s1, $0xD;
	s1 =	sshrl.u32 s1, $0x2  }
0xb9: {  	s3 =	sand.u32 $0x4000, s31;
	s1 =	sadd.s32 s1, s30  }
0xba: {  	s0 =	sor.u32 s3, s0;
	s1 =	sshll.u32 s1, $0x11  }
0xbb: {  	s0 =	sor.u32 s1, s0  }
0xbc: {  	s0 =	sadd.s32 $0x8F2B, s0  }
0xbd: {  	[sflag:s0] =	ssyncadd.remote.s32 $0x1  }
0xbe: {  	_ =	sfence.sel $0xFFFF  }
0xbf: {  	[dreg:$0x0] =	wrdreg $0xFFFFFFFF;
	(pc) =	sbr.abs _section_cstart, $3  }
0xc0: {  	[dreg:$0x1] =	wrdreg $0xFFFFFFFF  }
0xc1: {  	_ =	task.clear_ibuf [dreg:s6], $0x2FFFF;
	_ =	strace $0x9FFFFFFF  }
0xc2: {  	(tm) =	ssettm $0x7FFFFFFF  }
0xc3: {  	_ =	shalt  }
tec
execute0_lowered:
.L_overlay_start_1:
0x0: {  	(tag) =	ssettag $0x1  }
0x1: {  	s0 =	rddreg [dreg:$0x0]  }
0x2: {  	s1 =	rddreg [dreg:$0x1]  }
0x3: {  	s2 =	simm.s32 $0x0;
	s6 =	srdreg.scid;
	s15 =	stileid.u32  }
0x4: {  	s25 =	simm.s32 $0x180;
	s28 =	simm.s32 $0xC00;
	s29 =	simm.s32 $0x5  }
0x5: {  	s30 =	simm.s32 $0x2;
	s31 =	simm.s32 $0x6;
	[smem:$0x7FF] =	sst s2  }
0x6: {  	s4 =	sadd.s32 $0xA2400, s0;
	s3 =	sadd.s32 $0x2400, s0;
	s5 =	sadd.s32 $0x7400, s0  }
0x7: {  	s7 =	sadd.s32 $0x11400, s0;
	s8 =	sadd.s32 $0xC400, s0;
	s6 =	sand.u32 $0x1, s6  }
0x8: {  	s12 =	smul.u32 $0x2800, s15;
	s0 =	sadd.s32 $0xA2410, s0;
	s18 =	sshll.u32 s15, $0x4  }
0x9: {  	s19 =	smul.u32 $0x4E, s15;
	s21 =	sshll.u32 s15, $0x6;
	_ =	strace $0x8000004D  }
0xa: {  	s9 =	ssub.s32 $0x2, s6;
	s10 =	sshll.u32 s6, $0x4;
	p0 =	seq.s32 s6, $0x0  }
0xb: {  	s6 =	smul.u32 $0x4E0, s6;
	[dreg:$0x3] =	wrdreg s25;
	s25 =	simm.s32 $0x400  }
0xc: {  	s11 =	sshrl.u32 s9, $0x1;
	s10 =	sor.u32 s15, s10;
	s13 =	sadd.s32 s12, s1  }
0xd: {  	s12 =	sshrl.u32 s12, $0x3;
	s5 =	smov.u32 @p0 s3;
	s8 =	smov.u32 @p0 s7  }
0xe: {  	s9 =	ssub.s32 s9, s11;
	s26 =	smul.u32 $0x4E0, s10;
	[dreg:$0x5] =	wrdreg s13  }
0xf: {  	s16 =	smul.u32 $0x2700, s10;
	s13 =	sadd.s32 s18, s4;
	s6 =	sadd.s32 s19, s6  }
0x10: {  	s5 =	sadd.s32 s5, s12;
	s22 =	sadd.s32 s8, s12;
	s19 =	simm.s32 $0x7  }
0x11: {  	p0 =	sgt.u32 s10, $0x3;
	s20 =	sadd.s32 $0x9C00, s13;
	[dreg:$0xc] =	wrdreg s5  }
0x12: {  	s9 =	smax.u32 s9, $0x1;
	s6 =	sshll.u32 s6, $0x4;
	[dreg:$0xd] =	wrdreg s22  }
0x13: {  	s22 =	simm.s32 $0x200;
	s5 =	simm.s32 $0x1;
	s14 =	sadd.s32 s4, s26  }
0x14: {  	s11 =	sadd.s32 s26, s0;
	s17 =	sshrl.u32 s16, $0x3;
	[dreg:$0xa] =	wrdreg s20  }
0x15: {  	[dreg:$0xb] =	wrdreg s9;
	s9 =	sor.u32 $0x1C07, s21;
	s0 =	sadd.s32 s0, s6  }
0x16: {  	s20 =	simm.s32 $0x80;
	s21 =	simm.s32 $0x4E200;
	[dreg:$0x6] =	wrdreg s14  }
0x17: {  	s26 =	simm.s32 $0x380;
	[dreg:$0x7] =	wrdreg s11;
	s11 =	sadd.s32 s4, s17  }
0x18: {  	s23 =	sadd.s32 $0x40, s0;
	s4 =	sadd.s32 s4, s6;
	s17 =	sadd.s32 $0x60, s0  }
0x19: {  	[dreg:$0x4] =	wrdreg s26;
	s26 =	simm.s32 $0x3;
	s0 =	simm.s32 $0x280  }
0x1a: {  	s6 =	simm.s32 $0x0;
	s16 =	sadd.s32 $0x20, s11;
	[dreg:$0xe] =	wrdreg s23  }
0x1b: {  	s11 =	sadd.s32 $0x30, s11;
	s24 =	sadd.s32 $0x40, s4;
	[dreg:$0x8] =	wrdreg s16  }
0x1c: {  	s18 =	sadd.s32 $0x60, s4;
	s23 =	simm.s32 $0x100;
	[dreg:$0x9] =	wrdreg s11  }
0x1d: {  	s4 =	simm.s32 $0x4;
	[dreg:$0xf] =	wrdreg s24;
	s24 =	simm.s32 $0x300  }
.LBB2_1:
0x1e: {  	s7 =	rddreg [dreg:$0x5]  }
0x1f: {  	s8 =	rddreg [dreg:$0xc];
	s7 =	sshrl.u32 s7, $0x3  }
0x20: {  	[spmem:s7], [sflag:s9] =	dma.local [hbm:s8], $0x500  }
0x21: {  	_ =	swait.ge [sflag:s19], $0x500  }
0x22: {  	[sflag:s19] =	ssyncset.done $0x0  }
0x23: {  	[sflag:s19] =	ssyncadd.s32 $0xFFFFFB00  }
0x24: {  	[bflag:$0x0] =	sbarrier.arrive $0xFFFF  }
0x25: {  	s12 =	smov.u32 s9;
	s9 =	rddreg [dreg:$0x6]  }
0x26: {  	[tilespmem:s2], [sflag:$0x1] =	stream.strided.gather [hbm4b:s9+s20], $0x100, s21, s20, $0x38;
	[tilespmem:$0x3C00] =	vst v63  }
0x27: {  	s10 =	rddreg [dreg:$0x7]  }
0x28: {  	[tilespmem:s22], [sflag:$0x3] =	stream.strided.gather [hbm4b:s10+s20], $0x100, s21, s20, $0x38;
	[tilespmem:$0x3C00] =	vst v63  }
0x29: {  	s11 =	rddreg [dreg:$0x8]  }
0x2a: {  	[tilespmem:s23], [sflag:$0x2] =	stream.strided.gather [hbm4b:s11+s20], $0x100, s21, s20, $0x38;
	[tilespmem:$0x3C00] =	vst v63  }
0x2b: {  	s13 =	rddreg [dreg:$0x9]  }
0x2c: {  	[tilespmem:s24], [sflag:$0x4] =	stream.strided.gather [hbm4b:s13+s20], $0x100, s21, s20, $0x38;
	[tilespmem:$0x3C00] =	vst v63  }
0x2d: {  	_ =	swait.ge [sflag:s5], $0x100  }
0x2e: {  	[sflag:s5] =	ssyncset.done $0x0  }
0x2f: {  	[sflag:s5] =	ssyncadd.s32 $0xFFFFFF00  }
0x30: {  	[tilespmem:s25], [sflag:$0x5] =	stream.indirect.gather [hbm4b:s3+s20], $0x10, s2, s20, $0xb8;
	[tilespmem:$0x3C00] =	vst v63  }
0x31: {  	_ =	swait.ge [sflag:s26], $0x100  }
0x32: {  	[sflag:s26] =	ssyncset.done $0x0  }
0x33: {  	[sflag:s26] =	ssyncadd.s32 $0xFFFFFF00  }
0x34: {  	[tilespmem:s28], [sflag:$0x6] =	stream.indirect.gather [hbm4b:s3+s20], $0x10, s22, s20, $0xb8;
	[tilespmem:$0x3C00] =	vst v63  }
0x35: {  	_ =	swait.ge [sflag:s29], $0x800  }
0x36: {  	[sflag:s29] =	ssyncset.done $0x0  }
0x37: {  	[sflag:s29] =	ssyncadd.s32 $0xFFFFF800  }
0x38: {  	[spmem:s1] =	stream.indirect.scatter.add.f32 [tilespmem:s25], [sflag:$0x7], $0x10, s20, s20, $0xb8;
	[tilespmem:$0x3C00] =	vst v63  }
0x39: {  	_ =	swait.ge [sflag:s19], $0x800  }
0x3a: {  	[sflag:s19] =	ssyncset.done $0x0  }
0x3b: {  	s11 =	rddreg [dreg:$0xf];
	[sflag:s19] =	ssyncadd.s32 $0xFFFFF800  }
0x3c: {  	[tilespmem:s2], [sflag:$0x1] =	stream.strided.gather [hbm4b:s11+s20], $0x100, s21, s20, $0x38;
	[tilespmem:$0x3C00] =	vst v63  }
0x3d: {  	_ =	swait.ge [sflag:s30], $0x100  }
0x3e: {  	[sflag:s30] =	ssyncset.done $0x0  }
0x3f: {  	[sflag:s30] =	ssyncadd.s32 $0xFFFFFF00  }
0x40: {  	[tilespmem:s25], [sflag:$0x5] =	stream.indirect.gather [hbm4b:s3+s20], $0x10, s23, s20, $0xb8;
	[tilespmem:$0x3C00] =	vst v63  }
0x41: {  	_ =	swait.ge [sflag:s31], $0x800  }
0x42: {  	[sflag:s31] =	ssyncset.done $0x0  }
0x43: {  	[sflag:s31] =	ssyncadd.s32 $0xFFFFF800  }
0x44: {  	[spmem:s1] =	stream.indirect.scatter.add.f32 [tilespmem:s28], [sflag:$0x7], $0x10, s0, s20, $0xb8;
	[tilespmem:$0x3C00] =	vst v63  }
0x45: {  	_ =	swait.ge [sflag:s19], $0x800  }
0x46: {  	[sflag:s19] =	ssyncset.done $0x0  }
0x47: {  	s15 =	rddreg [dreg:$0xe];
	[sflag:s19] =	ssyncadd.s32 $0xFFFFF800  }
0x48: {  	[tilespmem:s22], [sflag:$0x3] =	stream.strided.gather [hbm4b:s15+s20], $0x100, s21, s20, $0x38;
	[tilespmem:$0x3C00] =	vst v63  }
0x49: {  	_ =	swait.ge [sflag:s4], $0x100  }
0x4a: {  	[sflag:s4] =	ssyncset.done $0x0  }
0x4b: {  	[sflag:s4] =	ssyncadd.s32 $0xFFFFFF00  }
0x4c: {  	[tilespmem:s28], [sflag:$0x6] =	stream.indirect.gather [hbm4b:s3+s20], $0x10, s24, s20, $0xb8;
	[tilespmem:$0x3C00] =	vst v63  }
0x4d: {  	_ =	swait.ge [sflag:s29], $0x800  }
0x4e: {  	[sflag:s29] =	ssyncset.done $0x0  }
0x4f: {  	s14 =	rddreg [dreg:$0x3];
	[sflag:s29] =	ssyncadd.s32 $0xFFFFF800  }
0x50: {  	[spmem:s1] =	stream.indirect.scatter.add.f32 [tilespmem:s25], [sflag:$0x7], $0x10, s14, s20, $0xb8;
	[tilespmem:$0x3C00] =	vst v63  }
0x51: {  	p1 =	por $0x0, $0x0;
	_ =	swait.ge [sflag:s19], $0x800  }
0x52: {  	s8 =	simm.s32 @!p1 $0x80;
	[sflag:s19] =	ssyncset.done $0x0  }
0x53: {  	s9 =	simm.s32 @!p1 $0x4E200;
	s10 =	simm.s32 @!p1 $0x100;
	[sflag:s19] =	ssyncadd.s32 $0xFFFFF800  }
0x54: {  	[tilespmem:s10], [sflag:$0x2] =	stream.strided.gather @!p1 [hbm4b:s18+s8], $0x100, s9, s8, $0x38;
	[tilespmem:$0x3C00] =	vst v63  }
0x55: {  	_ =	swait.ge [sflag:s5], $0x100  }
0x56: {  	[sflag:s5] =	ssyncset.done $0x0  }
0x57: {  	[sflag:s5] =	ssyncadd.s32 $0xFFFFFF00  }
0x58: {  	[tilespmem:s25], [sflag:$0x5] =	stream.indirect.gather [hbm4b:s3+s20], $0x10, s2, s20, $0xb8;
	[tilespmem:$0x3C00] =	vst v63  }
0x59: {  	_ =	swait.ge [sflag:s31], $0x800  }
0x5a: {  	[sflag:s31] =	ssyncset.done $0x0  }
0x5b: {  	s16 =	rddreg [dreg:$0x4];
	[sflag:s31] =	ssyncadd.s32 $0xFFFFF800  }
0x5c: {  	[spmem:s1] =	stream.indirect.scatter.add.f32 [tilespmem:s28], [sflag:$0x7], $0x10, s16, s20, $0xb8;
	[tilespmem:$0x3C00] =	vst v63  }
0x5d: {  	_ =	swait.ge [sflag:s19], $0x800  }
0x5e: {  	[sflag:s19] =	ssyncset.done $0x0  }
0x5f: {  	s10 =	simm.s32 @!p1 $0x300;
	[sflag:s19] =	ssyncadd.s32 $0xFFFFF800  }
0x60: {  	[tilespmem:s10], [sflag:$0x4] =	stream.strided.gather @!p1 [hbm4b:s17+s8], $0x100, s9, s8, $0x38;
	[tilespmem:$0x3C00] =	vst v63  }
0x61: {  	s8 =	simm.s32 $0x3;
	s9 =	sadd.s32 $0x40, s18;
	_ =	swait.ge [sflag:s26], $0x100  }
0x62: {  	s10 =	sadd.s32 $0x40, s11;
	s11 =	sadd.s32 $0x40, s17;
	[sflag:s26] =	ssyncset.done $0x0  }
.LBB2_2:
0x63: {  	[sflag:s26] =	ssyncadd.s32 $0xFFFFFF00  }
0x64: {  	[tilespmem:s28], [sflag:$0x6] =	stream.indirect.gather [hbm4b:s3+s20], $0x10, s22, s20, $0xb8;
	[tilespmem:$0x3C00] =	vst v63  }
0x65: {  	_ =	swait.ge [sflag:s29], $0x800  }
0x66: {  	[sflag:s29] =	ssyncset.done $0x0  }
0x67: {  	[sflag:s29] =	ssyncadd.s32 $0xFFFFF800  }
0x68: {  	[spmem:s1] =	stream.indirect.scatter.add.f32 [tilespmem:s25], [sflag:$0x7], $0x10, s20, s20, $0xb8;
	[tilespmem:$0x3C00] =	vst v63  }
0x69: {  	_ =	swait.ge [sflag:s19], $0x800  }
0x6a: {  	[sflag:s19] =	ssyncset.done $0x0  }
0x6b: {  	[sflag:s19] =	ssyncadd.s32 $0xFFFFF800  }
0x6c: {  	[tilespmem:s2], [sflag:$0x1] =	stream.strided.gather [hbm4b:s10+s20], $0x100, s21, s20, $0x38;
	[tilespmem:$0x3C00] =	vst v63  }
0x6d: {  	_ =	swait.ge [sflag:s30], $0x100  }
0x6e: {  	[sflag:s30] =	ssyncset.done $0x0  }
0x6f: {  	[sflag:s30] =	ssyncadd.s32 $0xFFFFFF00  }
0x70: {  	[tilespmem:s25], [sflag:$0x5] =	stream.indirect.gather [hbm4b:s3+s20], $0x10, s23, s20, $0xb8;
	[tilespmem:$0x3C00] =	vst v63  }
0x71: {  	_ =	swait.ge [sflag:s31], $0x800  }
0x72: {  	[sflag:s31] =	ssyncset.done $0x0  }
0x73: {  	[sflag:s31] =	ssyncadd.s32 $0xFFFFF800  }
0x74: {  	[spmem:s1] =	stream.indirect.scatter.add.f32 [tilespmem:s28], [sflag:$0x7], $0x10, s0, s20, $0xb8;
	[tilespmem:$0x3C00] =	vst v63  }
0x75: {  	_ =	swait.ge [sflag:s19], $0x800  }
0x76: {  	[sflag:s19] =	ssyncset.done $0x0  }
0x77: {  	s15 =	sadd.s32 $0x40, s15;
	[sflag:s19] =	ssyncadd.s32 $0xFFFFF800  }
0x78: {  	[tilespmem:s22], [sflag:$0x3] =	stream.strided.gather [hbm4b:s15+s20], $0x100, s21, s20, $0x38;
	[tilespmem:$0x3C00] =	vst v63  }
0x79: {  	_ =	swait.ge [sflag:s4], $0x100  }
0x7a: {  	[sflag:s4] =	ssyncset.done $0x0  }
0x7b: {  	[sflag:s4] =	ssyncadd.s32 $0xFFFFFF00  }
0x7c: {  	[tilespmem:s28], [sflag:$0x6] =	stream.indirect.gather [hbm4b:s3+s20], $0x10, s24, s20, $0xb8;
	[tilespmem:$0x3C00] =	vst v63  }
0x7d: {  	_ =	swait.ge [sflag:s29], $0x800  }
0x7e: {  	[sflag:s29] =	ssyncset.done $0x0  }
0x7f: {  	s14 =	smov.u32 s8;
	s13 =	rddreg [dreg:$0x3];
	[sflag:s29] =	ssyncadd.s32 $0xFFFFF800  }
0x80: {  	[spmem:s1] =	stream.indirect.scatter.add.f32 [tilespmem:s25], [sflag:$0x7], $0x10, s13, s20, $0xb8;
	[tilespmem:$0x3C00] =	vst v63  }
0x81: {  	p2 =	sgt.u32 s14, $0x24;
	_ =	swait.ge [sflag:s19], $0x800  }
0x82: {  	s14 =	simm.s32 @!p2 $0x4E200;
	[sflag:s19] =	ssyncset.done $0x0  }
0x83: {  	s16 =	simm.s32 @!p2 $0x100;
	s13 =	simm.s32 @!p2 $0x80;
	[sflag:s19] =	ssyncadd.s32 $0xFFFFF800  }
0x84: {  	[tilespmem:s16], [sflag:$0x2] =	stream.strided.gather @!p2 [hbm4b:s9+s13], $0x100, s14, s13, $0x38;
	[tilespmem:$0x3C00] =	vst v63  }
0x85: {  	_ =	swait.ge [sflag:s5], $0x100  }
0x86: {  	[sflag:s5] =	ssyncset.done $0x0  }
0x87: {  	[sflag:s5] =	ssyncadd.s32 $0xFFFFFF00  }
0x88: {  	[tilespmem:s25], [sflag:$0x5] =	stream.indirect.gather [hbm4b:s3+s20], $0x10, s2, s20, $0xb8;
	[tilespmem:$0x3C00] =	vst v63  }
0x89: {  	_ =	swait.ge [sflag:s31], $0x800  }
0x8a: {  	[sflag:s31] =	ssyncset.done $0x0  }
0x8b: {  	s8 =	sadd.s32 $0x2, s8;
	s16 =	rddreg [dreg:$0x4];
	[sflag:s31] =	ssyncadd.s32 $0xFFFFF800  }
0x8c: {  	[spmem:s1] =	stream.indirect.scatter.add.f32 [tilespmem:s28], [sflag:$0x7], $0x10, s16, s20, $0xb8;
	[tilespmem:$0x3C00] =	vst v63  }
0x8d: {  	p1 =	sne.s32 s8, $0x27;
	_ =	swait.ge [sflag:s19], $0x800  }
.Ltmp0:
0x8e: {  	[sflag:s19] =	ssyncset.done $0x0;
	(pc) =	sbr.rel @p1 .LBB2_2-.Ltmp0, $4  }
0x8f: {  	s16 =	simm.s32 @!p2 $0x300;
	[sflag:s19] =	ssyncadd.s32 $0xFFFFF800  }
0x90: {  	[tilespmem:s16], [sflag:$0x4] =	stream.strided.gather @!p2 [hbm4b:s11+s13], $0x100, s14, s13, $0x38;
	[tilespmem:$0x3C00] =	vst v63  }
0x91: {  	s10 =	sadd.s32 $0x40, s10;
	_ =	swait.ge [sflag:s26], $0x100  }
0x92: {  	s9 =	sadd.s32 $0x40, s9;
	s11 =	sadd.s32 $0x40, s11;
	[sflag:s26] =	ssyncset.done $0x0  }
0x93: {  	[sflag:s26] =	ssyncadd.s32 $0xFFFFFF00  }
0x94: {  	[tilespmem:s28], [sflag:$0x6] =	stream.indirect.gather [hbm4b:s3+s20], $0x10, s22, s20, $0xb8;
	[tilespmem:$0x3C00] =	vst v63  }
0x95: {  	_ =	swait.ge [sflag:s29], $0x800  }
0x96: {  	[sflag:s29] =	ssyncset.done $0x0  }
0x97: {  	[sflag:s29] =	ssyncadd.s32 $0xFFFFF800  }
0x98: {  	[spmem:s1] =	stream.indirect.scatter.add.f32 [tilespmem:s25], [sflag:$0x7], $0x10, s20, s20, $0xb8;
	[tilespmem:$0x3C00] =	vst v63  }
0x99: {  	_ =	swait.ge [sflag:s19], $0x800  }
0x9a: {  	[sflag:s19] =	ssyncset.done $0x0  }
0x9b: {  	[sflag:s19] =	ssyncadd.s32 $0xFFFFF800  }
0x9c: {  	_ =	swait.ge [sflag:s31], $0x800  }
0x9d: {  	[sflag:s31] =	ssyncset.done $0x0  }
0x9e: {  	[sflag:s31] =	ssyncadd.s32 $0xFFFFF800  }
0x9f: {  	[spmem:s1] =	stream.indirect.scatter.add.f32 [tilespmem:s28], [sflag:$0x7], $0x10, s0, s20, $0xb8;
	[tilespmem:$0x3C00] =	vst v63  }
0xa0: {  	_ =	swait.ge [sflag:s19], $0x800  }
0xa1: {  	s8 =	simm.s32 @!p0 $0x80;
	s9 =	simm.s32 @!p0 $0x4E200;
	[sflag:s19] =	ssyncset.done $0x0  }
0xa2: {  	s10 =	simm.s32 @!p0 $0x0;
	s11 =	rddreg [dreg:$0xa];
	[sflag:s19] =	ssyncadd.s32 $0xFFFFF800  }
0xa3: {  	[tilespmem:s10], [sflag:$0x7] =	stream.strided.gather @!p0 [hbm4b:s11+s8], $0x100, s9, s8, $0x38;
	[tilespmem:$0x3C00] =	vst v63  }
0xa4: {  	s9 =	simm.s32 @!p0 $0x7  }
0xa5: {  	_ =	swait.ge @!p0 [sflag:s9], $0x100  }
0xa6: {  	[sflag:s9] =	ssyncset.done @!p0 $0x0  }
0xa7: {  	s11 =	simm.s32 @!p0 $0x400;
	[sflag:s9] =	ssyncadd.s32 @!p0 $0xFFFFFF00  }
0xa8: {  	[tilespmem:s11], [sflag:$0x5] =	stream.indirect.gather @!p0 [hbm4b:s3+s8], $0x10, s10, s8, $0xb8;
	[tilespmem:$0x3C00] =	vst v63  }
0xa9: {  	s10 =	simm.s32 @!p0 $0x5  }
0xaa: {  	_ =	swait.ge @!p0 [sflag:s10], $0x800  }
0xab: {  	[sflag:s10] =	ssyncset.done @!p0 $0x0  }
0xac: {  	[sflag:s10] =	ssyncadd.s32 @!p0 $0xFFFFF800  }
0xad: {  	[spmem:s1] =	stream.indirect.scatter.add.f32 @!p0 [tilespmem:s11], [sflag:$0x7], $0x10, s8, s8, $0xb8;
	[tilespmem:$0x3C00] =	vst v63  }
0xae: {  	_ =	swait.ge @!p0 [sflag:s9], $0x800  }
0xaf: {  	[sflag:s9] =	ssyncset.done @!p0 $0x0  }
0xb0: {  	[sflag:s9] =	ssyncadd.s32 @!p0 $0xFFFFF800  }
0xb1: {  	[bflag:$0x0] =	sbarrier.arrive $0xFFFF  }
0xb2: {  	s15 =	rddreg [dreg:$0xd]  }
0xb3: {  	[hbm:s15], [sflag:s12] =	dma.local [spmem:s7], $0x500  }
0xb4: {  	_ =	swait.ge [sflag:s19], $0x500  }
0xb5: {  	s6 =	sadd.s32 $0x1, s6;
	s16 =	rddreg [dreg:$0xb]  }
0xb6: {  	p1 =	sne.s32 s6, s16  }
.Ltmp1:
0xb7: {  	_ = 	snop;
	(pc) =	sbr.rel @p1 .LBB2_1-.Ltmp1, $3  }
0xb8: {  	_ =	sdelay $0x1  }
0xb9: {  	[sflag:s19] =	ssyncset.done $0x0  }
0xba: {  	s9 =	smov.u32 s12;
	[sflag:s19] =	ssyncadd.s32 $0xFFFFFB00  }
0xbb: {  	_ =	sfence.sel $0x180000  }
0xbc: {  	[bflag:$0x0] =	sbarrier.arrive $0xFFFF  }
0xbd: {  	_ =	strace $0x9000004D  }
0xbe: {  	s0 =	stileid.u32;
	[bflag:$0x2] =	sbarrier.arrive $0xFFFF  }
0xbf: {  	p0 =	sne.s32 s0, $0x0;
	s0 =	rddreg [dreg:$0x2]  }
0xc0: {  	s0 =	sadd.s32 @!p0 $0x100000, s0  }
0xc1: {  	[sflag:s0] =	ssyncadd.tile.s32 @!p0 $0x1;
	_ =	shalt  }
.Lfunc_end2:
_tile_overlayer_lowered:
.L_overlay_start_2:
0xc2: {  	(tag) =	ssettag $0x2  }
0xc3: {  	s0 =	rddreg [dreg:$0x0];
	s2 =	stileid.u32  }
0xc4: {  	s1 =	rddreg [dreg:$0x1];
	p0 =	sne.s32 s2, $0x0  }
0xc5: {  	s3 =	rddreg [dreg:$0x2];
	[bflag:$0x3] =	sbarrier.arrive $0xFFFF;
	s2 =	simm.s32 @!p0 $0x1C07  }
0xc6: {  	[timem:s3], [sflag:s2] =	dma.local @!p0 [hbm:s0], s1  }
0xc7: {  	s0 =	simm.s32 @!p0 $0x7  }
0xc8: {  	_ =	swait.ge @!p0 [sflag:s0], s1  }
0xc9: {  	s1 =	ssub.s32 @!p0 $0x0, s1;
	[sflag:s0] =	ssyncset.done @!p0 $0x0  }
0xca: {  	[sflag:s0] =	ssyncadd.s32 @!p0 s1  }
0xcb: {  	[bflag:$0x3] =	sbarrier.arrive $0xFFFF  }
0xcc: {  	_ =	shalt  }

// kernel: kernel.8.cloned.1.call-start
scs
__scs_entry_jumppad:
0x0: {  	(pc) =	sbr.rel $0x88, $3  }
0x1: {  	(tag) =	ssettag $0x0;
	lr =	simm.s32 $0x1  }
0x2: {  	[smem:$0x3F9B] =	sst lr;
	_ =	strace $0xD0000000  }
0x3: {  	_ = 	snop  }
0x4: {  	_ = 	snop  }
0x5: {  	_ = 	snop  }
0x6: {  	_ = 	snop  }
0x7: {  	_ = 	snop  }
__scs_overlays_trampoline_lowered:
0x8: {  	[smem:$0x3FAA] =	sst s0  }
0x9: {  	[smem:$0x3FAB] =	sst s1  }
0xa: {  	[smem:$0x3FAC] =	sst s2  }
0xb: {  	[smem:$0x3FAD] =	sst s3  }
0xc: {  	[smem:$0x3FAE] =	sst s4  }
0xd: {  	[smem:$0x3FAF] =	sst s5  }
0xe: {  	[smem:$0x3FB0] =	sst s6  }
0xf: {  	[smem:$0x3FB1] =	sst s7  }
0x10: {  	[smem:$0x3FB2] =	sst s8  }
0x11: {  	[smem:$0x3FB3] =	sst s9;
	s0 =	simm.s32 @!p0 $0x0  }
0x12: {  	s1 =	sld [smem:$0x3F99];
	s0 =	simm.s32 @p0 $0x1  }
0x13: {  	[smem:$0x3FB4] =	sst s0;
	s0 =	simm.s32 @!p1 $0x0  }
0x14: {  	s2 =	sld [smem:$0x3F98];
	s0 =	simm.s32 @p1 $0x1  }
0x15: {  	[smem:$0x3FB5] =	sst s0;
	s0 =	simm.s32 @!p2 $0x0  }
0x16: {  	s3 =	sld [smem:$0x3FDB];
	s0 =	simm.s32 @p2 $0x1  }
0x17: {  	s4 =	simm.s32 $0x1BF5;
	[smem:$0x3FB7] =	sst s0  }
0x18: {  	s0 =	sld [smem:$0x3F9A];
	_ =	swait.ge [sflag:s4], $0x0  }
0x19: {  	s7 =	sld [smem:$0x3F9B]  }
0x1a: {  	s8 =	sadd.s32 $0xFFFFE003, lr  }
0x1b: {  	s9 =	sadd.s32 $0xFFFFFEF7, lr;
	s5 =	simm.s32 $0xFFFFFFFF;
	p2 =	slt.u32 s8, $0xFFFFF086  }
0x1c: {  	p1 =	slt.u32 s9, $0xF7A;
	s5 =	simm.s32 @!p2 $0x0  }
0x1d: {  	s5 =	simm.s32 @p1 $0x1;
	p0 =	seq.s32 s7, s2  }
0x1e: {  	s7 =	smul.u32 @!p0 $0xF7A, s2;
	p2 =	seq.s32 @!p0 s5, $0x0  }
0x1f: {  	s9 =	smul.u32 $0xF7A, s1;
	s8 =	simm.s32 @!p0 $0x1BF5;
	p2 =	por !p2, p0  }
0x20: {  	[sflag:s8] =	ssyncset.s32 @!p0 $0xFFFFF086;
	s6 =	sadd.s32 @!p0 s3, s7;
	s7 =	simm.s32 @!p0 $0x108  }
0x21: {  	s3 =	sadd.s32 s3, s9;
	s6 =	sadd.s32 @!p0 $0x88, s6;
	s7 =	simm.s32 @p2 $0x1082  }
0x22: {  	[simem:s7], [sflag:s8] =	dma.local @!p0 [hbm:s6], $0xF7A  }
0x23: {  	s9 =	sor.u32 $0xD0000000, s2;
	s6 =	simm.s32 $0x108;
	_ =	swait.ge @!p0 [sflag:s8], $0x0  }
0x24: {  	s3 =	sadd.s32 $0x88, s3;
	s6 =	simm.s32 @!p1 $0x1082;
	[sflag:s4] =	ssyncset.s32 $0xFFFFF086  }
0x25: {  	[simem:s6], [sflag:s4] =	dma.local [hbm:s3], $0xF7A  }
0x26: {  	[smem:$0x3F9B] =	sst s1;
	(tag) =	ssettag s2;
	_ =	strace s9  }
0x27: {  	s1 =	sld [smem:$0x3FAB]  }
0x28: {  	s2 =	sld [smem:$0x3FAC]  }
0x29: {  	s4 =	sld [smem:$0x3FAE]  }
0x2a: {  	p0 =	seq.s32 s5, $0x0;
	s5 =	sld [smem:$0x3FAF]  }
0x2b: {  	s6 =	sld [smem:$0x3FB0]  }
0x2c: {  	s7 =	sld [smem:$0x3FB1]  }
0x2d: {  	s3 =	simm.s32 $0x108;
	s8 =	sld [smem:$0x3FB2]  }
0x2e: {  	s3 =	simm.s32 @!p0 $0x1082;
	s9 =	sld [smem:$0x3FB3]  }
0x2f: {  	lr =	sadd.s32 s0, s3;
	s0 =	sld [smem:$0x3FAA]  }
0x30: {  	s3 =	sld [smem:$0x3FAD]  }
0x31: {  	[smem:$0x3FB6] =	sst s10  }
0x32: {  	s10 =	sld [smem:$0x3FB4];
	_ =	sdelay $0x3  }
0x33: {  	p0 =	seq.s32 s10, $0x1;
	s10 =	sld [smem:$0x3FB6];
	_ =	sdelay $0x3  }
0x34: {  	[smem:$0x3FB6] =	sst s10  }
0x35: {  	s10 =	sld [smem:$0x3FB5];
	_ =	sdelay $0x3  }
0x36: {  	p1 =	seq.s32 s10, $0x1;
	s10 =	sld [smem:$0x3FB6];
	_ =	sdelay $0x3  }
0x37: {  	[smem:$0x3FB6] =	sst s10  }
0x38: {  	s10 =	sld [smem:$0x3FB7]  }
0x39: {  	_ = 	snop;
	(pc) =	sbr.ind lr, $3  }
0x3a: {  	_ = 	snop  }
0x3b: {  	_ = 	snop  }
0x3c: {  	p2 =	seq.s32 s10, $0x1;
	s10 =	sld [smem:$0x3FB6]  }
0x3d: {  	_ =	shalt  }
0x3e: {  	_ =	shalt  }
0x3f: {  	_ =	shalt  }
0x40: {  	_ =	shalt  }
0x41: {  	_ =	shalt  }
0x42: {  	_ =	shalt  }
0x43: {  	_ =	shalt  }
0x44: {  	_ =	shalt  }
0x45: {  	_ =	shalt  }
0x46: {  	_ =	shalt  }
0x47: {  	_ =	shalt  }
0x48: {  	_ =	shalt  }
0x49: {  	_ =	shalt  }
0x4a: {  	_ =	shalt  }
0x4b: {  	_ =	shalt  }
0x4c: {  	_ =	shalt  }
0x4d: {  	_ =	shalt  }
0x4e: {  	_ =	shalt  }
0x4f: {  	_ =	shalt  }
0x50: {  	_ =	shalt  }
0x51: {  	_ =	shalt  }
0x52: {  	_ =	shalt  }
0x53: {  	_ =	shalt  }
0x54: {  	_ =	shalt  }
0x55: {  	_ =	shalt  }
0x56: {  	_ =	shalt  }
0x57: {  	_ =	shalt  }
0x58: {  	_ =	shalt  }
0x59: {  	_ =	shalt  }
0x5a: {  	_ =	shalt  }
0x5b: {  	_ =	shalt  }
0x5c: {  	_ =	shalt  }
0x5d: {  	_ =	shalt  }
0x5e: {  	_ =	shalt  }
0x5f: {  	_ =	shalt  }
0x60: {  	_ =	shalt  }
0x61: {  	_ =	shalt  }
0x62: {  	_ =	shalt  }
0x63: {  	_ =	shalt  }
0x64: {  	_ =	shalt  }
0x65: {  	_ =	shalt  }
0x66: {  	_ =	shalt  }
0x67: {  	_ =	shalt  }
0x68: {  	_ =	shalt  }
0x69: {  	_ =	shalt  }
0x6a: {  	_ =	shalt  }
0x6b: {  	_ =	shalt  }
0x6c: {  	_ =	shalt  }
0x6d: {  	_ =	shalt  }
0x6e: {  	_ =	shalt  }
0x6f: {  	_ =	shalt  }
0x70: {  	_ =	shalt  }
0x71: {  	_ =	shalt  }
0x72: {  	_ =	shalt  }
0x73: {  	_ =	shalt  }
0x74: {  	_ =	shalt  }
0x75: {  	_ =	shalt  }
0x76: {  	_ =	shalt  }
0x77: {  	_ =	shalt  }
0x78: {  	_ =	shalt  }
0x79: {  	_ =	shalt  }
0x7a: {  	_ =	shalt  }
0x7b: {  	_ =	shalt  }
0x7c: {  	_ =	shalt  }
0x7d: {  	_ =	shalt  }
0x7e: {  	_ =	shalt  }
0x7f: {  	_ =	shalt  }
0x80: {  	_ =	shalt  }
0x81: {  	_ =	shalt  }
0x82: {  	_ =	shalt  }
0x83: {  	_ =	shalt  }
0x84: {  	_ =	shalt  }
0x85: {  	_ =	shalt  }
0x86: {  	_ =	shalt  }
0x87: {  	_ =	shalt  }
.Lfunc_end0:
.L_simem_size_0:
called_computation_lowered:
.L_overlay_start_0:
0x88: {  	s2 =	sld [smem:$0x3FD9]  }
0x89: {  	s3 =	sld [smem:$0x3FFE];
	_ =	sdelay $0x1  }
0x8a: {  	s1 =	srdreg.scid  }
0x8b: {  	s0 =	sand.u32 $0x1, s1  }
0x8c: {  	s17 =	sshll.u32 s0, $0xA;
	s2 =	sadd.s32 s3, s2  }
0x8d: {  	s2 =	sadd.s32 s2, s17  }
0x8e: {  	[smem:$0x3FC2] =	sst s2  }
0x8f: {  	_ = 	snop  }
0x90: {  	s2 =	sld [smem:$0x3FC8]  }
0x91: {  	s18 =	sld [smem:$0x3FD0];
	(tm) =	ssettm $0x1  }
0x92: {  	s4 =	sld [smem:$0x3FFB];
	_ =	sdelay $0x3  }
0x93: {  	_ =	strace s4  }
0x94: {  	s4 =	sld [smem:$0x3FFC];
	_ =	sdelay $0x3  }
0x95: {  	_ =	strace s4  }
0x96: {  	s4 =	sld [smem:$0x3FFD];
	_ =	sdelay $0x3  }
0x97: {  	_ =	strace s4  }
0x98: {  	_ =	strace $0x8FFFFFFF  }
0x99: {  	s19 =	sld [smem:$0x3FDB];
	_ =	sdelay $0x1  }
0x9a: {  	s5 =	simm.s32 $_scs_section_size  }
0x9b: {  	s6 =	simm.s32 $_size__tile_overlayer_lowered;
	s7 =	simm.s32 $_tile_overlayer_lowered  }
0x9c: {  	s22 =	simm.s32 $0x1BFF;
	s21 =	sshll.u32 s7, $0x1;
	s4 =	sadd.s32 s5, s19  }
0x9d: {  	s8 =	simm.s32 $0x0;
	s20 =	sshll.u32 s6, $0x1;
	s6 =	sadd.s32 s21, s4  }
0x9e: {  	[timem:s8], [sflag:s22] =	dma.local [hbm:s6], s20  }
0x9f: {  	_ =	swait.ge [sflag:s22], s20  }
0xa0: {  	s5 =	ssub.s32 $0x0, s20;
	[sflag:s22] =	ssyncset.done $0x0  }
0xa1: {  	[sflag:s22] =	ssyncadd.s32 s5;
	_ =	sdelay $0x1  }
0xa2: {  	s23 =	simm.s32 $0x1B8B  }
0xa3: {  	_ =	swait.ge [sflag:s23], $0x1  }
0xa4: {  	[sflag:s23] =	ssyncset.done $0x0  }
0xa5: {  	s25 =	simm.s32 $0x1B8E;
	s24 =	sld [smem:$0x3FFE];
	[sflag:s23] =	ssyncadd.s32 $0xFFFFFFFF  }
0xa6: {  	s26 =	simm.s32 $execute0_lowered;
	[smem:$0x3FD2] =	sst s25  }
0xa7: {  	s6 =	sshll.u32 s26, $0x1;
	_ =	strace $0x80000046;
	[dreg:$0x1] =	wrdreg $0xFFFFFFFF  }
0xa8: {  	s28 =	simm.s32 $_size_execute0_lowered;
	s4 =	sadd.s32 s4, s6;
	[dreg:$0x0] =	wrdreg $0x0  }
0xa9: {  	s6 =	sshll.u32 s28, $0x1;
	[dreg:$0x2] =	wrdreg s4  }
0xaa: {  	[dreg:$0x3] =	wrdreg s6  }
0xab: {  	[dreg:$0x4] =	wrdreg $0xC0  }
0xac: {  	_ =	task [dreg:s8], $0x5FFFF  }
0xad: {  	[dreg:$0x1] =	wrdreg $0xFFFFFFFF  }
0xae: {  	[dreg:$0x0] =	wrdreg $0x60  }
0xaf: {  	[dreg:$0x2] =	wrdreg s2  }
0xb0: {  	[dreg:$0x3] =	wrdreg s18  }
0xb1: {  	[dreg:$0x4] =	wrdreg s24  }
0xb2: {  	[dreg:$0x5] =	wrdreg $0x4E800  }
0xb3: {  	[dreg:$0x6] =	wrdreg $0x9  }
0xb4: {  	_ =	task.clear_ibuf [dreg:s8], $0x7FFFF;
	_ =	strace $0x90000046  }
0xb5: {  	s29 =	simm.s32 $0x9;
	_ =	strace $0x80000048  }
0xb6: {  	_ =	swait.ge [sflag:s29], $0x1  }
0xb7: {  	[sflag:s29] =	ssyncadd.s32 $0xFFFFFFFF  }
0xb8: {  	_ =	strace $0x90000048  }
0xb9: {  	_ =	sfence  }
0xba: {  	s30 =	sld [smem:$0x0];
	_ =	sdelay $0x2  }
0xbb: {  	s31 =	sshll.u32 s1, $0xD;
	s1 =	sshrl.u32 s1, $0x2  }
0xbc: {  	s3 =	sand.u32 $0x4000, s31;
	s1 =	sadd.s32 s1, s30  }
0xbd: {  	s0 =	sor.u32 s3, s0;
	s1 =	sshll.u32 s1, $0x11  }
0xbe: {  	s0 =	sor.u32 s1, s0  }
0xbf: {  	s0 =	sadd.s32 $0x8F2B, s0  }
0xc0: {  	[sflag:s0] =	ssyncadd.remote.s32 $0x1  }
0xc1: {  	_ =	sfence.sel $0xFFFF  }
0xc2: {  	[dreg:$0x0] =	wrdreg $0xFFFFFFFF;
	(pc) =	sbr.abs _section_cstart, $3  }
0xc3: {  	[dreg:$0x1] =	wrdreg $0xFFFFFFFF  }
0xc4: {  	_ =	task.clear_ibuf [dreg:s8], $0x2FFFF;
	_ =	strace $0x9FFFFFFF  }
0xc5: {  	(tm) =	ssettm $0x7FFFFFFF  }
tec
execute0_lowered:
.L_overlay_start_1:
0x0: {  	(tag) =	ssettag $0x1  }
0x1: {  	s8 =	rddreg [dreg:$0x0]  }
0x2: {  	s5 =	rddreg [dreg:$0x1]  }
0x3: {  	s6 =	rddreg [dreg:$0x2]  }
0x4: {  	s2 =	rddreg [dreg:$0x3]  }
0x5: {  	s0 =	rddreg [dreg:$0x4];
	s4 =	srdreg.scid  }
0x6: {  	s1 =	stileid.u32;
	s3 =	simm.s32 $0x0;
	s14 =	simm.s32 $0x80  }
0x7: {  	s16 =	simm.s32 $0x10;
	s17 =	simm.s32 $0x0;
	s9 =	smul.u32 $0x500, s1  }
0x8: {  	s7 =	sand.u32 $0x1, s4;
	[smem:$0x7FF] =	sst s3;
	s11 =	smul.u32 $0x280, s1  }
0x9: {  	s4 =	sadd.s32 $0x2400, s6;
	s26 =	sshll.u32 s1, $0x5;
	s29 =	smul.u32 $0x9C0, s1  }
0xa: {  	s31 =	sshll.u32 s1, $0x6;
	s10 =	sshll.u32 s7, $0x7;
	_ =	strace $0x80000047  }
0xb: {  	s22 =	ssub.s32 $0x2, s7;
	s12 =	sshll.u32 s7, $0x4;
	s13 =	smul.u32 $0x9C00, s7  }
0xc: {  	s28 =	sadd.s32 s26, s8;
	s9 =	sor.u32 s10, s9;
	s23 =	sshrl.u32 s22, $0x1  }
0xd: {  	s15 =	sor.u32 s1, s12;
	s24 =	sadd.s32 s11, s2;
	s25 =	sshrl.u32 s11, $0x3  }
0xe: {  	s11 =	sor.u32 $0x1C02, s31;
	s9 =	sshrl.u32 s9, $0x3;
	s10 =	ssub.s32 s22, s23  }
0xf: {  	s5 =	sadd.s32 s5, s25;
	s30 =	sadd.s32 s13, s8;
	s12 =	sshrl.u32 s24, $0x3  }
0x10: {  	s13 =	simm.s32 $0x1;
	p0 =	sgt.u32 s15, $0x3;
	s15 =	simm.s32 $0x20  }
0x11: {  	s9 =	sadd.s32 s9, s6;
	s6 =	sadd.s32 $0x13800, s28;
	s8 =	smax.u32 s10, $0x1  }
0x12: {  	s10 =	simm.s32 $0x2;
	s7 =	sadd.s32 $0x2600, s9;
	s9 =	sadd.s32 s29, s30  }
.LBB2_1:
0x13: {  	[tilespmem:s3], [sflag:$0x2] =	stream.linear.gather [hbm4b:s4+s3], $0x80, $0x38;
	[tilespmem:$0x5100] =	vst v63  }
0x14: {  	_ =	swait.ge [sflag:s10], $0x80  }
0x15: {  	[sflag:s10] =	ssyncset.done $0x0  }
0x16: {  	[sflag:s10] =	ssyncadd.s32 $0xFFFFFF80  }
0x17: {  	[spmem:s12], [sflag:s11] =	dma.local [hbm:s5], $0x50  }
0x18: {  	_ =	swait.ge [sflag:s10], $0x50  }
0x19: {  	s18 =	simm.s32 $0x20;
	s21 =	sadd.s32 $0x0, s9;
	[sflag:s10] =	ssyncset.done $0x0  }
0x1a: {  	s19 =	simm.s32 $0x180;
	s20 =	simm.s32 $0x80;
	[sflag:s10] =	ssyncadd.s32 $0xFFFFFFB0  }
.LBB2_2:
0x1b: {  	[tilespmem:s20], [sflag:$0x1] =	stream.linear.gather [hbm4b:s21+s3], $0x100, $0x38;
	[tilespmem:$0x5100] =	vst v63  }
0x1c: {  	s21 =	smov.u32 s18;
	s20 =	smov.u32 s19;
	p1 =	sne.s32 s18, $0x9A0  }
.Ltmp0:
0x1d: {  	s18 =	sadd.s32 $0x20, s18;
	(pc) =	sbr.rel @p1 .LBB2_2-.Ltmp0, $2  }
0x1e: {  	_ =	sdelay $0x2  }
0x1f: {  	s19 =	sadd.s32 $0x100, s19;
	s21 =	sadd.s32 s21, s9  }
0x20: {  	[tilespmem:s20], [sflag:$0x1] =	stream.linear.gather [hbm4b:s21+s3], $0x100, $0x38;
	[tilespmem:$0x5100] =	vst v63  }
0x21: {  	s18 =	simm.s32 $0x4E;
	[bflag:$0x0] =	sbarrier.arrive $0xFFFF  }
.LBB2_4:
0x22: {  	p1 =	sne.s32 s18, $0x1  }
.Ltmp1:
0x23: {  	_ = 	snop;
	(pc) =	sbr.rel @p1 .LBB2_4-.Ltmp1, $4  }
0x24: {  	_ = 	snop  }
0x25: {  	_ =	swait.ge [sflag:s13], $0x100  }
0x26: {  	[sflag:s13] =	ssyncset.done $0x0  }
0x27: {  	s18 =	sadd.s32 $0xFFFFFFFF, s18;
	[sflag:s13] =	ssyncadd.s32 $0xFFFFFF00  }
0x28: {  	s18 =	simm.s32 $0x100  }
0x29: {  	[spmem:s2] =	stream.indirect.scatter.add.f32 [tilespmem:s3], [sflag:$0x2], $0x1, s18, s14, $0xb8;
	[tilespmem:$0x5100] =	vst v63  }
0x2a: {  	s18 =	simm.s32 $0x600;
	_ =	swait.ge [sflag:s10], $0x80  }
.LBB2_6:
0x2b: {  	s19 =	sshra.s32 s18, $0x2;
	[sflag:s10] =	ssyncset.done $0x0;
	p1 =	sne.s32 s18, $0x13600  }
.Ltmp2:
0x2c: {  	s19 =	sadd.s32 $0x80, s19;
	[sflag:s10] =	ssyncadd.s32 $0xFFFFFF80;
	(pc) =	sbr.rel @p1 .LBB2_6-.Ltmp2, $3  }
0x2d: {  	[spmem:s2] =	stream.indirect.scatter.add.f32 [tilespmem:s3], [sflag:$0x2], $0x1, s19, s14, $0xb8;
	[tilespmem:$0x5100] =	vst v63  }
0x2e: {  	s18 =	sadd.s32 $0x400, s18;
	_ =	sdelay $0x1  }
0x2f: {  	_ =	swait.ge [sflag:s10], $0x80  }
0x30: {  	[sflag:s10] =	ssyncset.done $0x0;
	s18 =	simm.s32 @!p0 $0x0  }
0x31: {  	s19 =	simm.s32 @!p0 $0x80;
	s20 =	simm.s32 @!p0 $0x2;
	[sflag:s10] =	ssyncadd.s32 $0xFFFFFF80  }
0x32: {  	[tilespmem:s19], [sflag:$0x2] =	stream.linear.gather @!p0 [hbm4b:s6+s18], $0x100, $0x38;
	[tilespmem:$0x5100] =	vst v63  }
0x33: {  	_ =	swait.ge @!p0 [sflag:s20], $0x100  }
0x34: {  	[sflag:s20] =	ssyncset.done @!p0 $0x0  }
0x35: {  	s21 =	simm.s32 @!p0 $0x100;
	[sflag:s20] =	ssyncadd.s32 @!p0 $0xFFFFFF00  }
0x36: {  	[spmem:s2] =	stream.indirect.scatter.add.f32 @!p0 [tilespmem:s18], [sflag:$0x2], $0x1, s21, s19, $0xb8;
	[tilespmem:$0x5100] =	vst v63  }
0x37: {  	_ =	swait.ge @!p0 [sflag:s20], $0x80  }
0x38: {  	s17 =	sadd.s32 $0x1, s17;
	[sflag:s20] =	ssyncset.done @!p0 $0x0  }
0x39: {  	p1 =	sne.s32 s17, s8;
	[sflag:s20] =	ssyncadd.s32 @!p0 $0xFFFFFF80  }
.Ltmp3:
0x3a: {  	[bflag:$0x0] =	sbarrier.arrive $0xFFFF;
	(pc) =	sbr.rel @p1 .LBB2_1-.Ltmp3, $4  }
0x3b: {  	[hbm:s7@s15], [sflag:s11] =	dma.strided [spmem:s12@s16], $0x50, s13, $0x10   }
0x3c: {  	_ =	swait.ge [sflag:s10], $0x50  }
0x3d: {  	[sflag:s10] =	ssyncset.done $0x0  }
0x3e: {  	[sflag:s10] =	ssyncadd.s32 $0xFFFFFFB0  }
0x3f: {  	_ =	sfence.sel $0x180000  }
0x40: {  	[bflag:$0x0] =	sbarrier.arrive $0xFFFF  }
0x41: {  	p0 =	sne.s32 s1, $0x0;
	_ =	strace $0x90000047  }
0x42: {  	s0 =	sadd.s32 @!p0 $0x100000, s0;
	[bflag:$0x2] =	sbarrier.arrive $0xFFFF  }
0x43: {  	[sflag:s0] =	ssyncadd.tile.s32 @!p0 $0x1;
	_ =	shalt  }
.Lfunc_end2:
_tile_overlayer_lowered:
.L_overlay_start_2:
0x44: {  	(tag) =	ssettag $0x2  }
0x45: {  	s0 =	rddreg [dreg:$0x0];
	s2 =	stileid.u32  }
0x46: {  	s1 =	rddreg [dreg:$0x1];
	p0 =	sne.s32 s2, $0x0  }
0x47: {  	s3 =	rddreg [dreg:$0x2];
	[bflag:$0x3] =	sbarrier.arrive $0xFFFF;
	s2 =	simm.s32 @!p0 $0x1C02  }
0x48: {  	[timem:s3], [sflag:s2] =	dma.local @!p0 [hbm:s0], s1  }
0x49: {  	s0 =	simm.s32 @!p0 $0x2  }
0x4a: {  	_ =	swait.ge @!p0 [sflag:s0], s1  }
0x4b: {  	s1 =	ssub.s32 @!p0 $0x0, s1;
	[sflag:s0] =	ssyncset.done @!p0 $0x0  }
0x4c: {  	[sflag:s0] =	ssyncadd.s32 @!p0 s1  }
0x4d: {  	[bflag:$0x3] =	sbarrier.arrive $0xFFFF  }
0x4e: {  	_ =	shalt  }

</sc_bundles>
